<compile_context>
chip_gen: v7x
topology: tpu7x:2x2x1
jax: 0.10.2.dev20260603
libtpu: 0.0.44.dev20260713+nightly
codegen_flags: <defaults>
</compile_context>

<pallas_src>
import functools

import jax
import jax.numpy as jnp
from jax import lax
from jax.experimental import pallas as pl
from jax.experimental.pallas import tpu as pltpu
from jax.experimental.pallas import tpu_sc as plsc

NUM_TOKENS = 16384
MODEL_DIM = 2048
NUM_EXPERTS = 64
LANES = 16
NUM_CORES = 2
NUM_SUBCORES = 16
NUM_WORKERS = NUM_CORES * NUM_SUBCORES

SC_TOKENS = 8192
TC_TOKENS = NUM_TOKENS - SC_TOKENS
SLAB = SC_TOKENS // NUM_WORKERS
GROUPS = SLAB // LANES
TOKEN_BLOCK = 1024
SC_STEPS = SC_TOKENS // TOKEN_BLOCK
TC_STEPS = TC_TOKENS // TOKEN_BLOCK


def _dot(w, x):
    return lax.dot_general(
        w, x,
        dimension_numbers=(((1,), (1,)), ((), ())),
        preferred_element_type=jnp.float32,
        precision=lax.Precision.DEFAULT,
    )


def _matmul_body(w_ref, x_ref, out_ref):
    out_ref[...] = _dot(w_ref[...], x_ref[...])


def _gate_scores_sc(x, w_gate):
    return pl.pallas_call(
        _matmul_body,
        grid=(SC_STEPS,),
        in_specs=[
            pl.BlockSpec((NUM_EXPERTS, MODEL_DIM), lambda i: (0, 0)),
            pl.BlockSpec((TOKEN_BLOCK, MODEL_DIM), lambda i: (i, 0)),
        ],
        out_specs=pl.BlockSpec((NUM_EXPERTS, TOKEN_BLOCK), lambda i: (0, i)),
        out_shape=jax.ShapeDtypeStruct(
            (NUM_EXPERTS, SC_TOKENS), jnp.float32),
    )(w_gate, x)


def _tc_router_body(w_ref, x_ref, g1_ref, g2_ref, i1_ref, i2_ref):
    res = _dot(w_ref[...], x_ref[...])
    eiota = lax.broadcasted_iota(jnp.int32, res.shape, 0)
    m1 = jnp.max(res, axis=0)
    i1 = jnp.min(jnp.where(res == m1[None, :], eiota, NUM_EXPERTS), axis=0)
    masked = jnp.where(eiota == i1[None, :], -jnp.inf, res)
    m2 = jnp.max(masked, axis=0)
    i2 = jnp.min(jnp.where(masked == m2[None, :], eiota, NUM_EXPERTS), axis=0)
    e2 = jnp.exp(m2 - m1)
    den = 1.0 + e2
    g1_ref[0, 0] = 1.0 / den
    g2_ref[0, 0] = e2 / den
    i1_ref[0, 0] = i1
    i2_ref[0, 0] = i2


def _tc_router(x, w_gate):
    base = SC_TOKENS // TOKEN_BLOCK
    out_spec = pl.BlockSpec((1, 1, TOKEN_BLOCK), lambda i: (i, 0, 0))
    return pl.pallas_call(
        _tc_router_body,
        grid=(TC_STEPS,),
        in_specs=[
            pl.BlockSpec((NUM_EXPERTS, MODEL_DIM), lambda i: (0, 0)),
            pl.BlockSpec((TOKEN_BLOCK, MODEL_DIM), lambda i: (base + i, 0)),
        ],
        out_specs=[out_spec, out_spec, out_spec, out_spec],
        out_shape=(
            jax.ShapeDtypeStruct((TC_STEPS, 1, TOKEN_BLOCK), jnp.float32),
            jax.ShapeDtypeStruct((TC_STEPS, 1, TOKEN_BLOCK), jnp.float32),
            jax.ShapeDtypeStruct((TC_STEPS, 1, TOKEN_BLOCK), jnp.int32),
            jax.ShapeDtypeStruct((TC_STEPS, 1, TOKEN_BLOCK), jnp.int32),
        ),
    )(w_gate, x)


def _sc_topk_body(scores_hbm, g1_hbm, g2_hbm, i1_hbm, i2_hbm,
                  sbuf, g1v, g2v, i1v, i2v):
    cid = lax.axis_index("c")
    sid = lax.axis_index("s")
    wid = sid * NUM_CORES + cid
    pltpu.sync_copy(scores_hbm.at[:, pl.ds(wid * SLAB, SLAB)], sbuf)

    def group(t, carry):
        base = t * LANES
        m1 = jnp.full((LANES,), -jnp.inf, jnp.float32)
        m2 = jnp.full((LANES,), -jnp.inf, jnp.float32)
        i1 = jnp.zeros((LANES,), jnp.int32)
        i2 = jnp.zeros((LANES,), jnp.int32)
        for e in range(NUM_EXPERTS):
            v = sbuf[e, pl.ds(base, LANES)]
            ev = jnp.full((LANES,), e, jnp.int32)
            gt1 = v > m1
            gt2 = v > m2
            i2 = jnp.where(gt1, i1, jnp.where(gt2, ev, i2))
            m2 = jnp.where(gt1, m1, jnp.where(gt2, v, m2))
            i1 = jnp.where(gt1, ev, i1)
            m1 = jnp.where(gt1, v, m1)
        e2 = jnp.exp(m2 - m1)
        den = 1.0 + e2
        sl = pl.ds(base, LANES)
        g1v[sl] = 1.0 / den
        g2v[sl] = e2 / den
        i1v[sl] = i1
        i2v[sl] = i2
        return carry

    lax.fori_loop(0, GROUPS, group, 0)

    rows = pl.ds(wid * SLAB, SLAB)
    pltpu.sync_copy(g1v, g1_hbm.at[rows])
    pltpu.sync_copy(g2v, g2_hbm.at[rows])
    pltpu.sync_copy(i1v, i1_hbm.at[rows])
    pltpu.sync_copy(i2v, i2_hbm.at[rows])


@functools.lru_cache(maxsize=1)
def _sc_topk():
    return pl.kernel(
        _sc_topk_body,
        out_type=(
            jax.ShapeDtypeStruct((SC_TOKENS,), jnp.float32),
            jax.ShapeDtypeStruct((SC_TOKENS,), jnp.float32),
            jax.ShapeDtypeStruct((SC_TOKENS,), jnp.int32),
            jax.ShapeDtypeStruct((SC_TOKENS,), jnp.int32),
        ),
        mesh=plsc.VectorSubcoreMesh(
            core_axis_name="c", subcore_axis_name="s",
            num_cores=NUM_CORES, num_subcores=NUM_SUBCORES),
        scratch_types=(
            pltpu.VMEM((NUM_EXPERTS, SLAB), jnp.float32),
            pltpu.VMEM((SLAB,), jnp.float32),
            pltpu.VMEM((SLAB,), jnp.float32),
            pltpu.VMEM((SLAB,), jnp.int32),
            pltpu.VMEM((SLAB,), jnp.int32),
        ),
    )


def kernel(x, W_gate):
    scores_sc = _gate_scores_sc(x, W_gate)
    sc_g1, sc_g2, sc_i1, sc_i2 = _sc_topk()(scores_sc)
    tc_g1, tc_g2, tc_i1, tc_i2 = (
        a.reshape(TC_TOKENS) for a in _tc_router(x, W_gate))
    g1 = jnp.concatenate([sc_g1, tc_g1])
    g2 = jnp.concatenate([sc_g2, tc_g2])
    i1 = jnp.concatenate([sc_i1, tc_i1])
    i2 = jnp.concatenate([sc_i2, tc_i2])
    top_k_gates = jnp.stack([g1, g2], axis=-1)
    top_k_indices = jnp.stack([i1, i2], axis=-1)
    return top_k_gates, top_k_indices

# --- scband reference (transcript-rebuilt; emitter-appended) ---
"""Pipeline reference for scband-standard-top-kgating-47433618817510 (READ-ONLY COPY).

The authoritative reference and input builder live on the scoring server;
editing this copy changes nothing except your own understanding.
"""

import jax, jax.numpy as jnp
import numpy as np

MODEL_DIM = 2048
NUM_EXPERTS = 64
TOP_K = 2
NUM_TOKENS = 16384


def setup_inputs(seed: int = 0) -> dict:
    key = jax.random.key(seed)
    k1, k2 = jax.random.split(key)
    x = jax.random.normal(k1, (NUM_TOKENS, MODEL_DIM), dtype=jnp.float32)
    # nn.Linear(model_dim, num_experts, bias=False) weight has shape [num_experts, model_dim]
    W_gate = jax.random.normal(k2, (NUM_EXPERTS, MODEL_DIM), dtype=jnp.float32) * (1.0 / np.sqrt(MODEL_DIM))
    return {"x": x, "W_gate": W_gate}


def reference(x, W_gate):
    # gate_scores = self.gate_projector(x)  -> x @ W.T
    gate_scores = jnp.dot(x, W_gate.T)  # [N, num_experts]
    # top_k_scores, top_k_indices = torch.topk(gate_scores, top_k, dim=-1)
    top_k_scores, top_k_indices = jax.lax.top_k(gate_scores, TOP_K)
    # top_k_gates = torch.softmax(top_k_scores, dim=-1)
    top_k_gates = jax.nn.softmax(top_k_scores, axis=-1)
    return top_k_gates, top_k_indices

if __name__ == "__main__":
    import jax
    _d = setup_inputs()
    print(jax.jit(kernel)(*tuple(_d.values())))

</pallas_src>

<mosaic_0001>
#map = affine_map<(d0, d1) -> (0, 0)>
#map1 = affine_map<(d0, d1) -> (0)>
module attributes {stable_mosaic.version = 14 : i64} {
  func.func @_sc_topk_body(%arg0: i32, %arg1: i32, %arg2: memref<64x8192xf32, #tpu.memory_space<hbm>>, %arg3: memref<8192xf32, #tpu.memory_space<hbm>>, %arg4: memref<8192xf32, #tpu.memory_space<hbm>>, %arg5: memref<8192xi32, #tpu.memory_space<hbm>>, %arg6: memref<8192xi32, #tpu.memory_space<hbm>>, %arg7: memref<64x256xf32, #tpu.memory_space<vmem>>, %arg8: memref<256xf32, #tpu.memory_space<vmem>>, %arg9: memref<256xf32, #tpu.memory_space<vmem>>, %arg10: memref<256xi32, #tpu.memory_space<vmem>>, %arg11: memref<256xi32, #tpu.memory_space<vmem>>) attributes {dimension_semantics = [#tpu.dimension_semantics<core_parallel>, #tpu.dimension_semantics<subcore_parallel>], iteration_bounds = array<i64: 2, 16>, scalar_prefetch = 0 : i64, scratch_operands = 5 : i64, tpu.core_type = #tpu.core_type<sc_vector_subcore>, window_params = [{transform_indices = #map}, {transform_indices = #map1}, {transform_indices = #map1}, {transform_indices = #map1}, {transform_indices = #map1}]} {
    %mul3A = arith.constant 2 : i32
    %mul3A_0 = arith.muli %arg1, %mul3A : i32
    %add3A = arith.addi %mul3A_0, %arg0 : i32
    %mul3A_1 = arith.constant 256 : i32
    %mul3A_2 = arith.muli %add3A, %mul3A_1 : i32
    "tpu.region"() ({
      %run_scoped3A = tpu.sem_alloc : memref<!tpu.dma_semaphore, #tpu.memory_space<semaphore_mem>>
      %dma_start3A = arith.constant 0 : i32
      %dma_start3A_10 = tpu.memref_slice %arg2[%dma_start3A, %mul3A_2] : memref<64x8192xf32, #tpu.memory_space<hbm>> -> memref<64x256xf32, #tpu.memory_space<hbm>>
      %dma_start3A_11 = arith.constant 0 : i32
      %dma_start3A_12 = tpu.memref_slice %arg2[%dma_start3A_11, %mul3A_2] : memref<64x8192xf32, #tpu.memory_space<hbm>> -> memref<64x256xf32, #tpu.memory_space<hbm>>
      tpu.enqueue_dma source(%dma_start3A_12 : memref<64x256xf32, #tpu.memory_space<hbm>>) target(%arg7 : memref<64x256xf32, #tpu.memory_space<vmem>>) target_semaphore(%run_scoped3A : memref<!tpu.dma_semaphore, #tpu.memory_space<semaphore_mem>>)
      %dma_wait3A = arith.constant 0 : i32
      %dma_wait3A_13 = tpu.memref_slice %arg2[%dma_wait3A, %mul3A_2] : memref<64x8192xf32, #tpu.memory_space<hbm>> -> memref<64x256xf32, #tpu.memory_space<hbm>>
      %dma_wait3A_14 = arith.constant 0 : i32
      %dma_wait3A_15 = tpu.memref_slice %arg2[%dma_wait3A_14, %mul3A_2] : memref<64x8192xf32, #tpu.memory_space<hbm>> -> memref<64x256xf32, #tpu.memory_space<hbm>>
      tpu.wait_dma2 semaphore(%run_scoped3A : memref<!tpu.dma_semaphore, #tpu.memory_space<semaphore_mem>>) src(%dma_wait3A_15 : memref<64x256xf32, #tpu.memory_space<hbm>>) dst(%arg7 : memref<64x256xf32, #tpu.memory_space<vmem>>)
      tpu.yield
    }) : () -> ()
    %scan3A = arith.constant 0 : i32
    %scan3A_3 = arith.constant 0 : i32
    %scan3A_4 = arith.constant 16 : i32
    %scan3A_5 = arith.addi %scan3A_3, %scan3A_4 : i32
    %scan3A_6 = arith.constant 1 : i32
    scf.for %scan3A_10 = %scan3A_3 to %scan3A_5 step %scan3A_6  : i32 {
      %mul3A_11 = arith.constant 16 : i32
      %mul3A_12 = arith.muli %scan3A_10, %mul3A_11 : i32
      %broadcast_in_dim3A = arith.constant 0xFF800000 : f32
      %broadcast_in_dim3A_13 = vector.broadcast %broadcast_in_dim3A : f32 to vector<16xf32>
      %broadcast_in_dim3A_14 = arith.constant 0xFF800000 : f32
      %broadcast_in_dim3A_15 = vector.broadcast %broadcast_in_dim3A_14 : f32 to vector<16xf32>
      %broadcast_in_dim3A_16 = arith.constant 0 : i32
      %broadcast_in_dim3A_17 = vector.broadcast %broadcast_in_dim3A_16 : i32 to vector<16xi32>
      %broadcast_in_dim3A_18 = arith.constant 0 : i32
      %broadcast_in_dim3A_19 = vector.broadcast %broadcast_in_dim3A_18 : i32 to vector<16xi32>
      %get3A = arith.constant 0 : i32
      %get3A_20 = arith.index_cast %get3A : i32 to index
      %get3A_21 = arith.index_cast %mul3A_12 : i32 to index
      %get3A_22 = tpu.vector_load %arg7[%get3A_20, %get3A_21] {strides = array<i32>} : memref<64x256xf32, #tpu.memory_space<vmem>>, vector<1x16xf32>,
      %get3A_23 = vector.shape_cast %get3A_22 : vector<1x16xf32> to vector<16xf32>
      %broadcast_in_dim3A_24 = arith.constant 0 : i32
      %broadcast_in_dim3A_25 = vector.broadcast %broadcast_in_dim3A_24 : i32 to vector<16xi32>
      %gt3A = arith.cmpf ogt, %get3A_23, %broadcast_in_dim3A_13 : vector<16xf32>
      %gt3A_26 = arith.cmpf ogt, %get3A_23, %broadcast_in_dim3A_15 : vector<16xf32>
      %select_n3A = arith.select %gt3A_26, %broadcast_in_dim3A_25, %broadcast_in_dim3A_19 : vector<16xi1>, vector<16xi32>
      %select_n3A_27 = arith.select %gt3A, %broadcast_in_dim3A_17, %select_n3A : vector<16xi1>, vector<16xi32>
      %select_n3A_28 = arith.select %gt3A_26, %get3A_23, %broadcast_in_dim3A_15 : vector<16xi1>, vector<16xf32>
      %select_n3A_29 = arith.select %gt3A, %broadcast_in_dim3A_13, %select_n3A_28 : vector<16xi1>, vector<16xf32>
      %select_n3A_30 = arith.select %gt3A, %broadcast_in_dim3A_25, %broadcast_in_dim3A_17 : vector<16xi1>, vector<16xi32>
      %select_n3A_31 = arith.select %gt3A, %get3A_23, %broadcast_in_dim3A_13 : vector<16xi1>, vector<16xf32>
      %get3A_32 = arith.constant 1 : i32
      %get3A_33 = arith.index_cast %get3A_32 : i32 to index
      %get3A_34 = arith.index_cast %mul3A_12 : i32 to index
      %get3A_35 = tpu.vector_load %arg7[%get3A_33, %get3A_34] {strides = array<i32>} : memref<64x256xf32, #tpu.memory_space<vmem>>, vector<1x16xf32>,
      %get3A_36 = vector.shape_cast %get3A_35 : vector<1x16xf32> to vector<16xf32>
      %broadcast_in_dim3A_37 = arith.constant 1 : i32
      %broadcast_in_dim3A_38 = vector.broadcast %broadcast_in_dim3A_37 : i32 to vector<16xi32>
      %gt3A_39 = arith.cmpf ogt, %get3A_36, %select_n3A_31 : vector<16xf32>
      %gt3A_40 = arith.cmpf ogt, %get3A_36, %select_n3A_29 : vector<16xf32>
      %select_n3A_41 = arith.select %gt3A_40, %broadcast_in_dim3A_38, %select_n3A_27 : vector<16xi1>, vector<16xi32>
      %select_n3A_42 = arith.select %gt3A_39, %select_n3A_30, %select_n3A_41 : vector<16xi1>, vector<16xi32>
      %select_n3A_43 = arith.select %gt3A_40, %get3A_36, %select_n3A_29 : vector<16xi1>, vector<16xf32>
      %select_n3A_44 = arith.select %gt3A_39, %select_n3A_31, %select_n3A_43 : vector<16xi1>, vector<16xf32>
      %select_n3A_45 = arith.select %gt3A_39, %broadcast_in_dim3A_38, %select_n3A_30 : vector<16xi1>, vector<16xi32>
      %select_n3A_46 = arith.select %gt3A_39, %get3A_36, %select_n3A_31 : vector<16xi1>, vector<16xf32>
      %get3A_47 = arith.constant 2 : i32
      %get3A_48 = arith.index_cast %get3A_47 : i32 to index
      %get3A_49 = arith.index_cast %mul3A_12 : i32 to index
      %get3A_50 = tpu.vector_load %arg7[%get3A_48, %get3A_49] {strides = array<i32>} : memref<64x256xf32, #tpu.memory_space<vmem>>, vector<1x16xf32>,
      %get3A_51 = vector.shape_cast %get3A_50 : vector<1x16xf32> to vector<16xf32>
      %broadcast_in_dim3A_52 = arith.constant 2 : i32
      %broadcast_in_dim3A_53 = vector.broadcast %broadcast_in_dim3A_52 : i32 to vector<16xi32>
      %gt3A_54 = arith.cmpf ogt, %get3A_51, %select_n3A_46 : vector<16xf32>
      %gt3A_55 = arith.cmpf ogt, %get3A_51, %select_n3A_44 : vector<16xf32>
      %select_n3A_56 = arith.select %gt3A_55, %broadcast_in_dim3A_53, %select_n3A_42 : vector<16xi1>, vector<16xi32>
      %select_n3A_57 = arith.select %gt3A_54, %select_n3A_45, %select_n3A_56 : vector<16xi1>, vector<16xi32>
      %select_n3A_58 = arith.select %gt3A_55, %get3A_51, %select_n3A_44 : vector<16xi1>, vector<16xf32>
      %select_n3A_59 = arith.select %gt3A_54, %select_n3A_46, %select_n3A_58 : vector<16xi1>, vector<16xf32>
      %select_n3A_60 = arith.select %gt3A_54, %broadcast_in_dim3A_53, %select_n3A_45 : vector<16xi1>, vector<16xi32>
      %select_n3A_61 = arith.select %gt3A_54, %get3A_51, %select_n3A_46 : vector<16xi1>, vector<16xf32>
      %get3A_62 = arith.constant 3 : i32
      %get3A_63 = arith.index_cast %get3A_62 : i32 to index
      %get3A_64 = arith.index_cast %mul3A_12 : i32 to index
      %get3A_65 = tpu.vector_load %arg7[%get3A_63, %get3A_64] {strides = array<i32>} : memref<64x256xf32, #tpu.memory_space<vmem>>, vector<1x16xf32>,
      %get3A_66 = vector.shape_cast %get3A_65 : vector<1x16xf32> to vector<16xf32>
      %broadcast_in_dim3A_67 = arith.constant 3 : i32
      %broadcast_in_dim3A_68 = vector.broadcast %broadcast_in_dim3A_67 : i32 to vector<16xi32>
      %gt3A_69 = arith.cmpf ogt, %get3A_66, %select_n3A_61 : vector<16xf32>
      %gt3A_70 = arith.cmpf ogt, %get3A_66, %select_n3A_59 : vector<16xf32>
      %select_n3A_71 = arith.select %gt3A_70, %broadcast_in_dim3A_68, %select_n3A_57 : vector<16xi1>, vector<16xi32>
      %select_n3A_72 = arith.select %gt3A_69, %select_n3A_60, %select_n3A_71 : vector<16xi1>, vector<16xi32>
      %select_n3A_73 = arith.select %gt3A_70, %get3A_66, %select_n3A_59 : vector<16xi1>, vector<16xf32>
      %select_n3A_74 = arith.select %gt3A_69, %select_n3A_61, %select_n3A_73 : vector<16xi1>, vector<16xf32>
      %select_n3A_75 = arith.select %gt3A_69, %broadcast_in_dim3A_68, %select_n3A_60 : vector<16xi1>, vector<16xi32>
      %select_n3A_76 = arith.select %gt3A_69, %get3A_66, %select_n3A_61 : vector<16xi1>, vector<16xf32>
      %get3A_77 = arith.constant 4 : i32
      %get3A_78 = arith.index_cast %get3A_77 : i32 to index
      %get3A_79 = arith.index_cast %mul3A_12 : i32 to index
      %get3A_80 = tpu.vector_load %arg7[%get3A_78, %get3A_79] {strides = array<i32>} : memref<64x256xf32, #tpu.memory_space<vmem>>, vector<1x16xf32>,
      %get3A_81 = vector.shape_cast %get3A_80 : vector<1x16xf32> to vector<16xf32>
      %broadcast_in_dim3A_82 = arith.constant 4 : i32
      %broadcast_in_dim3A_83 = vector.broadcast %broadcast_in_dim3A_82 : i32 to vector<16xi32>
      %gt3A_84 = arith.cmpf ogt, %get3A_81, %select_n3A_76 : vector<16xf32>
      %gt3A_85 = arith.cmpf ogt, %get3A_81, %select_n3A_74 : vector<16xf32>
      %select_n3A_86 = arith.select %gt3A_85, %broadcast_in_dim3A_83, %select_n3A_72 : vector<16xi1>, vector<16xi32>
      %select_n3A_87 = arith.select %gt3A_84, %select_n3A_75, %select_n3A_86 : vector<16xi1>, vector<16xi32>
      %select_n3A_88 = arith.select %gt3A_85, %get3A_81, %select_n3A_74 : vector<16xi1>, vector<16xf32>
      %select_n3A_89 = arith.select %gt3A_84, %select_n3A_76, %select_n3A_88 : vector<16xi1>, vector<16xf32>
      %select_n3A_90 = arith.select %gt3A_84, %broadcast_in_dim3A_83, %select_n3A_75 : vector<16xi1>, vector<16xi32>
      %select_n3A_91 = arith.select %gt3A_84, %get3A_81, %select_n3A_76 : vector<16xi1>, vector<16xf32>
      %get3A_92 = arith.constant 5 : i32
      %get3A_93 = arith.index_cast %get3A_92 : i32 to index
      %get3A_94 = arith.index_cast %mul3A_12 : i32 to index
      %get3A_95 = tpu.vector_load %arg7[%get3A_93, %get3A_94] {strides = array<i32>} : memref<64x256xf32, #tpu.memory_space<vmem>>, vector<1x16xf32>,
      %get3A_96 = vector.shape_cast %get3A_95 : vector<1x16xf32> to vector<16xf32>
      %broadcast_in_dim3A_97 = arith.constant 5 : i32
      %broadcast_in_dim3A_98 = vector.broadcast %broadcast_in_dim3A_97 : i32 to vector<16xi32>
      %gt3A_99 = arith.cmpf ogt, %get3A_96, %select_n3A_91 : vector<16xf32>
      %gt3A_100 = arith.cmpf ogt, %get3A_96, %select_n3A_89 : vector<16xf32>
      %select_n3A_101 = arith.select %gt3A_100, %broadcast_in_dim3A_98, %select_n3A_87 : vector<16xi1>, vector<16xi32>
      %select_n3A_102 = arith.select %gt3A_99, %select_n3A_90, %select_n3A_101 : vector<16xi1>, vector<16xi32>
      %select_n3A_103 = arith.select %gt3A_100, %get3A_96, %select_n3A_89 : vector<16xi1>, vector<16xf32>
      %select_n3A_104 = arith.select %gt3A_99, %select_n3A_91, %select_n3A_103 : vector<16xi1>, vector<16xf32>
      %select_n3A_105 = arith.select %gt3A_99, %broadcast_in_dim3A_98, %select_n3A_90 : vector<16xi1>, vector<16xi32>
      %select_n3A_106 = arith.select %gt3A_99, %get3A_96, %select_n3A_91 : vector<16xi1>, vector<16xf32>
      %get3A_107 = arith.constant 6 : i32
      %get3A_108 = arith.index_cast %get3A_107 : i32 to index
      %get3A_109 = arith.index_cast %mul3A_12 : i32 to index
      %get3A_110 = tpu.vector_load %arg7[%get3A_108, %get3A_109] {strides = array<i32>} : memref<64x256xf32, #tpu.memory_space<vmem>>, vector<1x16xf32>,
      %get3A_111 = vector.shape_cast %get3A_110 : vector<1x16xf32> to vector<16xf32>
      %broadcast_in_dim3A_112 = arith.constant 6 : i32
      %broadcast_in_dim3A_113 = vector.broadcast %broadcast_in_dim3A_112 : i32 to vector<16xi32>
      %gt3A_114 = arith.cmpf ogt, %get3A_111, %select_n3A_106 : vector<16xf32>
      %gt3A_115 = arith.cmpf ogt, %get3A_111, %select_n3A_104 : vector<16xf32>
      %select_n3A_116 = arith.select %gt3A_115, %broadcast_in_dim3A_113, %select_n3A_102 : vector<16xi1>, vector<16xi32>
      %select_n3A_117 = arith.select %gt3A_114, %select_n3A_105, %select_n3A_116 : vector<16xi1>, vector<16xi32>
      %select_n3A_118 = arith.select %gt3A_115, %get3A_111, %select_n3A_104 : vector<16xi1>, vector<16xf32>
      %select_n3A_119 = arith.select %gt3A_114, %select_n3A_106, %select_n3A_118 : vector<16xi1>, vector<16xf32>
      %select_n3A_120 = arith.select %gt3A_114, %broadcast_in_dim3A_113, %select_n3A_105 : vector<16xi1>, vector<16xi32>
      %select_n3A_121 = arith.select %gt3A_114, %get3A_111, %select_n3A_106 : vector<16xi1>, vector<16xf32>
      %get3A_122 = arith.constant 7 : i32
      %get3A_123 = arith.index_cast %get3A_122 : i32 to index
      %get3A_124 = arith.index_cast %mul3A_12 : i32 to index
      %get3A_125 = tpu.vector_load %arg7[%get3A_123, %get3A_124] {strides = array<i32>} : memref<64x256xf32, #tpu.memory_space<vmem>>, vector<1x16xf32>,
      %get3A_126 = vector.shape_cast %get3A_125 : vector<1x16xf32> to vector<16xf32>
      %broadcast_in_dim3A_127 = arith.constant 7 : i32
      %broadcast_in_dim3A_128 = vector.broadcast %broadcast_in_dim3A_127 : i32 to vector<16xi32>
      %gt3A_129 = arith.cmpf ogt, %get3A_126, %select_n3A_121 : vector<16xf32>
      %gt3A_130 = arith.cmpf ogt, %get3A_126, %select_n3A_119 : vector<16xf32>
      %select_n3A_131 = arith.select %gt3A_130, %broadcast_in_dim3A_128, %select_n3A_117 : vector<16xi1>, vector<16xi32>
      %select_n3A_132 = arith.select %gt3A_129, %select_n3A_120, %select_n3A_131 : vector<16xi1>, vector<16xi32>
      %select_n3A_133 = arith.select %gt3A_130, %get3A_126, %select_n3A_119 : vector<16xi1>, vector<16xf32>
      %select_n3A_134 = arith.select %gt3A_129, %select_n3A_121, %select_n3A_133 : vector<16xi1>, vector<16xf32>
      %select_n3A_135 = arith.select %gt3A_129, %broadcast_in_dim3A_128, %select_n3A_120 : vector<16xi1>, vector<16xi32>
      %select_n3A_136 = arith.select %gt3A_129, %get3A_126, %select_n3A_121 : vector<16xi1>, vector<16xf32>
      %get3A_137 = arith.constant 8 : i32
      %get3A_138 = arith.index_cast %get3A_137 : i32 to index
      %get3A_139 = arith.index_cast %mul3A_12 : i32 to index
      %get3A_140 = tpu.vector_load %arg7[%get3A_138, %get3A_139] {strides = array<i32>} : memref<64x256xf32, #tpu.memory_space<vmem>>, vector<1x16xf32>,
      %get3A_141 = vector.shape_cast %get3A_140 : vector<1x16xf32> to vector<16xf32>
      %broadcast_in_dim3A_142 = arith.constant 8 : i32
      %broadcast_in_dim3A_143 = vector.broadcast %broadcast_in_dim3A_142 : i32 to vector<16xi32>
      %gt3A_144 = arith.cmpf ogt, %get3A_141, %select_n3A_136 : vector<16xf32>
      %gt3A_145 = arith.cmpf ogt, %get3A_141, %select_n3A_134 : vector<16xf32>
      %select_n3A_146 = arith.select %gt3A_145, %broadcast_in_dim3A_143, %select_n3A_132 : vector<16xi1>, vector<16xi32>
      %select_n3A_147 = arith.select %gt3A_144, %select_n3A_135, %select_n3A_146 : vector<16xi1>, vector<16xi32>
      %select_n3A_148 = arith.select %gt3A_145, %get3A_141, %select_n3A_134 : vector<16xi1>, vector<16xf32>
      %select_n3A_149 = arith.select %gt3A_144, %select_n3A_136, %select_n3A_148 : vector<16xi1>, vector<16xf32>
      %select_n3A_150 = arith.select %gt3A_144, %broadcast_in_dim3A_143, %select_n3A_135 : vector<16xi1>, vector<16xi32>
      %select_n3A_151 = arith.select %gt3A_144, %get3A_141, %select_n3A_136 : vector<16xi1>, vector<16xf32>
      %get3A_152 = arith.constant 9 : i32
      %get3A_153 = arith.index_cast %get3A_152 : i32 to index
      %get3A_154 = arith.index_cast %mul3A_12 : i32 to index
      %get3A_155 = tpu.vector_load %arg7[%get3A_153, %get3A_154] {strides = array<i32>} : memref<64x256xf32, #tpu.memory_space<vmem>>, vector<1x16xf32>,
      %get3A_156 = vector.shape_cast %get3A_155 : vector<1x16xf32> to vector<16xf32>
      %broadcast_in_dim3A_157 = arith.constant 9 : i32
      %broadcast_in_dim3A_158 = vector.broadcast %broadcast_in_dim3A_157 : i32 to vector<16xi32>
      %gt3A_159 = arith.cmpf ogt, %get3A_156, %select_n3A_151 : vector<16xf32>
      %gt3A_160 = arith.cmpf ogt, %get3A_156, %select_n3A_149 : vector<16xf32>
      %select_n3A_161 = arith.select %gt3A_160, %broadcast_in_dim3A_158, %select_n3A_147 : vector<16xi1>, vector<16xi32>
      %select_n3A_162 = arith.select %gt3A_159, %select_n3A_150, %select_n3A_161 : vector<16xi1>, vector<16xi32>
      %select_n3A_163 = arith.select %gt3A_160, %get3A_156, %select_n3A_149 : vector<16xi1>, vector<16xf32>
      %select_n3A_164 = arith.select %gt3A_159, %select_n3A_151, %select_n3A_163 : vector<16xi1>, vector<16xf32>
      %select_n3A_165 = arith.select %gt3A_159, %broadcast_in_dim3A_158, %select_n3A_150 : vector<16xi1>, vector<16xi32>
      %select_n3A_166 = arith.select %gt3A_159, %get3A_156, %select_n3A_151 : vector<16xi1>, vector<16xf32>
      %get3A_167 = arith.constant 10 : i32
      %get3A_168 = arith.index_cast %get3A_167 : i32 to index
      %get3A_169 = arith.index_cast %mul3A_12 : i32 to index
      %get3A_170 = tpu.vector_load %arg7[%get3A_168, %get3A_169] {strides = array<i32>} : memref<64x256xf32, #tpu.memory_space<vmem>>, vector<1x16xf32>,
      %get3A_171 = vector.shape_cast %get3A_170 : vector<1x16xf32> to vector<16xf32>
      %broadcast_in_dim3A_172 = arith.constant 10 : i32
      %broadcast_in_dim3A_173 = vector.broadcast %broadcast_in_dim3A_172 : i32 to vector<16xi32>
      %gt3A_174 = arith.cmpf ogt, %get3A_171, %select_n3A_166 : vector<16xf32>
      %gt3A_175 = arith.cmpf ogt, %get3A_171, %select_n3A_164 : vector<16xf32>
      %select_n3A_176 = arith.select %gt3A_175, %broadcast_in_dim3A_173, %select_n3A_162 : vector<16xi1>, vector<16xi32>
      %select_n3A_177 = arith.select %gt3A_174, %select_n3A_165, %select_n3A_176 : vector<16xi1>, vector<16xi32>
      %select_n3A_178 = arith.select %gt3A_175, %get3A_171, %select_n3A_164 : vector<16xi1>, vector<16xf32>
      %select_n3A_179 = arith.select %gt3A_174, %select_n3A_166, %select_n3A_178 : vector<16xi1>, vector<16xf32>
      %select_n3A_180 = arith.select %gt3A_174, %broadcast_in_dim3A_173, %select_n3A_165 : vector<16xi1>, vector<16xi32>
      %select_n3A_181 = arith.select %gt3A_174, %get3A_171, %select_n3A_166 : vector<16xi1>, vector<16xf32>
      %get3A_182 = arith.constant 11 : i32
      %get3A_183 = arith.index_cast %get3A_182 : i32 to index
      %get3A_184 = arith.index_cast %mul3A_12 : i32 to index
      %get3A_185 = tpu.vector_load %arg7[%get3A_183, %get3A_184] {strides = array<i32>} : memref<64x256xf32, #tpu.memory_space<vmem>>, vector<1x16xf32>,
      %get3A_186 = vector.shape_cast %get3A_185 : vector<1x16xf32> to vector<16xf32>
      %broadcast_in_dim3A_187 = arith.constant 11 : i32
      %broadcast_in_dim3A_188 = vector.broadcast %broadcast_in_dim3A_187 : i32 to vector<16xi32>
      %gt3A_189 = arith.cmpf ogt, %get3A_186, %select_n3A_181 : vector<16xf32>
      %gt3A_190 = arith.cmpf ogt, %get3A_186, %select_n3A_179 : vector<16xf32>
      %select_n3A_191 = arith.select %gt3A_190, %broadcast_in_dim3A_188, %select_n3A_177 : vector<16xi1>, vector<16xi32>
      %select_n3A_192 = arith.select %gt3A_189, %select_n3A_180, %select_n3A_191 : vector<16xi1>, vector<16xi32>
      %select_n3A_193 = arith.select %gt3A_190, %get3A_186, %select_n3A_179 : vector<16xi1>, vector<16xf32>
      %select_n3A_194 = arith.select %gt3A_189, %select_n3A_181, %select_n3A_193 : vector<16xi1>, vector<16xf32>
      %select_n3A_195 = arith.select %gt3A_189, %broadcast_in_dim3A_188, %select_n3A_180 : vector<16xi1>, vector<16xi32>
      %select_n3A_196 = arith.select %gt3A_189, %get3A_186, %select_n3A_181 : vector<16xi1>, vector<16xf32>
      %get3A_197 = arith.constant 12 : i32
      %get3A_198 = arith.index_cast %get3A_197 : i32 to index
      %get3A_199 = arith.index_cast %mul3A_12 : i32 to index
      %get3A_200 = tpu.vector_load %arg7[%get3A_198, %get3A_199] {strides = array<i32>} : memref<64x256xf32, #tpu.memory_space<vmem>>, vector<1x16xf32>,
      %get3A_201 = vector.shape_cast %get3A_200 : vector<1x16xf32> to vector<16xf32>
      %broadcast_in_dim3A_202 = arith.constant 12 : i32
      %broadcast_in_dim3A_203 = vector.broadcast %broadcast_in_dim3A_202 : i32 to vector<16xi32>
      %gt3A_204 = arith.cmpf ogt, %get3A_201, %select_n3A_196 : vector<16xf32>
      %gt3A_205 = arith.cmpf ogt, %get3A_201, %select_n3A_194 : vector<16xf32>
      %select_n3A_206 = arith.select %gt3A_205, %broadcast_in_dim3A_203, %select_n3A_192 : vector<16xi1>, vector<16xi32>
      %select_n3A_207 = arith.select %gt3A_204, %select_n3A_195, %select_n3A_206 : vector<16xi1>, vector<16xi32>
      %select_n3A_208 = arith.select %gt3A_205, %get3A_201, %select_n3A_194 : vector<16xi1>, vector<16xf32>
      %select_n3A_209 = arith.select %gt3A_204, %select_n3A_196, %select_n3A_208 : vector<16xi1>, vector<16xf32>
      %select_n3A_210 = arith.select %gt3A_204, %broadcast_in_dim3A_203, %select_n3A_195 : vector<16xi1>, vector<16xi32>
      %select_n3A_211 = arith.select %gt3A_204, %get3A_201, %select_n3A_196 : vector<16xi1>, vector<16xf32>
      %get3A_212 = arith.constant 13 : i32
      %get3A_213 = arith.index_cast %get3A_212 : i32 to index
      %get3A_214 = arith.index_cast %mul3A_12 : i32 to index
      %get3A_215 = tpu.vector_load %arg7[%get3A_213, %get3A_214] {strides = array<i32>} : memref<64x256xf32, #tpu.memory_space<vmem>>, vector<1x16xf32>,
      %get3A_216 = vector.shape_cast %get3A_215 : vector<1x16xf32> to vector<16xf32>
      %broadcast_in_dim3A_217 = arith.constant 13 : i32
      %broadcast_in_dim3A_218 = vector.broadcast %broadcast_in_dim3A_217 : i32 to vector<16xi32>
      %gt3A_219 = arith.cmpf ogt, %get3A_216, %select_n3A_211 : vector<16xf32>
      %gt3A_220 = arith.cmpf ogt, %get3A_216, %select_n3A_209 : vector<16xf32>
      %select_n3A_221 = arith.select %gt3A_220, %broadcast_in_dim3A_218, %select_n3A_207 : vector<16xi1>, vector<16xi32>
      %select_n3A_222 = arith.select %gt3A_219, %select_n3A_210, %select_n3A_221 : vector<16xi1>, vector<16xi32>
      %select_n3A_223 = arith.select %gt3A_220, %get3A_216, %select_n3A_209 : vector<16xi1>, vector<16xf32>
      %select_n3A_224 = arith.select %gt3A_219, %select_n3A_211, %select_n3A_223 : vector<16xi1>, vector<16xf32>
      %select_n3A_225 = arith.select %gt3A_219, %broadcast_in_dim3A_218, %select_n3A_210 : vector<16xi1>, vector<16xi32>
      %select_n3A_226 = arith.select %gt3A_219, %get3A_216, %select_n3A_211 : vector<16xi1>, vector<16xf32>
      %get3A_227 = arith.constant 14 : i32
      %get3A_228 = arith.index_cast %get3A_227 : i32 to index
      %get3A_229 = arith.index_cast %mul3A_12 : i32 to index
      %get3A_230 = tpu.vector_load %arg7[%get3A_228, %get3A_229] {strides = array<i32>} : memref<64x256xf32, #tpu.memory_space<vmem>>, vector<1x16xf32>,
      %get3A_231 = vector.shape_cast %get3A_230 : vector<1x16xf32> to vector<16xf32>
      %broadcast_in_dim3A_232 = arith.constant 14 : i32
      %broadcast_in_dim3A_233 = vector.broadcast %broadcast_in_dim3A_232 : i32 to vector<16xi32>
      %gt3A_234 = arith.cmpf ogt, %get3A_231, %select_n3A_226 : vector<16xf32>
      %gt3A_235 = arith.cmpf ogt, %get3A_231, %select_n3A_224 : vector<16xf32>
      %select_n3A_236 = arith.select %gt3A_235, %broadcast_in_dim3A_233, %select_n3A_222 : vector<16xi1>, vector<16xi32>
      %select_n3A_237 = arith.select %gt3A_234, %select_n3A_225, %select_n3A_236 : vector<16xi1>, vector<16xi32>
      %select_n3A_238 = arith.select %gt3A_235, %get3A_231, %select_n3A_224 : vector<16xi1>, vector<16xf32>
      %select_n3A_239 = arith.select %gt3A_234, %select_n3A_226, %select_n3A_238 : vector<16xi1>, vector<16xf32>
      %select_n3A_240 = arith.select %gt3A_234, %broadcast_in_dim3A_233, %select_n3A_225 : vector<16xi1>, vector<16xi32>
      %select_n3A_241 = arith.select %gt3A_234, %get3A_231, %select_n3A_226 : vector<16xi1>, vector<16xf32>
      %get3A_242 = arith.constant 15 : i32
      %get3A_243 = arith.index_cast %get3A_242 : i32 to index
      %get3A_244 = arith.index_cast %mul3A_12 : i32 to index
      %get3A_245 = tpu.vector_load %arg7[%get3A_243, %get3A_244] {strides = array<i32>} : memref<64x256xf32, #tpu.memory_space<vmem>>, vector<1x16xf32>,
      %get3A_246 = vector.shape_cast %get3A_245 : vector<1x16xf32> to vector<16xf32>
      %broadcast_in_dim3A_247 = arith.constant 15 : i32
      %broadcast_in_dim3A_248 = vector.broadcast %broadcast_in_dim3A_247 : i32 to vector<16xi32>
      %gt3A_249 = arith.cmpf ogt, %get3A_246, %select_n3A_241 : vector<16xf32>
      %gt3A_250 = arith.cmpf ogt, %get3A_246, %select_n3A_239 : vector<16xf32>
      %select_n3A_251 = arith.select %gt3A_250, %broadcast_in_dim3A_248, %select_n3A_237 : vector<16xi1>, vector<16xi32>
      %select_n3A_252 = arith.select %gt3A_249, %select_n3A_240, %select_n3A_251 : vector<16xi1>, vector<16xi32>
      %select_n3A_253 = arith.select %gt3A_250, %get3A_246, %select_n3A_239 : vector<16xi1>, vector<16xf32>
      %select_n3A_254 = arith.select %gt3A_249, %select_n3A_241, %select_n3A_253 : vector<16xi1>, vector<16xf32>
      %select_n3A_255 = arith.select %gt3A_249, %broadcast_in_dim3A_248, %select_n3A_240 : vector<16xi1>, vector<16xi32>
      %select_n3A_256 = arith.select %gt3A_249, %get3A_246, %select_n3A_241 : vector<16xi1>, vector<16xf32>
      %get3A_257 = arith.constant 16 : i32
      %get3A_258 = arith.index_cast %get3A_257 : i32 to index
      %get3A_259 = arith.index_cast %mul3A_12 : i32 to index
      %get3A_260 = tpu.vector_load %arg7[%get3A_258, %get3A_259] {strides = array<i32>} : memref<64x256xf32, #tpu.memory_space<vmem>>, vector<1x16xf32>,
      %get3A_261 = vector.shape_cast %get3A_260 : vector<1x16xf32> to vector<16xf32>
      %broadcast_in_dim3A_262 = arith.constant 16 : i32
      %broadcast_in_dim3A_263 = vector.broadcast %broadcast_in_dim3A_262 : i32 to vector<16xi32>
      %gt3A_264 = arith.cmpf ogt, %get3A_261, %select_n3A_256 : vector<16xf32>
      %gt3A_265 = arith.cmpf ogt, %get3A_261, %select_n3A_254 : vector<16xf32>
      %select_n3A_266 = arith.select %gt3A_265, %broadcast_in_dim3A_263, %select_n3A_252 : vector<16xi1>, vector<16xi32>
      %select_n3A_267 = arith.select %gt3A_264, %select_n3A_255, %select_n3A_266 : vector<16xi1>, vector<16xi32>
      %select_n3A_268 = arith.select %gt3A_265, %get3A_261, %select_n3A_254 : vector<16xi1>, vector<16xf32>
      %select_n3A_269 = arith.select %gt3A_264, %select_n3A_256, %select_n3A_268 : vector<16xi1>, vector<16xf32>
      %select_n3A_270 = arith.select %gt3A_264, %broadcast_in_dim3A_263, %select_n3A_255 : vector<16xi1>, vector<16xi32>
      %select_n3A_271 = arith.select %gt3A_264, %get3A_261, %select_n3A_256 : vector<16xi1>, vector<16xf32>
      %get3A_272 = arith.constant 17 : i32
      %get3A_273 = arith.index_cast %get3A_272 : i32 to index
      %get3A_274 = arith.index_cast %mul3A_12 : i32 to index
      %get3A_275 = tpu.vector_load %arg7[%get3A_273, %get3A_274] {strides = array<i32>} : memref<64x256xf32, #tpu.memory_space<vmem>>, vector<1x16xf32>,
      %get3A_276 = vector.shape_cast %get3A_275 : vector<1x16xf32> to vector<16xf32>
      %broadcast_in_dim3A_277 = arith.constant 17 : i32
      %broadcast_in_dim3A_278 = vector.broadcast %broadcast_in_dim3A_277 : i32 to vector<16xi32>
      %gt3A_279 = arith.cmpf ogt, %get3A_276, %select_n3A_271 : vector<16xf32>
      %gt3A_280 = arith.cmpf ogt, %get3A_276, %select_n3A_269 : vector<16xf32>
      %select_n3A_281 = arith.select %gt3A_280, %broadcast_in_dim3A_278, %select_n3A_267 : vector<16xi1>, vector<16xi32>
      %select_n3A_282 = arith.select %gt3A_279, %select_n3A_270, %select_n3A_281 : vector<16xi1>, vector<16xi32>
      %select_n3A_283 = arith.select %gt3A_280, %get3A_276, %select_n3A_269 : vector<16xi1>, vector<16xf32>
      %select_n3A_284 = arith.select %gt3A_279, %select_n3A_271, %select_n3A_283 : vector<16xi1>, vector<16xf32>
      %select_n3A_285 = arith.select %gt3A_279, %broadcast_in_dim3A_278, %select_n3A_270 : vector<16xi1>, vector<16xi32>
      %select_n3A_286 = arith.select %gt3A_279, %get3A_276, %select_n3A_271 : vector<16xi1>, vector<16xf32>
      %get3A_287 = arith.constant 18 : i32
      %get3A_288 = arith.index_cast %get3A_287 : i32 to index
      %get3A_289 = arith.index_cast %mul3A_12 : i32 to index
      %get3A_290 = tpu.vector_load %arg7[%get3A_288, %get3A_289] {strides = array<i32>} : memref<64x256xf32, #tpu.memory_space<vmem>>, vector<1x16xf32>,
      %get3A_291 = vector.shape_cast %get3A_290 : vector<1x16xf32> to vector<16xf32>
      %broadcast_in_dim3A_292 = arith.constant 18 : i32
      %broadcast_in_dim3A_293 = vector.broadcast %broadcast_in_dim3A_292 : i32 to vector<16xi32>
      %gt3A_294 = arith.cmpf ogt, %get3A_291, %select_n3A_286 : vector<16xf32>
      %gt3A_295 = arith.cmpf ogt, %get3A_291, %select_n3A_284 : vector<16xf32>
      %select_n3A_296 = arith.select %gt3A_295, %broadcast_in_dim3A_293, %select_n3A_282 : vector<16xi1>, vector<16xi32>
      %select_n3A_297 = arith.select %gt3A_294, %select_n3A_285, %select_n3A_296 : vector<16xi1>, vector<16xi32>
      %select_n3A_298 = arith.select %gt3A_295, %get3A_291, %select_n3A_284 : vector<16xi1>, vector<16xf32>
      %select_n3A_299 = arith.select %gt3A_294, %select_n3A_286, %select_n3A_298 : vector<16xi1>, vector<16xf32>
      %select_n3A_300 = arith.select %gt3A_294, %broadcast_in_dim3A_293, %select_n3A_285 : vector<16xi1>, vector<16xi32>
      %select_n3A_301 = arith.select %gt3A_294, %get3A_291, %select_n3A_286 : vector<16xi1>, vector<16xf32>
      %get3A_302 = arith.constant 19 : i32
      %get3A_303 = arith.index_cast %get3A_302 : i32 to index
      %get3A_304 = arith.index_cast %mul3A_12 : i32 to index
      %get3A_305 = tpu.vector_load %arg7[%get3A_303, %get3A_304] {strides = array<i32>} : memref<64x256xf32, #tpu.memory_space<vmem>>, vector<1x16xf32>,
      %get3A_306 = vector.shape_cast %get3A_305 : vector<1x16xf32> to vector<16xf32>
      %broadcast_in_dim3A_307 = arith.constant 19 : i32
      %broadcast_in_dim3A_308 = vector.broadcast %broadcast_in_dim3A_307 : i32 to vector<16xi32>
      %gt3A_309 = arith.cmpf ogt, %get3A_306, %select_n3A_301 : vector<16xf32>
      %gt3A_310 = arith.cmpf ogt, %get3A_306, %select_n3A_299 : vector<16xf32>
      %select_n3A_311 = arith.select %gt3A_310, %broadcast_in_dim3A_308, %select_n3A_297 : vector<16xi1>, vector<16xi32>
      %select_n3A_312 = arith.select %gt3A_309, %select_n3A_300, %select_n3A_311 : vector<16xi1>, vector<16xi32>
      %select_n3A_313 = arith.select %gt3A_310, %get3A_306, %select_n3A_299 : vector<16xi1>, vector<16xf32>
      %select_n3A_314 = arith.select %gt3A_309, %select_n3A_301, %select_n3A_313 : vector<16xi1>, vector<16xf32>
      %select_n3A_315 = arith.select %gt3A_309, %broadcast_in_dim3A_308, %select_n3A_300 : vector<16xi1>, vector<16xi32>
      %select_n3A_316 = arith.select %gt3A_309, %get3A_306, %select_n3A_301 : vector<16xi1>, vector<16xf32>
      %get3A_317 = arith.constant 20 : i32
      %get3A_318 = arith.index_cast %get3A_317 : i32 to index
      %get3A_319 = arith.index_cast %mul3A_12 : i32 to index
      %get3A_320 = tpu.vector_load %arg7[%get3A_318, %get3A_319] {strides = array<i32>} : memref<64x256xf32, #tpu.memory_space<vmem>>, vector<1x16xf32>,
      %get3A_321 = vector.shape_cast %get3A_320 : vector<1x16xf32> to vector<16xf32>
      %broadcast_in_dim3A_322 = arith.constant 20 : i32
      %broadcast_in_dim3A_323 = vector.broadcast %broadcast_in_dim3A_322 : i32 to vector<16xi32>
      %gt3A_324 = arith.cmpf ogt, %get3A_321, %select_n3A_316 : vector<16xf32>
      %gt3A_325 = arith.cmpf ogt, %get3A_321, %select_n3A_314 : vector<16xf32>
      %select_n3A_326 = arith.select %gt3A_325, %broadcast_in_dim3A_323, %select_n3A_312 : vector<16xi1>, vector<16xi32>
      %select_n3A_327 = arith.select %gt3A_324, %select_n3A_315, %select_n3A_326 : vector<16xi1>, vector<16xi32>
      %select_n3A_328 = arith.select %gt3A_325, %get3A_321, %select_n3A_314 : vector<16xi1>, vector<16xf32>
      %select_n3A_329 = arith.select %gt3A_324, %select_n3A_316, %select_n3A_328 : vector<16xi1>, vector<16xf32>
      %select_n3A_330 = arith.select %gt3A_324, %broadcast_in_dim3A_323, %select_n3A_315 : vector<16xi1>, vector<16xi32>
      %select_n3A_331 = arith.select %gt3A_324, %get3A_321, %select_n3A_316 : vector<16xi1>, vector<16xf32>
      %get3A_332 = arith.constant 21 : i32
      %get3A_333 = arith.index_cast %get3A_332 : i32 to index
      %get3A_334 = arith.index_cast %mul3A_12 : i32 to index
      %get3A_335 = tpu.vector_load %arg7[%get3A_333, %get3A_334] {strides = array<i32>} : memref<64x256xf32, #tpu.memory_space<vmem>>, vector<1x16xf32>,
      %get3A_336 = vector.shape_cast %get3A_335 : vector<1x16xf32> to vector<16xf32>
      %broadcast_in_dim3A_337 = arith.constant 21 : i32
      %broadcast_in_dim3A_338 = vector.broadcast %broadcast_in_dim3A_337 : i32 to vector<16xi32>
      %gt3A_339 = arith.cmpf ogt, %get3A_336, %select_n3A_331 : vector<16xf32>
      %gt3A_340 = arith.cmpf ogt, %get3A_336, %select_n3A_329 : vector<16xf32>
      %select_n3A_341 = arith.select %gt3A_340, %broadcast_in_dim3A_338, %select_n3A_327 : vector<16xi1>, vector<16xi32>
      %select_n3A_342 = arith.select %gt3A_339, %select_n3A_330, %select_n3A_341 : vector<16xi1>, vector<16xi32>
      %select_n3A_343 = arith.select %gt3A_340, %get3A_336, %select_n3A_329 : vector<16xi1>, vector<16xf32>
      %select_n3A_344 = arith.select %gt3A_339, %select_n3A_331, %select_n3A_343 : vector<16xi1>, vector<16xf32>
      %select_n3A_345 = arith.select %gt3A_339, %broadcast_in_dim3A_338, %select_n3A_330 : vector<16xi1>, vector<16xi32>
      %select_n3A_346 = arith.select %gt3A_339, %get3A_336, %select_n3A_331 : vector<16xi1>, vector<16xf32>
      %get3A_347 = arith.constant 22 : i32
      %get3A_348 = arith.index_cast %get3A_347 : i32 to index
      %get3A_349 = arith.index_cast %mul3A_12 : i32 to index
      %get3A_350 = tpu.vector_load %arg7[%get3A_348, %get3A_349] {strides = array<i32>} : memref<64x256xf32, #tpu.memory_space<vmem>>, vector<1x16xf32>,
      %get3A_351 = vector.shape_cast %get3A_350 : vector<1x16xf32> to vector<16xf32>
      %broadcast_in_dim3A_352 = arith.constant 22 : i32
      %broadcast_in_dim3A_353 = vector.broadcast %broadcast_in_dim3A_352 : i32 to vector<16xi32>
      %gt3A_354 = arith.cmpf ogt, %get3A_351, %select_n3A_346 : vector<16xf32>
      %gt3A_355 = arith.cmpf ogt, %get3A_351, %select_n3A_344 : vector<16xf32>
      %select_n3A_356 = arith.select %gt3A_355, %broadcast_in_dim3A_353, %select_n3A_342 : vector<16xi1>, vector<16xi32>
      %select_n3A_357 = arith.select %gt3A_354, %select_n3A_345, %select_n3A_356 : vector<16xi1>, vector<16xi32>
      %select_n3A_358 = arith.select %gt3A_355, %get3A_351, %select_n3A_344 : vector<16xi1>, vector<16xf32>
      %select_n3A_359 = arith.select %gt3A_354, %select_n3A_346, %select_n3A_358 : vector<16xi1>, vector<16xf32>
      %select_n3A_360 = arith.select %gt3A_354, %broadcast_in_dim3A_353, %select_n3A_345 : vector<16xi1>, vector<16xi32>
      %select_n3A_361 = arith.select %gt3A_354, %get3A_351, %select_n3A_346 : vector<16xi1>, vector<16xf32>
      %get3A_362 = arith.constant 23 : i32
      %get3A_363 = arith.index_cast %get3A_362 : i32 to index
      %get3A_364 = arith.index_cast %mul3A_12 : i32 to index
      %get3A_365 = tpu.vector_load %arg7[%get3A_363, %get3A_364] {strides = array<i32>} : memref<64x256xf32, #tpu.memory_space<vmem>>, vector<1x16xf32>,
      %get3A_366 = vector.shape_cast %get3A_365 : vector<1x16xf32> to vector<16xf32>
      %broadcast_in_dim3A_367 = arith.constant 23 : i32
      %broadcast_in_dim3A_368 = vector.broadcast %broadcast_in_dim3A_367 : i32 to vector<16xi32>
      %gt3A_369 = arith.cmpf ogt, %get3A_366, %select_n3A_361 : vector<16xf32>
      %gt3A_370 = arith.cmpf ogt, %get3A_366, %select_n3A_359 : vector<16xf32>
      %select_n3A_371 = arith.select %gt3A_370, %broadcast_in_dim3A_368, %select_n3A_357 : vector<16xi1>, vector<16xi32>
      %select_n3A_372 = arith.select %gt3A_369, %select_n3A_360, %select_n3A_371 : vector<16xi1>, vector<16xi32>
      %select_n3A_373 = arith.select %gt3A_370, %get3A_366, %select_n3A_359 : vector<16xi1>, vector<16xf32>
      %select_n3A_374 = arith.select %gt3A_369, %select_n3A_361, %select_n3A_373 : vector<16xi1>, vector<16xf32>
      %select_n3A_375 = arith.select %gt3A_369, %broadcast_in_dim3A_368, %select_n3A_360 : vector<16xi1>, vector<16xi32>
      %select_n3A_376 = arith.select %gt3A_369, %get3A_366, %select_n3A_361 : vector<16xi1>, vector<16xf32>
      %get3A_377 = arith.constant 24 : i32
      %get3A_378 = arith.index_cast %get3A_377 : i32 to index
      %get3A_379 = arith.index_cast %mul3A_12 : i32 to index
      %get3A_380 = tpu.vector_load %arg7[%get3A_378, %get3A_379] {strides = array<i32>} : memref<64x256xf32, #tpu.memory_space<vmem>>, vector<1x16xf32>,
      %get3A_381 = vector.shape_cast %get3A_380 : vector<1x16xf32> to vector<16xf32>
      %broadcast_in_dim3A_382 = arith.constant 24 : i32
      %broadcast_in_dim3A_383 = vector.broadcast %broadcast_in_dim3A_382 : i32 to vector<16xi32>
      %gt3A_384 = arith.cmpf ogt, %get3A_381, %select_n3A_376 : vector<16xf32>
      %gt3A_385 = arith.cmpf ogt, %get3A_381, %select_n3A_374 : vector<16xf32>
      %select_n3A_386 = arith.select %gt3A_385, %broadcast_in_dim3A_383, %select_n3A_372 : vector<16xi1>, vector<16xi32>
      %select_n3A_387 = arith.select %gt3A_384, %select_n3A_375, %select_n3A_386 : vector<16xi1>, vector<16xi32>
      %select_n3A_388 = arith.select %gt3A_385, %get3A_381, %select_n3A_374 : vector<16xi1>, vector<16xf32>
      %select_n3A_389 = arith.select %gt3A_384, %select_n3A_376, %select_n3A_388 : vector<16xi1>, vector<16xf32>
      %select_n3A_390 = arith.select %gt3A_384, %broadcast_in_dim3A_383, %select_n3A_375 : vector<16xi1>, vector<16xi32>
      %select_n3A_391 = arith.select %gt3A_384, %get3A_381, %select_n3A_376 : vector<16xi1>, vector<16xf32>
      %get3A_392 = arith.constant 25 : i32
      %get3A_393 = arith.index_cast %get3A_392 : i32 to index
      %get3A_394 = arith.index_cast %mul3A_12 : i32 to index
      %get3A_395 = tpu.vector_load %arg7[%get3A_393, %get3A_394] {strides = array<i32>} : memref<64x256xf32, #tpu.memory_space<vmem>>, vector<1x16xf32>,
      %get3A_396 = vector.shape_cast %get3A_395 : vector<1x16xf32> to vector<16xf32>
      %broadcast_in_dim3A_397 = arith.constant 25 : i32
      %broadcast_in_dim3A_398 = vector.broadcast %broadcast_in_dim3A_397 : i32 to vector<16xi32>
      %gt3A_399 = arith.cmpf ogt, %get3A_396, %select_n3A_391 : vector<16xf32>
      %gt3A_400 = arith.cmpf ogt, %get3A_396, %select_n3A_389 : vector<16xf32>
      %select_n3A_401 = arith.select %gt3A_400, %broadcast_in_dim3A_398, %select_n3A_387 : vector<16xi1>, vector<16xi32>
      %select_n3A_402 = arith.select %gt3A_399, %select_n3A_390, %select_n3A_401 : vector<16xi1>, vector<16xi32>
      %select_n3A_403 = arith.select %gt3A_400, %get3A_396, %select_n3A_389 : vector<16xi1>, vector<16xf32>
      %select_n3A_404 = arith.select %gt3A_399, %select_n3A_391, %select_n3A_403 : vector<16xi1>, vector<16xf32>
      %select_n3A_405 = arith.select %gt3A_399, %broadcast_in_dim3A_398, %select_n3A_390 : vector<16xi1>, vector<16xi32>
      %select_n3A_406 = arith.select %gt3A_399, %get3A_396, %select_n3A_391 : vector<16xi1>, vector<16xf32>
      %get3A_407 = arith.constant 26 : i32
      %get3A_408 = arith.index_cast %get3A_407 : i32 to index
      %get3A_409 = arith.index_cast %mul3A_12 : i32 to index
      %get3A_410 = tpu.vector_load %arg7[%get3A_408, %get3A_409] {strides = array<i32>} : memref<64x256xf32, #tpu.memory_space<vmem>>, vector<1x16xf32>,
      %get3A_411 = vector.shape_cast %get3A_410 : vector<1x16xf32> to vector<16xf32>
      %broadcast_in_dim3A_412 = arith.constant 26 : i32
      %broadcast_in_dim3A_413 = vector.broadcast %broadcast_in_dim3A_412 : i32 to vector<16xi32>
      %gt3A_414 = arith.cmpf ogt, %get3A_411, %select_n3A_406 : vector<16xf32>
      %gt3A_415 = arith.cmpf ogt, %get3A_411, %select_n3A_404 : vector<16xf32>
      %select_n3A_416 = arith.select %gt3A_415, %broadcast_in_dim3A_413, %select_n3A_402 : vector<16xi1>, vector<16xi32>
      %select_n3A_417 = arith.select %gt3A_414, %select_n3A_405, %select_n3A_416 : vector<16xi1>, vector<16xi32>
      %select_n3A_418 = arith.select %gt3A_415, %get3A_411, %select_n3A_404 : vector<16xi1>, vector<16xf32>
      %select_n3A_419 = arith.select %gt3A_414, %select_n3A_406, %select_n3A_418 : vector<16xi1>, vector<16xf32>
      %select_n3A_420 = arith.select %gt3A_414, %broadcast_in_dim3A_413, %select_n3A_405 : vector<16xi1>, vector<16xi32>
      %select_n3A_421 = arith.select %gt3A_414, %get3A_411, %select_n3A_406 : vector<16xi1>, vector<16xf32>
      %get3A_422 = arith.constant 27 : i32
      %get3A_423 = arith.index_cast %get3A_422 : i32 to index
      %get3A_424 = arith.index_cast %mul3A_12 : i32 to index
      %get3A_425 = tpu.vector_load %arg7[%get3A_423, %get3A_424] {strides = array<i32>} : memref<64x256xf32, #tpu.memory_space<vmem>>, vector<1x16xf32>,
      %get3A_426 = vector.shape_cast %get3A_425 : vector<1x16xf32> to vector<16xf32>
      %broadcast_in_dim3A_427 = arith.constant 27 : i32
      %broadcast_in_dim3A_428 = vector.broadcast %broadcast_in_dim3A_427 : i32 to vector<16xi32>
      %gt3A_429 = arith.cmpf ogt, %get3A_426, %select_n3A_421 : vector<16xf32>
      %gt3A_430 = arith.cmpf ogt, %get3A_426, %select_n3A_419 : vector<16xf32>
      %select_n3A_431 = arith.select %gt3A_430, %broadcast_in_dim3A_428, %select_n3A_417 : vector<16xi1>, vector<16xi32>
      %select_n3A_432 = arith.select %gt3A_429, %select_n3A_420, %select_n3A_431 : vector<16xi1>, vector<16xi32>
      %select_n3A_433 = arith.select %gt3A_430, %get3A_426, %select_n3A_419 : vector<16xi1>, vector<16xf32>
      %select_n3A_434 = arith.select %gt3A_429, %select_n3A_421, %select_n3A_433 : vector<16xi1>, vector<16xf32>
      %select_n3A_435 = arith.select %gt3A_429, %broadcast_in_dim3A_428, %select_n3A_420 : vector<16xi1>, vector<16xi32>
      %select_n3A_436 = arith.select %gt3A_429, %get3A_426, %select_n3A_421 : vector<16xi1>, vector<16xf32>
      %get3A_437 = arith.constant 28 : i32
      %get3A_438 = arith.index_cast %get3A_437 : i32 to index
      %get3A_439 = arith.index_cast %mul3A_12 : i32 to index
      %get3A_440 = tpu.vector_load %arg7[%get3A_438, %get3A_439] {strides = array<i32>} : memref<64x256xf32, #tpu.memory_space<vmem>>, vector<1x16xf32>,
      %get3A_441 = vector.shape_cast %get3A_440 : vector<1x16xf32> to vector<16xf32>
      %broadcast_in_dim3A_442 = arith.constant 28 : i32
      %broadcast_in_dim3A_443 = vector.broadcast %broadcast_in_dim3A_442 : i32 to vector<16xi32>
      %gt3A_444 = arith.cmpf ogt, %get3A_441, %select_n3A_436 : vector<16xf32>
      %gt3A_445 = arith.cmpf ogt, %get3A_441, %select_n3A_434 : vector<16xf32>
      %select_n3A_446 = arith.select %gt3A_445, %broadcast_in_dim3A_443, %select_n3A_432 : vector<16xi1>, vector<16xi32>
      %select_n3A_447 = arith.select %gt3A_444, %select_n3A_435, %select_n3A_446 : vector<16xi1>, vector<16xi32>
      %select_n3A_448 = arith.select %gt3A_445, %get3A_441, %select_n3A_434 : vector<16xi1>, vector<16xf32>
      %select_n3A_449 = arith.select %gt3A_444, %select_n3A_436, %select_n3A_448 : vector<16xi1>, vector<16xf32>
      %select_n3A_450 = arith.select %gt3A_444, %broadcast_in_dim3A_443, %select_n3A_435 : vector<16xi1>, vector<16xi32>
      %select_n3A_451 = arith.select %gt3A_444, %get3A_441, %select_n3A_436 : vector<16xi1>, vector<16xf32>
      %get3A_452 = arith.constant 29 : i32
      %get3A_453 = arith.index_cast %get3A_452 : i32 to index
      %get3A_454 = arith.index_cast %mul3A_12 : i32 to index
      %get3A_455 = tpu.vector_load %arg7[%get3A_453, %get3A_454] {strides = array<i32>} : memref<64x256xf32, #tpu.memory_space<vmem>>, vector<1x16xf32>,
      %get3A_456 = vector.shape_cast %get3A_455 : vector<1x16xf32> to vector<16xf32>
      %broadcast_in_dim3A_457 = arith.constant 29 : i32
      %broadcast_in_dim3A_458 = vector.broadcast %broadcast_in_dim3A_457 : i32 to vector<16xi32>
      %gt3A_459 = arith.cmpf ogt, %get3A_456, %select_n3A_451 : vector<16xf32>
      %gt3A_460 = arith.cmpf ogt, %get3A_456, %select_n3A_449 : vector<16xf32>
      %select_n3A_461 = arith.select %gt3A_460, %broadcast_in_dim3A_458, %select_n3A_447 : vector<16xi1>, vector<16xi32>
      %select_n3A_462 = arith.select %gt3A_459, %select_n3A_450, %select_n3A_461 : vector<16xi1>, vector<16xi32>
      %select_n3A_463 = arith.select %gt3A_460, %get3A_456, %select_n3A_449 : vector<16xi1>, vector<16xf32>
      %select_n3A_464 = arith.select %gt3A_459, %select_n3A_451, %select_n3A_463 : vector<16xi1>, vector<16xf32>
      %select_n3A_465 = arith.select %gt3A_459, %broadcast_in_dim3A_458, %select_n3A_450 : vector<16xi1>, vector<16xi32>
      %select_n3A_466 = arith.select %gt3A_459, %get3A_456, %select_n3A_451 : vector<16xi1>, vector<16xf32>
      %get3A_467 = arith.constant 30 : i32
      %get3A_468 = arith.index_cast %get3A_467 : i32 to index
      %get3A_469 = arith.index_cast %mul3A_12 : i32 to index
      %get3A_470 = tpu.vector_load %arg7[%get3A_468, %get3A_469] {strides = array<i32>} : memref<64x256xf32, #tpu.memory_space<vmem>>, vector<1x16xf32>,
      %get3A_471 = vector.shape_cast %get3A_470 : vector<1x16xf32> to vector<16xf32>
      %broadcast_in_dim3A_472 = arith.constant 30 : i32
      %broadcast_in_dim3A_473 = vector.broadcast %broadcast_in_dim3A_472 : i32 to vector<16xi32>
      %gt3A_474 = arith.cmpf ogt, %get3A_471, %select_n3A_466 : vector<16xf32>
      %gt3A_475 = arith.cmpf ogt, %get3A_471, %select_n3A_464 : vector<16xf32>
      %select_n3A_476 = arith.select %gt3A_475, %broadcast_in_dim3A_473, %select_n3A_462 : vector<16xi1>, vector<16xi32>
      %select_n3A_477 = arith.select %gt3A_474, %select_n3A_465, %select_n3A_476 : vector<16xi1>, vector<16xi32>
      %select_n3A_478 = arith.select %gt3A_475, %get3A_471, %select_n3A_464 : vector<16xi1>, vector<16xf32>
      %select_n3A_479 = arith.select %gt3A_474, %select_n3A_466, %select_n3A_478 : vector<16xi1>, vector<16xf32>
      %select_n3A_480 = arith.select %gt3A_474, %broadcast_in_dim3A_473, %select_n3A_465 : vector<16xi1>, vector<16xi32>
      %select_n3A_481 = arith.select %gt3A_474, %get3A_471, %select_n3A_466 : vector<16xi1>, vector<16xf32>
      %get3A_482 = arith.constant 31 : i32
      %get3A_483 = arith.index_cast %get3A_482 : i32 to index
      %get3A_484 = arith.index_cast %mul3A_12 : i32 to index
      %get3A_485 = tpu.vector_load %arg7[%get3A_483, %get3A_484] {strides = array<i32>} : memref<64x256xf32, #tpu.memory_space<vmem>>, vector<1x16xf32>,
      %get3A_486 = vector.shape_cast %get3A_485 : vector<1x16xf32> to vector<16xf32>
      %broadcast_in_dim3A_487 = arith.constant 31 : i32
      %broadcast_in_dim3A_488 = vector.broadcast %broadcast_in_dim3A_487 : i32 to vector<16xi32>
      %gt3A_489 = arith.cmpf ogt, %get3A_486, %select_n3A_481 : vector<16xf32>
      %gt3A_490 = arith.cmpf ogt, %get3A_486, %select_n3A_479 : vector<16xf32>
      %select_n3A_491 = arith.select %gt3A_490, %broadcast_in_dim3A_488, %select_n3A_477 : vector<16xi1>, vector<16xi32>
      %select_n3A_492 = arith.select %gt3A_489, %select_n3A_480, %select_n3A_491 : vector<16xi1>, vector<16xi32>
      %select_n3A_493 = arith.select %gt3A_490, %get3A_486, %select_n3A_479 : vector<16xi1>, vector<16xf32>
      %select_n3A_494 = arith.select %gt3A_489, %select_n3A_481, %select_n3A_493 : vector<16xi1>, vector<16xf32>
      %select_n3A_495 = arith.select %gt3A_489, %broadcast_in_dim3A_488, %select_n3A_480 : vector<16xi1>, vector<16xi32>
      %select_n3A_496 = arith.select %gt3A_489, %get3A_486, %select_n3A_481 : vector<16xi1>, vector<16xf32>
      %get3A_497 = arith.constant 32 : i32
      %get3A_498 = arith.index_cast %get3A_497 : i32 to index
      %get3A_499 = arith.index_cast %mul3A_12 : i32 to index
      %get3A_500 = tpu.vector_load %arg7[%get3A_498, %get3A_499] {strides = array<i32>} : memref<64x256xf32, #tpu.memory_space<vmem>>, vector<1x16xf32>,
      %get3A_501 = vector.shape_cast %get3A_500 : vector<1x16xf32> to vector<16xf32>
      %broadcast_in_dim3A_502 = arith.constant 32 : i32
      %broadcast_in_dim3A_503 = vector.broadcast %broadcast_in_dim3A_502 : i32 to vector<16xi32>
      %gt3A_504 = arith.cmpf ogt, %get3A_501, %select_n3A_496 : vector<16xf32>
      %gt3A_505 = arith.cmpf ogt, %get3A_501, %select_n3A_494 : vector<16xf32>
      %select_n3A_506 = arith.select %gt3A_505, %broadcast_in_dim3A_503, %select_n3A_492 : vector<16xi1>, vector<16xi32>
      %select_n3A_507 = arith.select %gt3A_504, %select_n3A_495, %select_n3A_506 : vector<16xi1>, vector<16xi32>
      %select_n3A_508 = arith.select %gt3A_505, %get3A_501, %select_n3A_494 : vector<16xi1>, vector<16xf32>
      %select_n3A_509 = arith.select %gt3A_504, %select_n3A_496, %select_n3A_508 : vector<16xi1>, vector<16xf32>
      %select_n3A_510 = arith.select %gt3A_504, %broadcast_in_dim3A_503, %select_n3A_495 : vector<16xi1>, vector<16xi32>
      %select_n3A_511 = arith.select %gt3A_504, %get3A_501, %select_n3A_496 : vector<16xi1>, vector<16xf32>
      %get3A_512 = arith.constant 33 : i32
      %get3A_513 = arith.index_cast %get3A_512 : i32 to index
      %get3A_514 = arith.index_cast %mul3A_12 : i32 to index
      %get3A_515 = tpu.vector_load %arg7[%get3A_513, %get3A_514] {strides = array<i32>} : memref<64x256xf32, #tpu.memory_space<vmem>>, vector<1x16xf32>,
      %get3A_516 = vector.shape_cast %get3A_515 : vector<1x16xf32> to vector<16xf32>
      %broadcast_in_dim3A_517 = arith.constant 33 : i32
      %broadcast_in_dim3A_518 = vector.broadcast %broadcast_in_dim3A_517 : i32 to vector<16xi32>
      %gt3A_519 = arith.cmpf ogt, %get3A_516, %select_n3A_511 : vector<16xf32>
      %gt3A_520 = arith.cmpf ogt, %get3A_516, %select_n3A_509 : vector<16xf32>
      %select_n3A_521 = arith.select %gt3A_520, %broadcast_in_dim3A_518, %select_n3A_507 : vector<16xi1>, vector<16xi32>
      %select_n3A_522 = arith.select %gt3A_519, %select_n3A_510, %select_n3A_521 : vector<16xi1>, vector<16xi32>
      %select_n3A_523 = arith.select %gt3A_520, %get3A_516, %select_n3A_509 : vector<16xi1>, vector<16xf32>
      %select_n3A_524 = arith.select %gt3A_519, %select_n3A_511, %select_n3A_523 : vector<16xi1>, vector<16xf32>
      %select_n3A_525 = arith.select %gt3A_519, %broadcast_in_dim3A_518, %select_n3A_510 : vector<16xi1>, vector<16xi32>
      %select_n3A_526 = arith.select %gt3A_519, %get3A_516, %select_n3A_511 : vector<16xi1>, vector<16xf32>
      %get3A_527 = arith.constant 34 : i32
      %get3A_528 = arith.index_cast %get3A_527 : i32 to index
      %get3A_529 = arith.index_cast %mul3A_12 : i32 to index
      %get3A_530 = tpu.vector_load %arg7[%get3A_528, %get3A_529] {strides = array<i32>} : memref<64x256xf32, #tpu.memory_space<vmem>>, vector<1x16xf32>,
      %get3A_531 = vector.shape_cast %get3A_530 : vector<1x16xf32> to vector<16xf32>
      %broadcast_in_dim3A_532 = arith.constant 34 : i32
      %broadcast_in_dim3A_533 = vector.broadcast %broadcast_in_dim3A_532 : i32 to vector<16xi32>
      %gt3A_534 = arith.cmpf ogt, %get3A_531, %select_n3A_526 : vector<16xf32>
      %gt3A_535 = arith.cmpf ogt, %get3A_531, %select_n3A_524 : vector<16xf32>
      %select_n3A_536 = arith.select %gt3A_535, %broadcast_in_dim3A_533, %select_n3A_522 : vector<16xi1>, vector<16xi32>
      %select_n3A_537 = arith.select %gt3A_534, %select_n3A_525, %select_n3A_536 : vector<16xi1>, vector<16xi32>
      %select_n3A_538 = arith.select %gt3A_535, %get3A_531, %select_n3A_524 : vector<16xi1>, vector<16xf32>
      %select_n3A_539 = arith.select %gt3A_534, %select_n3A_526, %select_n3A_538 : vector<16xi1>, vector<16xf32>
      %select_n3A_540 = arith.select %gt3A_534, %broadcast_in_dim3A_533, %select_n3A_525 : vector<16xi1>, vector<16xi32>
      %select_n3A_541 = arith.select %gt3A_534, %get3A_531, %select_n3A_526 : vector<16xi1>, vector<16xf32>
      %get3A_542 = arith.constant 35 : i32
      %get3A_543 = arith.index_cast %get3A_542 : i32 to index
      %get3A_544 = arith.index_cast %mul3A_12 : i32 to index
      %get3A_545 = tpu.vector_load %arg7[%get3A_543, %get3A_544] {strides = array<i32>} : memref<64x256xf32, #tpu.memory_space<vmem>>, vector<1x16xf32>,
      %get3A_546 = vector.shape_cast %get3A_545 : vector<1x16xf32> to vector<16xf32>
      %broadcast_in_dim3A_547 = arith.constant 35 : i32
      %broadcast_in_dim3A_548 = vector.broadcast %broadcast_in_dim3A_547 : i32 to vector<16xi32>
      %gt3A_549 = arith.cmpf ogt, %get3A_546, %select_n3A_541 : vector<16xf32>
      %gt3A_550 = arith.cmpf ogt, %get3A_546, %select_n3A_539 : vector<16xf32>
      %select_n3A_551 = arith.select %gt3A_550, %broadcast_in_dim3A_548, %select_n3A_537 : vector<16xi1>, vector<16xi32>
      %select_n3A_552 = arith.select %gt3A_549, %select_n3A_540, %select_n3A_551 : vector<16xi1>, vector<16xi32>
      %select_n3A_553 = arith.select %gt3A_550, %get3A_546, %select_n3A_539 : vector<16xi1>, vector<16xf32>
      %select_n3A_554 = arith.select %gt3A_549, %select_n3A_541, %select_n3A_553 : vector<16xi1>, vector<16xf32>
      %select_n3A_555 = arith.select %gt3A_549, %broadcast_in_dim3A_548, %select_n3A_540 : vector<16xi1>, vector<16xi32>
      %select_n3A_556 = arith.select %gt3A_549, %get3A_546, %select_n3A_541 : vector<16xi1>, vector<16xf32>
      %get3A_557 = arith.constant 36 : i32
      %get3A_558 = arith.index_cast %get3A_557 : i32 to index
      %get3A_559 = arith.index_cast %mul3A_12 : i32 to index
      %get3A_560 = tpu.vector_load %arg7[%get3A_558, %get3A_559] {strides = array<i32>} : memref<64x256xf32, #tpu.memory_space<vmem>>, vector<1x16xf32>,
      %get3A_561 = vector.shape_cast %get3A_560 : vector<1x16xf32> to vector<16xf32>
      %broadcast_in_dim3A_562 = arith.constant 36 : i32
      %broadcast_in_dim3A_563 = vector.broadcast %broadcast_in_dim3A_562 : i32 to vector<16xi32>
      %gt3A_564 = arith.cmpf ogt, %get3A_561, %select_n3A_556 : vector<16xf32>
      %gt3A_565 = arith.cmpf ogt, %get3A_561, %select_n3A_554 : vector<16xf32>
      %select_n3A_566 = arith.select %gt3A_565, %broadcast_in_dim3A_563, %select_n3A_552 : vector<16xi1>, vector<16xi32>
      %select_n3A_567 = arith.select %gt3A_564, %select_n3A_555, %select_n3A_566 : vector<16xi1>, vector<16xi32>
      %select_n3A_568 = arith.select %gt3A_565, %get3A_561, %select_n3A_554 : vector<16xi1>, vector<16xf32>
      %select_n3A_569 = arith.select %gt3A_564, %select_n3A_556, %select_n3A_568 : vector<16xi1>, vector<16xf32>
      %select_n3A_570 = arith.select %gt3A_564, %broadcast_in_dim3A_563, %select_n3A_555 : vector<16xi1>, vector<16xi32>
      %select_n3A_571 = arith.select %gt3A_564, %get3A_561, %select_n3A_556 : vector<16xi1>, vector<16xf32>
      %get3A_572 = arith.constant 37 : i32
      %get3A_573 = arith.index_cast %get3A_572 : i32 to index
      %get3A_574 = arith.index_cast %mul3A_12 : i32 to index
      %get3A_575 = tpu.vector_load %arg7[%get3A_573, %get3A_574] {strides = array<i32>} : memref<64x256xf32, #tpu.memory_space<vmem>>, vector<1x16xf32>,
      %get3A_576 = vector.shape_cast %get3A_575 : vector<1x16xf32> to vector<16xf32>
      %broadcast_in_dim3A_577 = arith.constant 37 : i32
      %broadcast_in_dim3A_578 = vector.broadcast %broadcast_in_dim3A_577 : i32 to vector<16xi32>
      %gt3A_579 = arith.cmpf ogt, %get3A_576, %select_n3A_571 : vector<16xf32>
      %gt3A_580 = arith.cmpf ogt, %get3A_576, %select_n3A_569 : vector<16xf32>
      %select_n3A_581 = arith.select %gt3A_580, %broadcast_in_dim3A_578, %select_n3A_567 : vector<16xi1>, vector<16xi32>
      %select_n3A_582 = arith.select %gt3A_579, %select_n3A_570, %select_n3A_581 : vector<16xi1>, vector<16xi32>
      %select_n3A_583 = arith.select %gt3A_580, %get3A_576, %select_n3A_569 : vector<16xi1>, vector<16xf32>
      %select_n3A_584 = arith.select %gt3A_579, %select_n3A_571, %select_n3A_583 : vector<16xi1>, vector<16xf32>
      %select_n3A_585 = arith.select %gt3A_579, %broadcast_in_dim3A_578, %select_n3A_570 : vector<16xi1>, vector<16xi32>
      %select_n3A_586 = arith.select %gt3A_579, %get3A_576, %select_n3A_571 : vector<16xi1>, vector<16xf32>
      %get3A_587 = arith.constant 38 : i32
      %get3A_588 = arith.index_cast %get3A_587 : i32 to index
      %get3A_589 = arith.index_cast %mul3A_12 : i32 to index
      %get3A_590 = tpu.vector_load %arg7[%get3A_588, %get3A_589] {strides = array<i32>} : memref<64x256xf32, #tpu.memory_space<vmem>>, vector<1x16xf32>,
      %get3A_591 = vector.shape_cast %get3A_590 : vector<1x16xf32> to vector<16xf32>
      %broadcast_in_dim3A_592 = arith.constant 38 : i32
      %broadcast_in_dim3A_593 = vector.broadcast %broadcast_in_dim3A_592 : i32 to vector<16xi32>
      %gt3A_594 = arith.cmpf ogt, %get3A_591, %select_n3A_586 : vector<16xf32>
      %gt3A_595 = arith.cmpf ogt, %get3A_591, %select_n3A_584 : vector<16xf32>
      %select_n3A_596 = arith.select %gt3A_595, %broadcast_in_dim3A_593, %select_n3A_582 : vector<16xi1>, vector<16xi32>
      %select_n3A_597 = arith.select %gt3A_594, %select_n3A_585, %select_n3A_596 : vector<16xi1>, vector<16xi32>
      %select_n3A_598 = arith.select %gt3A_595, %get3A_591, %select_n3A_584 : vector<16xi1>, vector<16xf32>
      %select_n3A_599 = arith.select %gt3A_594, %select_n3A_586, %select_n3A_598 : vector<16xi1>, vector<16xf32>
      %select_n3A_600 = arith.select %gt3A_594, %broadcast_in_dim3A_593, %select_n3A_585 : vector<16xi1>, vector<16xi32>
      %select_n3A_601 = arith.select %gt3A_594, %get3A_591, %select_n3A_586 : vector<16xi1>, vector<16xf32>
      %get3A_602 = arith.constant 39 : i32
      %get3A_603 = arith.index_cast %get3A_602 : i32 to index
      %get3A_604 = arith.index_cast %mul3A_12 : i32 to index
      %get3A_605 = tpu.vector_load %arg7[%get3A_603, %get3A_604] {strides = array<i32>} : memref<64x256xf32, #tpu.memory_space<vmem>>, vector<1x16xf32>,
      %get3A_606 = vector.shape_cast %get3A_605 : vector<1x16xf32> to vector<16xf32>
      %broadcast_in_dim3A_607 = arith.constant 39 : i32
      %broadcast_in_dim3A_608 = vector.broadcast %broadcast_in_dim3A_607 : i32 to vector<16xi32>
      %gt3A_609 = arith.cmpf ogt, %get3A_606, %select_n3A_601 : vector<16xf32>
      %gt3A_610 = arith.cmpf ogt, %get3A_606, %select_n3A_599 : vector<16xf32>
      %select_n3A_611 = arith.select %gt3A_610, %broadcast_in_dim3A_608, %select_n3A_597 : vector<16xi1>, vector<16xi32>
      %select_n3A_612 = arith.select %gt3A_609, %select_n3A_600, %select_n3A_611 : vector<16xi1>, vector<16xi32>
      %select_n3A_613 = arith.select %gt3A_610, %get3A_606, %select_n3A_599 : vector<16xi1>, vector<16xf32>
      %select_n3A_614 = arith.select %gt3A_609, %select_n3A_601, %select_n3A_613 : vector<16xi1>, vector<16xf32>
      %select_n3A_615 = arith.select %gt3A_609, %broadcast_in_dim3A_608, %select_n3A_600 : vector<16xi1>, vector<16xi32>
      %select_n3A_616 = arith.select %gt3A_609, %get3A_606, %select_n3A_601 : vector<16xi1>, vector<16xf32>
      %get3A_617 = arith.constant 40 : i32
      %get3A_618 = arith.index_cast %get3A_617 : i32 to index
      %get3A_619 = arith.index_cast %mul3A_12 : i32 to index
      %get3A_620 = tpu.vector_load %arg7[%get3A_618, %get3A_619] {strides = array<i32>} : memref<64x256xf32, #tpu.memory_space<vmem>>, vector<1x16xf32>,
      %get3A_621 = vector.shape_cast %get3A_620 : vector<1x16xf32> to vector<16xf32>
      %broadcast_in_dim3A_622 = arith.constant 40 : i32
      %broadcast_in_dim3A_623 = vector.broadcast %broadcast_in_dim3A_622 : i32 to vector<16xi32>
      %gt3A_624 = arith.cmpf ogt, %get3A_621, %select_n3A_616 : vector<16xf32>
      %gt3A_625 = arith.cmpf ogt, %get3A_621, %select_n3A_614 : vector<16xf32>
      %select_n3A_626 = arith.select %gt3A_625, %broadcast_in_dim3A_623, %select_n3A_612 : vector<16xi1>, vector<16xi32>
      %select_n3A_627 = arith.select %gt3A_624, %select_n3A_615, %select_n3A_626 : vector<16xi1>, vector<16xi32>
      %select_n3A_628 = arith.select %gt3A_625, %get3A_621, %select_n3A_614 : vector<16xi1>, vector<16xf32>
      %select_n3A_629 = arith.select %gt3A_624, %select_n3A_616, %select_n3A_628 : vector<16xi1>, vector<16xf32>
      %select_n3A_630 = arith.select %gt3A_624, %broadcast_in_dim3A_623, %select_n3A_615 : vector<16xi1>, vector<16xi32>
      %select_n3A_631 = arith.select %gt3A_624, %get3A_621, %select_n3A_616 : vector<16xi1>, vector<16xf32>
      %get3A_632 = arith.constant 41 : i32
      %get3A_633 = arith.index_cast %get3A_632 : i32 to index
      %get3A_634 = arith.index_cast %mul3A_12 : i32 to index
      %get3A_635 = tpu.vector_load %arg7[%get3A_633, %get3A_634] {strides = array<i32>} : memref<64x256xf32, #tpu.memory_space<vmem>>, vector<1x16xf32>,
      %get3A_636 = vector.shape_cast %get3A_635 : vector<1x16xf32> to vector<16xf32>
      %broadcast_in_dim3A_637 = arith.constant 41 : i32
      %broadcast_in_dim3A_638 = vector.broadcast %broadcast_in_dim3A_637 : i32 to vector<16xi32>
      %gt3A_639 = arith.cmpf ogt, %get3A_636, %select_n3A_631 : vector<16xf32>
      %gt3A_640 = arith.cmpf ogt, %get3A_636, %select_n3A_629 : vector<16xf32>
      %select_n3A_641 = arith.select %gt3A_640, %broadcast_in_dim3A_638, %select_n3A_627 : vector<16xi1>, vector<16xi32>
      %select_n3A_642 = arith.select %gt3A_639, %select_n3A_630, %select_n3A_641 : vector<16xi1>, vector<16xi32>
      %select_n3A_643 = arith.select %gt3A_640, %get3A_636, %select_n3A_629 : vector<16xi1>, vector<16xf32>
      %select_n3A_644 = arith.select %gt3A_639, %select_n3A_631, %select_n3A_643 : vector<16xi1>, vector<16xf32>
      %select_n3A_645 = arith.select %gt3A_639, %broadcast_in_dim3A_638, %select_n3A_630 : vector<16xi1>, vector<16xi32>
      %select_n3A_646 = arith.select %gt3A_639, %get3A_636, %select_n3A_631 : vector<16xi1>, vector<16xf32>
      %get3A_647 = arith.constant 42 : i32
      %get3A_648 = arith.index_cast %get3A_647 : i32 to index
      %get3A_649 = arith.index_cast %mul3A_12 : i32 to index
      %get3A_650 = tpu.vector_load %arg7[%get3A_648, %get3A_649] {strides = array<i32>} : memref<64x256xf32, #tpu.memory_space<vmem>>, vector<1x16xf32>,
      %get3A_651 = vector.shape_cast %get3A_650 : vector<1x16xf32> to vector<16xf32>
      %broadcast_in_dim3A_652 = arith.constant 42 : i32
      %broadcast_in_dim3A_653 = vector.broadcast %broadcast_in_dim3A_652 : i32 to vector<16xi32>
      %gt3A_654 = arith.cmpf ogt, %get3A_651, %select_n3A_646 : vector<16xf32>
      %gt3A_655 = arith.cmpf ogt, %get3A_651, %select_n3A_644 : vector<16xf32>
      %select_n3A_656 = arith.select %gt3A_655, %broadcast_in_dim3A_653, %select_n3A_642 : vector<16xi1>, vector<16xi32>
      %select_n3A_657 = arith.select %gt3A_654, %select_n3A_645, %select_n3A_656 : vector<16xi1>, vector<16xi32>
      %select_n3A_658 = arith.select %gt3A_655, %get3A_651, %select_n3A_644 : vector<16xi1>, vector<16xf32>
      %select_n3A_659 = arith.select %gt3A_654, %select_n3A_646, %select_n3A_658 : vector<16xi1>, vector<16xf32>
      %select_n3A_660 = arith.select %gt3A_654, %broadcast_in_dim3A_653, %select_n3A_645 : vector<16xi1>, vector<16xi32>
      %select_n3A_661 = arith.select %gt3A_654, %get3A_651, %select_n3A_646 : vector<16xi1>, vector<16xf32>
      %get3A_662 = arith.constant 43 : i32
      %get3A_663 = arith.index_cast %get3A_662 : i32 to index
      %get3A_664 = arith.index_cast %mul3A_12 : i32 to index
      %get3A_665 = tpu.vector_load %arg7[%get3A_663, %get3A_664] {strides = array<i32>} : memref<64x256xf32, #tpu.memory_space<vmem>>, vector<1x16xf32>,
      %get3A_666 = vector.shape_cast %get3A_665 : vector<1x16xf32> to vector<16xf32>
      %broadcast_in_dim3A_667 = arith.constant 43 : i32
      %broadcast_in_dim3A_668 = vector.broadcast %broadcast_in_dim3A_667 : i32 to vector<16xi32>
      %gt3A_669 = arith.cmpf ogt, %get3A_666, %select_n3A_661 : vector<16xf32>
      %gt3A_670 = arith.cmpf ogt, %get3A_666, %select_n3A_659 : vector<16xf32>
      %select_n3A_671 = arith.select %gt3A_670, %broadcast_in_dim3A_668, %select_n3A_657 : vector<16xi1>, vector<16xi32>
      %select_n3A_672 = arith.select %gt3A_669, %select_n3A_660, %select_n3A_671 : vector<16xi1>, vector<16xi32>
      %select_n3A_673 = arith.select %gt3A_670, %get3A_666, %select_n3A_659 : vector<16xi1>, vector<16xf32>
      %select_n3A_674 = arith.select %gt3A_669, %select_n3A_661, %select_n3A_673 : vector<16xi1>, vector<16xf32>
      %select_n3A_675 = arith.select %gt3A_669, %broadcast_in_dim3A_668, %select_n3A_660 : vector<16xi1>, vector<16xi32>
      %select_n3A_676 = arith.select %gt3A_669, %get3A_666, %select_n3A_661 : vector<16xi1>, vector<16xf32>
      %get3A_677 = arith.constant 44 : i32
      %get3A_678 = arith.index_cast %get3A_677 : i32 to index
      %get3A_679 = arith.index_cast %mul3A_12 : i32 to index
      %get3A_680 = tpu.vector_load %arg7[%get3A_678, %get3A_679] {strides = array<i32>} : memref<64x256xf32, #tpu.memory_space<vmem>>, vector<1x16xf32>,
      %get3A_681 = vector.shape_cast %get3A_680 : vector<1x16xf32> to vector<16xf32>
      %broadcast_in_dim3A_682 = arith.constant 44 : i32
      %broadcast_in_dim3A_683 = vector.broadcast %broadcast_in_dim3A_682 : i32 to vector<16xi32>
      %gt3A_684 = arith.cmpf ogt, %get3A_681, %select_n3A_676 : vector<16xf32>
      %gt3A_685 = arith.cmpf ogt, %get3A_681, %select_n3A_674 : vector<16xf32>
      %select_n3A_686 = arith.select %gt3A_685, %broadcast_in_dim3A_683, %select_n3A_672 : vector<16xi1>, vector<16xi32>
      %select_n3A_687 = arith.select %gt3A_684, %select_n3A_675, %select_n3A_686 : vector<16xi1>, vector<16xi32>
      %select_n3A_688 = arith.select %gt3A_685, %get3A_681, %select_n3A_674 : vector<16xi1>, vector<16xf32>
      %select_n3A_689 = arith.select %gt3A_684, %select_n3A_676, %select_n3A_688 : vector<16xi1>, vector<16xf32>
      %select_n3A_690 = arith.select %gt3A_684, %broadcast_in_dim3A_683, %select_n3A_675 : vector<16xi1>, vector<16xi32>
      %select_n3A_691 = arith.select %gt3A_684, %get3A_681, %select_n3A_676 : vector<16xi1>, vector<16xf32>
      %get3A_692 = arith.constant 45 : i32
      %get3A_693 = arith.index_cast %get3A_692 : i32 to index
      %get3A_694 = arith.index_cast %mul3A_12 : i32 to index
      %get3A_695 = tpu.vector_load %arg7[%get3A_693, %get3A_694] {strides = array<i32>} : memref<64x256xf32, #tpu.memory_space<vmem>>, vector<1x16xf32>,
      %get3A_696 = vector.shape_cast %get3A_695 : vector<1x16xf32> to vector<16xf32>
      %broadcast_in_dim3A_697 = arith.constant 45 : i32
      %broadcast_in_dim3A_698 = vector.broadcast %broadcast_in_dim3A_697 : i32 to vector<16xi32>
      %gt3A_699 = arith.cmpf ogt, %get3A_696, %select_n3A_691 : vector<16xf32>
      %gt3A_700 = arith.cmpf ogt, %get3A_696, %select_n3A_689 : vector<16xf32>
      %select_n3A_701 = arith.select %gt3A_700, %broadcast_in_dim3A_698, %select_n3A_687 : vector<16xi1>, vector<16xi32>
      %select_n3A_702 = arith.select %gt3A_699, %select_n3A_690, %select_n3A_701 : vector<16xi1>, vector<16xi32>
      %select_n3A_703 = arith.select %gt3A_700, %get3A_696, %select_n3A_689 : vector<16xi1>, vector<16xf32>
      %select_n3A_704 = arith.select %gt3A_699, %select_n3A_691, %select_n3A_703 : vector<16xi1>, vector<16xf32>
      %select_n3A_705 = arith.select %gt3A_699, %broadcast_in_dim3A_698, %select_n3A_690 : vector<16xi1>, vector<16xi32>
      %select_n3A_706 = arith.select %gt3A_699, %get3A_696, %select_n3A_691 : vector<16xi1>, vector<16xf32>
      %get3A_707 = arith.constant 46 : i32
      %get3A_708 = arith.index_cast %get3A_707 : i32 to index
      %get3A_709 = arith.index_cast %mul3A_12 : i32 to index
      %get3A_710 = tpu.vector_load %arg7[%get3A_708, %get3A_709] {strides = array<i32>} : memref<64x256xf32, #tpu.memory_space<vmem>>, vector<1x16xf32>,
      %get3A_711 = vector.shape_cast %get3A_710 : vector<1x16xf32> to vector<16xf32>
      %broadcast_in_dim3A_712 = arith.constant 46 : i32
      %broadcast_in_dim3A_713 = vector.broadcast %broadcast_in_dim3A_712 : i32 to vector<16xi32>
      %gt3A_714 = arith.cmpf ogt, %get3A_711, %select_n3A_706 : vector<16xf32>
      %gt3A_715 = arith.cmpf ogt, %get3A_711, %select_n3A_704 : vector<16xf32>
      %select_n3A_716 = arith.select %gt3A_715, %broadcast_in_dim3A_713, %select_n3A_702 : vector<16xi1>, vector<16xi32>
      %select_n3A_717 = arith.select %gt3A_714, %select_n3A_705, %select_n3A_716 : vector<16xi1>, vector<16xi32>
      %select_n3A_718 = arith.select %gt3A_715, %get3A_711, %select_n3A_704 : vector<16xi1>, vector<16xf32>
      %select_n3A_719 = arith.select %gt3A_714, %select_n3A_706, %select_n3A_718 : vector<16xi1>, vector<16xf32>
      %select_n3A_720 = arith.select %gt3A_714, %broadcast_in_dim3A_713, %select_n3A_705 : vector<16xi1>, vector<16xi32>
      %select_n3A_721 = arith.select %gt3A_714, %get3A_711, %select_n3A_706 : vector<16xi1>, vector<16xf32>
      %get3A_722 = arith.constant 47 : i32
      %get3A_723 = arith.index_cast %get3A_722 : i32 to index
      %get3A_724 = arith.index_cast %mul3A_12 : i32 to index
      %get3A_725 = tpu.vector_load %arg7[%get3A_723, %get3A_724] {strides = array<i32>} : memref<64x256xf32, #tpu.memory_space<vmem>>, vector<1x16xf32>,
      %get3A_726 = vector.shape_cast %get3A_725 : vector<1x16xf32> to vector<16xf32>
      %broadcast_in_dim3A_727 = arith.constant 47 : i32
      %broadcast_in_dim3A_728 = vector.broadcast %broadcast_in_dim3A_727 : i32 to vector<16xi32>
      %gt3A_729 = arith.cmpf ogt, %get3A_726, %select_n3A_721 : vector<16xf32>
      %gt3A_730 = arith.cmpf ogt, %get3A_726, %select_n3A_719 : vector<16xf32>
      %select_n3A_731 = arith.select %gt3A_730, %broadcast_in_dim3A_728, %select_n3A_717 : vector<16xi1>, vector<16xi32>
      %select_n3A_732 = arith.select %gt3A_729, %select_n3A_720, %select_n3A_731 : vector<16xi1>, vector<16xi32>
      %select_n3A_733 = arith.select %gt3A_730, %get3A_726, %select_n3A_719 : vector<16xi1>, vector<16xf32>
      %select_n3A_734 = arith.select %gt3A_729, %select_n3A_721, %select_n3A_733 : vector<16xi1>, vector<16xf32>
      %select_n3A_735 = arith.select %gt3A_729, %broadcast_in_dim3A_728, %select_n3A_720 : vector<16xi1>, vector<16xi32>
      %select_n3A_736 = arith.select %gt3A_729, %get3A_726, %select_n3A_721 : vector<16xi1>, vector<16xf32>
      %get3A_737 = arith.constant 48 : i32
      %get3A_738 = arith.index_cast %get3A_737 : i32 to index
      %get3A_739 = arith.index_cast %mul3A_12 : i32 to index
      %get3A_740 = tpu.vector_load %arg7[%get3A_738, %get3A_739] {strides = array<i32>} : memref<64x256xf32, #tpu.memory_space<vmem>>, vector<1x16xf32>,
      %get3A_741 = vector.shape_cast %get3A_740 : vector<1x16xf32> to vector<16xf32>
      %broadcast_in_dim3A_742 = arith.constant 48 : i32
      %broadcast_in_dim3A_743 = vector.broadcast %broadcast_in_dim3A_742 : i32 to vector<16xi32>
      %gt3A_744 = arith.cmpf ogt, %get3A_741, %select_n3A_736 : vector<16xf32>
      %gt3A_745 = arith.cmpf ogt, %get3A_741, %select_n3A_734 : vector<16xf32>
      %select_n3A_746 = arith.select %gt3A_745, %broadcast_in_dim3A_743, %select_n3A_732 : vector<16xi1>, vector<16xi32>
      %select_n3A_747 = arith.select %gt3A_744, %select_n3A_735, %select_n3A_746 : vector<16xi1>, vector<16xi32>
      %select_n3A_748 = arith.select %gt3A_745, %get3A_741, %select_n3A_734 : vector<16xi1>, vector<16xf32>
      %select_n3A_749 = arith.select %gt3A_744, %select_n3A_736, %select_n3A_748 : vector<16xi1>, vector<16xf32>
      %select_n3A_750 = arith.select %gt3A_744, %broadcast_in_dim3A_743, %select_n3A_735 : vector<16xi1>, vector<16xi32>
      %select_n3A_751 = arith.select %gt3A_744, %get3A_741, %select_n3A_736 : vector<16xi1>, vector<16xf32>
      %get3A_752 = arith.constant 49 : i32
      %get3A_753 = arith.index_cast %get3A_752 : i32 to index
      %get3A_754 = arith.index_cast %mul3A_12 : i32 to index
      %get3A_755 = tpu.vector_load %arg7[%get3A_753, %get3A_754] {strides = array<i32>} : memref<64x256xf32, #tpu.memory_space<vmem>>, vector<1x16xf32>,
      %get3A_756 = vector.shape_cast %get3A_755 : vector<1x16xf32> to vector<16xf32>
      %broadcast_in_dim3A_757 = arith.constant 49 : i32
      %broadcast_in_dim3A_758 = vector.broadcast %broadcast_in_dim3A_757 : i32 to vector<16xi32>
      %gt3A_759 = arith.cmpf ogt, %get3A_756, %select_n3A_751 : vector<16xf32>
      %gt3A_760 = arith.cmpf ogt, %get3A_756, %select_n3A_749 : vector<16xf32>
      %select_n3A_761 = arith.select %gt3A_760, %broadcast_in_dim3A_758, %select_n3A_747 : vector<16xi1>, vector<16xi32>
      %select_n3A_762 = arith.select %gt3A_759, %select_n3A_750, %select_n3A_761 : vector<16xi1>, vector<16xi32>
      %select_n3A_763 = arith.select %gt3A_760, %get3A_756, %select_n3A_749 : vector<16xi1>, vector<16xf32>
      %select_n3A_764 = arith.select %gt3A_759, %select_n3A_751, %select_n3A_763 : vector<16xi1>, vector<16xf32>
      %select_n3A_765 = arith.select %gt3A_759, %broadcast_in_dim3A_758, %select_n3A_750 : vector<16xi1>, vector<16xi32>
      %select_n3A_766 = arith.select %gt3A_759, %get3A_756, %select_n3A_751 : vector<16xi1>, vector<16xf32>
      %get3A_767 = arith.constant 50 : i32
      %get3A_768 = arith.index_cast %get3A_767 : i32 to index
      %get3A_769 = arith.index_cast %mul3A_12 : i32 to index
      %get3A_770 = tpu.vector_load %arg7[%get3A_768, %get3A_769] {strides = array<i32>} : memref<64x256xf32, #tpu.memory_space<vmem>>, vector<1x16xf32>,
      %get3A_771 = vector.shape_cast %get3A_770 : vector<1x16xf32> to vector<16xf32>
      %broadcast_in_dim3A_772 = arith.constant 50 : i32
      %broadcast_in_dim3A_773 = vector.broadcast %broadcast_in_dim3A_772 : i32 to vector<16xi32>
      %gt3A_774 = arith.cmpf ogt, %get3A_771, %select_n3A_766 : vector<16xf32>
      %gt3A_775 = arith.cmpf ogt, %get3A_771, %select_n3A_764 : vector<16xf32>
      %select_n3A_776 = arith.select %gt3A_775, %broadcast_in_dim3A_773, %select_n3A_762 : vector<16xi1>, vector<16xi32>
      %select_n3A_777 = arith.select %gt3A_774, %select_n3A_765, %select_n3A_776 : vector<16xi1>, vector<16xi32>
      %select_n3A_778 = arith.select %gt3A_775, %get3A_771, %select_n3A_764 : vector<16xi1>, vector<16xf32>
      %select_n3A_779 = arith.select %gt3A_774, %select_n3A_766, %select_n3A_778 : vector<16xi1>, vector<16xf32>
      %select_n3A_780 = arith.select %gt3A_774, %broadcast_in_dim3A_773, %select_n3A_765 : vector<16xi1>, vector<16xi32>
      %select_n3A_781 = arith.select %gt3A_774, %get3A_771, %select_n3A_766 : vector<16xi1>, vector<16xf32>
      %get3A_782 = arith.constant 51 : i32
      %get3A_783 = arith.index_cast %get3A_782 : i32 to index
      %get3A_784 = arith.index_cast %mul3A_12 : i32 to index
      %get3A_785 = tpu.vector_load %arg7[%get3A_783, %get3A_784] {strides = array<i32>} : memref<64x256xf32, #tpu.memory_space<vmem>>, vector<1x16xf32>,
      %get3A_786 = vector.shape_cast %get3A_785 : vector<1x16xf32> to vector<16xf32>
      %broadcast_in_dim3A_787 = arith.constant 51 : i32
      %broadcast_in_dim3A_788 = vector.broadcast %broadcast_in_dim3A_787 : i32 to vector<16xi32>
      %gt3A_789 = arith.cmpf ogt, %get3A_786, %select_n3A_781 : vector<16xf32>
      %gt3A_790 = arith.cmpf ogt, %get3A_786, %select_n3A_779 : vector<16xf32>
      %select_n3A_791 = arith.select %gt3A_790, %broadcast_in_dim3A_788, %select_n3A_777 : vector<16xi1>, vector<16xi32>
      %select_n3A_792 = arith.select %gt3A_789, %select_n3A_780, %select_n3A_791 : vector<16xi1>, vector<16xi32>
      %select_n3A_793 = arith.select %gt3A_790, %get3A_786, %select_n3A_779 : vector<16xi1>, vector<16xf32>
      %select_n3A_794 = arith.select %gt3A_789, %select_n3A_781, %select_n3A_793 : vector<16xi1>, vector<16xf32>
      %select_n3A_795 = arith.select %gt3A_789, %broadcast_in_dim3A_788, %select_n3A_780 : vector<16xi1>, vector<16xi32>
      %select_n3A_796 = arith.select %gt3A_789, %get3A_786, %select_n3A_781 : vector<16xi1>, vector<16xf32>
      %get3A_797 = arith.constant 52 : i32
      %get3A_798 = arith.index_cast %get3A_797 : i32 to index
      %get3A_799 = arith.index_cast %mul3A_12 : i32 to index
      %get3A_800 = tpu.vector_load %arg7[%get3A_798, %get3A_799] {strides = array<i32>} : memref<64x256xf32, #tpu.memory_space<vmem>>, vector<1x16xf32>,
      %get3A_801 = vector.shape_cast %get3A_800 : vector<1x16xf32> to vector<16xf32>
      %broadcast_in_dim3A_802 = arith.constant 52 : i32
      %broadcast_in_dim3A_803 = vector.broadcast %broadcast_in_dim3A_802 : i32 to vector<16xi32>
      %gt3A_804 = arith.cmpf ogt, %get3A_801, %select_n3A_796 : vector<16xf32>
      %gt3A_805 = arith.cmpf ogt, %get3A_801, %select_n3A_794 : vector<16xf32>
      %select_n3A_806 = arith.select %gt3A_805, %broadcast_in_dim3A_803, %select_n3A_792 : vector<16xi1>, vector<16xi32>
      %select_n3A_807 = arith.select %gt3A_804, %select_n3A_795, %select_n3A_806 : vector<16xi1>, vector<16xi32>
      %select_n3A_808 = arith.select %gt3A_805, %get3A_801, %select_n3A_794 : vector<16xi1>, vector<16xf32>
      %select_n3A_809 = arith.select %gt3A_804, %select_n3A_796, %select_n3A_808 : vector<16xi1>, vector<16xf32>
      %select_n3A_810 = arith.select %gt3A_804, %broadcast_in_dim3A_803, %select_n3A_795 : vector<16xi1>, vector<16xi32>
      %select_n3A_811 = arith.select %gt3A_804, %get3A_801, %select_n3A_796 : vector<16xi1>, vector<16xf32>
      %get3A_812 = arith.constant 53 : i32
      %get3A_813 = arith.index_cast %get3A_812 : i32 to index
      %get3A_814 = arith.index_cast %mul3A_12 : i32 to index
      %get3A_815 = tpu.vector_load %arg7[%get3A_813, %get3A_814] {strides = array<i32>} : memref<64x256xf32, #tpu.memory_space<vmem>>, vector<1x16xf32>,
      %get3A_816 = vector.shape_cast %get3A_815 : vector<1x16xf32> to vector<16xf32>
      %broadcast_in_dim3A_817 = arith.constant 53 : i32
      %broadcast_in_dim3A_818 = vector.broadcast %broadcast_in_dim3A_817 : i32 to vector<16xi32>
      %gt3A_819 = arith.cmpf ogt, %get3A_816, %select_n3A_811 : vector<16xf32>
      %gt3A_820 = arith.cmpf ogt, %get3A_816, %select_n3A_809 : vector<16xf32>
      %select_n3A_821 = arith.select %gt3A_820, %broadcast_in_dim3A_818, %select_n3A_807 : vector<16xi1>, vector<16xi32>
      %select_n3A_822 = arith.select %gt3A_819, %select_n3A_810, %select_n3A_821 : vector<16xi1>, vector<16xi32>
      %select_n3A_823 = arith.select %gt3A_820, %get3A_816, %select_n3A_809 : vector<16xi1>, vector<16xf32>
      %select_n3A_824 = arith.select %gt3A_819, %select_n3A_811, %select_n3A_823 : vector<16xi1>, vector<16xf32>
      %select_n3A_825 = arith.select %gt3A_819, %broadcast_in_dim3A_818, %select_n3A_810 : vector<16xi1>, vector<16xi32>
      %select_n3A_826 = arith.select %gt3A_819, %get3A_816, %select_n3A_811 : vector<16xi1>, vector<16xf32>
      %get3A_827 = arith.constant 54 : i32
      %get3A_828 = arith.index_cast %get3A_827 : i32 to index
      %get3A_829 = arith.index_cast %mul3A_12 : i32 to index
      %get3A_830 = tpu.vector_load %arg7[%get3A_828, %get3A_829] {strides = array<i32>} : memref<64x256xf32, #tpu.memory_space<vmem>>, vector<1x16xf32>,
      %get3A_831 = vector.shape_cast %get3A_830 : vector<1x16xf32> to vector<16xf32>
      %broadcast_in_dim3A_832 = arith.constant 54 : i32
      %broadcast_in_dim3A_833 = vector.broadcast %broadcast_in_dim3A_832 : i32 to vector<16xi32>
      %gt3A_834 = arith.cmpf ogt, %get3A_831, %select_n3A_826 : vector<16xf32>
      %gt3A_835 = arith.cmpf ogt, %get3A_831, %select_n3A_824 : vector<16xf32>
      %select_n3A_836 = arith.select %gt3A_835, %broadcast_in_dim3A_833, %select_n3A_822 : vector<16xi1>, vector<16xi32>
      %select_n3A_837 = arith.select %gt3A_834, %select_n3A_825, %select_n3A_836 : vector<16xi1>, vector<16xi32>
      %select_n3A_838 = arith.select %gt3A_835, %get3A_831, %select_n3A_824 : vector<16xi1>, vector<16xf32>
      %select_n3A_839 = arith.select %gt3A_834, %select_n3A_826, %select_n3A_838 : vector<16xi1>, vector<16xf32>
      %select_n3A_840 = arith.select %gt3A_834, %broadcast_in_dim3A_833, %select_n3A_825 : vector<16xi1>, vector<16xi32>
      %select_n3A_841 = arith.select %gt3A_834, %get3A_831, %select_n3A_826 : vector<16xi1>, vector<16xf32>
      %get3A_842 = arith.constant 55 : i32
      %get3A_843 = arith.index_cast %get3A_842 : i32 to index
      %get3A_844 = arith.index_cast %mul3A_12 : i32 to index
      %get3A_845 = tpu.vector_load %arg7[%get3A_843, %get3A_844] {strides = array<i32>} : memref<64x256xf32, #tpu.memory_space<vmem>>, vector<1x16xf32>,
      %get3A_846 = vector.shape_cast %get3A_845 : vector<1x16xf32> to vector<16xf32>
      %broadcast_in_dim3A_847 = arith.constant 55 : i32
      %broadcast_in_dim3A_848 = vector.broadcast %broadcast_in_dim3A_847 : i32 to vector<16xi32>
      %gt3A_849 = arith.cmpf ogt, %get3A_846, %select_n3A_841 : vector<16xf32>
      %gt3A_850 = arith.cmpf ogt, %get3A_846, %select_n3A_839 : vector<16xf32>
      %select_n3A_851 = arith.select %gt3A_850, %broadcast_in_dim3A_848, %select_n3A_837 : vector<16xi1>, vector<16xi32>
      %select_n3A_852 = arith.select %gt3A_849, %select_n3A_840, %select_n3A_851 : vector<16xi1>, vector<16xi32>
      %select_n3A_853 = arith.select %gt3A_850, %get3A_846, %select_n3A_839 : vector<16xi1>, vector<16xf32>
      %select_n3A_854 = arith.select %gt3A_849, %select_n3A_841, %select_n3A_853 : vector<16xi1>, vector<16xf32>
      %select_n3A_855 = arith.select %gt3A_849, %broadcast_in_dim3A_848, %select_n3A_840 : vector<16xi1>, vector<16xi32>
      %select_n3A_856 = arith.select %gt3A_849, %get3A_846, %select_n3A_841 : vector<16xi1>, vector<16xf32>
      %get3A_857 = arith.constant 56 : i32
      %get3A_858 = arith.index_cast %get3A_857 : i32 to index
      %get3A_859 = arith.index_cast %mul3A_12 : i32 to index
      %get3A_860 = tpu.vector_load %arg7[%get3A_858, %get3A_859] {strides = array<i32>} : memref<64x256xf32, #tpu.memory_space<vmem>>, vector<1x16xf32>,
      %get3A_861 = vector.shape_cast %get3A_860 : vector<1x16xf32> to vector<16xf32>
      %broadcast_in_dim3A_862 = arith.constant 56 : i32
      %broadcast_in_dim3A_863 = vector.broadcast %broadcast_in_dim3A_862 : i32 to vector<16xi32>
      %gt3A_864 = arith.cmpf ogt, %get3A_861, %select_n3A_856 : vector<16xf32>
      %gt3A_865 = arith.cmpf ogt, %get3A_861, %select_n3A_854 : vector<16xf32>
      %select_n3A_866 = arith.select %gt3A_865, %broadcast_in_dim3A_863, %select_n3A_852 : vector<16xi1>, vector<16xi32>
      %select_n3A_867 = arith.select %gt3A_864, %select_n3A_855, %select_n3A_866 : vector<16xi1>, vector<16xi32>
      %select_n3A_868 = arith.select %gt3A_865, %get3A_861, %select_n3A_854 : vector<16xi1>, vector<16xf32>
      %select_n3A_869 = arith.select %gt3A_864, %select_n3A_856, %select_n3A_868 : vector<16xi1>, vector<16xf32>
      %select_n3A_870 = arith.select %gt3A_864, %broadcast_in_dim3A_863, %select_n3A_855 : vector<16xi1>, vector<16xi32>
      %select_n3A_871 = arith.select %gt3A_864, %get3A_861, %select_n3A_856 : vector<16xi1>, vector<16xf32>
      %get3A_872 = arith.constant 57 : i32
      %get3A_873 = arith.index_cast %get3A_872 : i32 to index
      %get3A_874 = arith.index_cast %mul3A_12 : i32 to index
      %get3A_875 = tpu.vector_load %arg7[%get3A_873, %get3A_874] {strides = array<i32>} : memref<64x256xf32, #tpu.memory_space<vmem>>, vector<1x16xf32>,
      %get3A_876 = vector.shape_cast %get3A_875 : vector<1x16xf32> to vector<16xf32>
      %broadcast_in_dim3A_877 = arith.constant 57 : i32
      %broadcast_in_dim3A_878 = vector.broadcast %broadcast_in_dim3A_877 : i32 to vector<16xi32>
      %gt3A_879 = arith.cmpf ogt, %get3A_876, %select_n3A_871 : vector<16xf32>
      %gt3A_880 = arith.cmpf ogt, %get3A_876, %select_n3A_869 : vector<16xf32>
      %select_n3A_881 = arith.select %gt3A_880, %broadcast_in_dim3A_878, %select_n3A_867 : vector<16xi1>, vector<16xi32>
      %select_n3A_882 = arith.select %gt3A_879, %select_n3A_870, %select_n3A_881 : vector<16xi1>, vector<16xi32>
      %select_n3A_883 = arith.select %gt3A_880, %get3A_876, %select_n3A_869 : vector<16xi1>, vector<16xf32>
      %select_n3A_884 = arith.select %gt3A_879, %select_n3A_871, %select_n3A_883 : vector<16xi1>, vector<16xf32>
      %select_n3A_885 = arith.select %gt3A_879, %broadcast_in_dim3A_878, %select_n3A_870 : vector<16xi1>, vector<16xi32>
      %select_n3A_886 = arith.select %gt3A_879, %get3A_876, %select_n3A_871 : vector<16xi1>, vector<16xf32>
      %get3A_887 = arith.constant 58 : i32
      %get3A_888 = arith.index_cast %get3A_887 : i32 to index
      %get3A_889 = arith.index_cast %mul3A_12 : i32 to index
      %get3A_890 = tpu.vector_load %arg7[%get3A_888, %get3A_889] {strides = array<i32>} : memref<64x256xf32, #tpu.memory_space<vmem>>, vector<1x16xf32>,
      %get3A_891 = vector.shape_cast %get3A_890 : vector<1x16xf32> to vector<16xf32>
      %broadcast_in_dim3A_892 = arith.constant 58 : i32
      %broadcast_in_dim3A_893 = vector.broadcast %broadcast_in_dim3A_892 : i32 to vector<16xi32>
      %gt3A_894 = arith.cmpf ogt, %get3A_891, %select_n3A_886 : vector<16xf32>
      %gt3A_895 = arith.cmpf ogt, %get3A_891, %select_n3A_884 : vector<16xf32>
      %select_n3A_896 = arith.select %gt3A_895, %broadcast_in_dim3A_893, %select_n3A_882 : vector<16xi1>, vector<16xi32>
      %select_n3A_897 = arith.select %gt3A_894, %select_n3A_885, %select_n3A_896 : vector<16xi1>, vector<16xi32>
      %select_n3A_898 = arith.select %gt3A_895, %get3A_891, %select_n3A_884 : vector<16xi1>, vector<16xf32>
      %select_n3A_899 = arith.select %gt3A_894, %select_n3A_886, %select_n3A_898 : vector<16xi1>, vector<16xf32>
      %select_n3A_900 = arith.select %gt3A_894, %broadcast_in_dim3A_893, %select_n3A_885 : vector<16xi1>, vector<16xi32>
      %select_n3A_901 = arith.select %gt3A_894, %get3A_891, %select_n3A_886 : vector<16xi1>, vector<16xf32>
      %get3A_902 = arith.constant 59 : i32
      %get3A_903 = arith.index_cast %get3A_902 : i32 to index
      %get3A_904 = arith.index_cast %mul3A_12 : i32 to index
      %get3A_905 = tpu.vector_load %arg7[%get3A_903, %get3A_904] {strides = array<i32>} : memref<64x256xf32, #tpu.memory_space<vmem>>, vector<1x16xf32>,
      %get3A_906 = vector.shape_cast %get3A_905 : vector<1x16xf32> to vector<16xf32>
      %broadcast_in_dim3A_907 = arith.constant 59 : i32
      %broadcast_in_dim3A_908 = vector.broadcast %broadcast_in_dim3A_907 : i32 to vector<16xi32>
      %gt3A_909 = arith.cmpf ogt, %get3A_906, %select_n3A_901 : vector<16xf32>
      %gt3A_910 = arith.cmpf ogt, %get3A_906, %select_n3A_899 : vector<16xf32>
      %select_n3A_911 = arith.select %gt3A_910, %broadcast_in_dim3A_908, %select_n3A_897 : vector<16xi1>, vector<16xi32>
      %select_n3A_912 = arith.select %gt3A_909, %select_n3A_900, %select_n3A_911 : vector<16xi1>, vector<16xi32>
      %select_n3A_913 = arith.select %gt3A_910, %get3A_906, %select_n3A_899 : vector<16xi1>, vector<16xf32>
      %select_n3A_914 = arith.select %gt3A_909, %select_n3A_901, %select_n3A_913 : vector<16xi1>, vector<16xf32>
      %select_n3A_915 = arith.select %gt3A_909, %broadcast_in_dim3A_908, %select_n3A_900 : vector<16xi1>, vector<16xi32>
      %select_n3A_916 = arith.select %gt3A_909, %get3A_906, %select_n3A_901 : vector<16xi1>, vector<16xf32>
      %get3A_917 = arith.constant 60 : i32
      %get3A_918 = arith.index_cast %get3A_917 : i32 to index
      %get3A_919 = arith.index_cast %mul3A_12 : i32 to index
      %get3A_920 = tpu.vector_load %arg7[%get3A_918, %get3A_919] {strides = array<i32>} : memref<64x256xf32, #tpu.memory_space<vmem>>, vector<1x16xf32>,
      %get3A_921 = vector.shape_cast %get3A_920 : vector<1x16xf32> to vector<16xf32>
      %broadcast_in_dim3A_922 = arith.constant 60 : i32
      %broadcast_in_dim3A_923 = vector.broadcast %broadcast_in_dim3A_922 : i32 to vector<16xi32>
      %gt3A_924 = arith.cmpf ogt, %get3A_921, %select_n3A_916 : vector<16xf32>
      %gt3A_925 = arith.cmpf ogt, %get3A_921, %select_n3A_914 : vector<16xf32>
      %select_n3A_926 = arith.select %gt3A_925, %broadcast_in_dim3A_923, %select_n3A_912 : vector<16xi1>, vector<16xi32>
      %select_n3A_927 = arith.select %gt3A_924, %select_n3A_915, %select_n3A_926 : vector<16xi1>, vector<16xi32>
      %select_n3A_928 = arith.select %gt3A_925, %get3A_921, %select_n3A_914 : vector<16xi1>, vector<16xf32>
      %select_n3A_929 = arith.select %gt3A_924, %select_n3A_916, %select_n3A_928 : vector<16xi1>, vector<16xf32>
      %select_n3A_930 = arith.select %gt3A_924, %broadcast_in_dim3A_923, %select_n3A_915 : vector<16xi1>, vector<16xi32>
      %select_n3A_931 = arith.select %gt3A_924, %get3A_921, %select_n3A_916 : vector<16xi1>, vector<16xf32>
      %get3A_932 = arith.constant 61 : i32
      %get3A_933 = arith.index_cast %get3A_932 : i32 to index
      %get3A_934 = arith.index_cast %mul3A_12 : i32 to index
      %get3A_935 = tpu.vector_load %arg7[%get3A_933, %get3A_934] {strides = array<i32>} : memref<64x256xf32, #tpu.memory_space<vmem>>, vector<1x16xf32>,
      %get3A_936 = vector.shape_cast %get3A_935 : vector<1x16xf32> to vector<16xf32>
      %broadcast_in_dim3A_937 = arith.constant 61 : i32
      %broadcast_in_dim3A_938 = vector.broadcast %broadcast_in_dim3A_937 : i32 to vector<16xi32>
      %gt3A_939 = arith.cmpf ogt, %get3A_936, %select_n3A_931 : vector<16xf32>
      %gt3A_940 = arith.cmpf ogt, %get3A_936, %select_n3A_929 : vector<16xf32>
      %select_n3A_941 = arith.select %gt3A_940, %broadcast_in_dim3A_938, %select_n3A_927 : vector<16xi1>, vector<16xi32>
      %select_n3A_942 = arith.select %gt3A_939, %select_n3A_930, %select_n3A_941 : vector<16xi1>, vector<16xi32>
      %select_n3A_943 = arith.select %gt3A_940, %get3A_936, %select_n3A_929 : vector<16xi1>, vector<16xf32>
      %select_n3A_944 = arith.select %gt3A_939, %select_n3A_931, %select_n3A_943 : vector<16xi1>, vector<16xf32>
      %select_n3A_945 = arith.select %gt3A_939, %broadcast_in_dim3A_938, %select_n3A_930 : vector<16xi1>, vector<16xi32>
      %select_n3A_946 = arith.select %gt3A_939, %get3A_936, %select_n3A_931 : vector<16xi1>, vector<16xf32>
      %get3A_947 = arith.constant 62 : i32
      %get3A_948 = arith.index_cast %get3A_947 : i32 to index
      %get3A_949 = arith.index_cast %mul3A_12 : i32 to index
      %get3A_950 = tpu.vector_load %arg7[%get3A_948, %get3A_949] {strides = array<i32>} : memref<64x256xf32, #tpu.memory_space<vmem>>, vector<1x16xf32>,
      %get3A_951 = vector.shape_cast %get3A_950 : vector<1x16xf32> to vector<16xf32>
      %broadcast_in_dim3A_952 = arith.constant 62 : i32
      %broadcast_in_dim3A_953 = vector.broadcast %broadcast_in_dim3A_952 : i32 to vector<16xi32>
      %gt3A_954 = arith.cmpf ogt, %get3A_951, %select_n3A_946 : vector<16xf32>
      %gt3A_955 = arith.cmpf ogt, %get3A_951, %select_n3A_944 : vector<16xf32>
      %select_n3A_956 = arith.select %gt3A_955, %broadcast_in_dim3A_953, %select_n3A_942 : vector<16xi1>, vector<16xi32>
      %select_n3A_957 = arith.select %gt3A_954, %select_n3A_945, %select_n3A_956 : vector<16xi1>, vector<16xi32>
      %select_n3A_958 = arith.select %gt3A_955, %get3A_951, %select_n3A_944 : vector<16xi1>, vector<16xf32>
      %select_n3A_959 = arith.select %gt3A_954, %select_n3A_946, %select_n3A_958 : vector<16xi1>, vector<16xf32>
      %select_n3A_960 = arith.select %gt3A_954, %broadcast_in_dim3A_953, %select_n3A_945 : vector<16xi1>, vector<16xi32>
      %select_n3A_961 = arith.select %gt3A_954, %get3A_951, %select_n3A_946 : vector<16xi1>, vector<16xf32>
      %get3A_962 = arith.constant 63 : i32
      %get3A_963 = arith.index_cast %get3A_962 : i32 to index
      %get3A_964 = arith.index_cast %mul3A_12 : i32 to index
      %get3A_965 = tpu.vector_load %arg7[%get3A_963, %get3A_964] {strides = array<i32>} : memref<64x256xf32, #tpu.memory_space<vmem>>, vector<1x16xf32>,
      %get3A_966 = vector.shape_cast %get3A_965 : vector<1x16xf32> to vector<16xf32>
      %broadcast_in_dim3A_967 = arith.constant 63 : i32
      %broadcast_in_dim3A_968 = vector.broadcast %broadcast_in_dim3A_967 : i32 to vector<16xi32>
      %gt3A_969 = arith.cmpf ogt, %get3A_966, %select_n3A_961 : vector<16xf32>
      %gt3A_970 = arith.cmpf ogt, %get3A_966, %select_n3A_959 : vector<16xf32>
      %select_n3A_971 = arith.select %gt3A_970, %broadcast_in_dim3A_968, %select_n3A_957 : vector<16xi1>, vector<16xi32>
      %select_n3A_972 = arith.select %gt3A_969, %select_n3A_960, %select_n3A_971 : vector<16xi1>, vector<16xi32>
      %select_n3A_973 = arith.select %gt3A_970, %get3A_966, %select_n3A_959 : vector<16xi1>, vector<16xf32>
      %select_n3A_974 = arith.select %gt3A_969, %select_n3A_961, %select_n3A_973 : vector<16xi1>, vector<16xf32>
      %select_n3A_975 = arith.select %gt3A_969, %broadcast_in_dim3A_968, %select_n3A_960 : vector<16xi1>, vector<16xi32>
      %select_n3A_976 = arith.select %gt3A_969, %get3A_966, %select_n3A_961 : vector<16xi1>, vector<16xf32>
      %sub3A = arith.subf %select_n3A_974, %select_n3A_976 : vector<16xf32>
      %exp3A = math.exp %sub3A : vector<16xf32>
      %add3A_977 = arith.constant 1.000000e+00 : f32
      %add3A_978 = vector.broadcast %add3A_977 : f32 to vector<16xf32>
      %add3A_979 = arith.addf %add3A_978, %exp3A : vector<16xf32>
      %div3A = arith.constant 1.000000e+00 : f32
      %div3A_980 = vector.broadcast %div3A : f32 to vector<16xf32>
      %div3A_981 = arith.divf %div3A_980, %add3A_979 : vector<16xf32>
      %swap3A = arith.index_cast %mul3A_12 : i32 to index
      %swap3A_982 = tpu.vector_load %arg8[%swap3A] {strides = array<i32>} : memref<256xf32, #tpu.memory_space<vmem>>, vector<16xf32>,
      %swap3A_983 = vector.shape_cast %swap3A_982 : vector<16xf32> to vector<16xf32>
      %swap3A_984 = vector.shape_cast %div3A_981 : vector<16xf32> to vector<16xf32>
      tpu.vector_store %arg8[%swap3A], %swap3A_984 {strides = array<i32>} : memref<256xf32, #tpu.memory_space<vmem>>, vector<16xf32>,
      %div3A_985 = arith.divf %exp3A, %add3A_979 : vector<16xf32>
      %swap3A_986 = arith.index_cast %mul3A_12 : i32 to index
      %swap3A_987 = tpu.vector_load %arg9[%swap3A_986] {strides = array<i32>} : memref<256xf32, #tpu.memory_space<vmem>>, vector<16xf32>,
      %swap3A_988 = vector.shape_cast %swap3A_987 : vector<16xf32> to vector<16xf32>
      %swap3A_989 = vector.shape_cast %div3A_985 : vector<16xf32> to vector<16xf32>
      tpu.vector_store %arg9[%swap3A_986], %swap3A_989 {strides = array<i32>} : memref<256xf32, #tpu.memory_space<vmem>>, vector<16xf32>,
      %swap3A_990 = arith.index_cast %mul3A_12 : i32 to index
      %swap3A_991 = tpu.vector_load %arg10[%swap3A_990] {strides = array<i32>} : memref<256xi32, #tpu.memory_space<vmem>>, vector<16xi32>,
      %swap3A_992 = vector.shape_cast %swap3A_991 : vector<16xi32> to vector<16xi32>
      %swap3A_993 = vector.shape_cast %select_n3A_975 : vector<16xi32> to vector<16xi32>
      tpu.vector_store %arg10[%swap3A_990], %swap3A_993 {strides = array<i32>} : memref<256xi32, #tpu.memory_space<vmem>>, vector<16xi32>,
      %swap3A_994 = arith.index_cast %mul3A_12 : i32 to index
      %swap3A_995 = tpu.vector_load %arg11[%swap3A_994] {strides = array<i32>} : memref<256xi32, #tpu.memory_space<vmem>>, vector<16xi32>,
      %swap3A_996 = vector.shape_cast %swap3A_995 : vector<16xi32> to vector<16xi32>
      %swap3A_997 = vector.shape_cast %select_n3A_972 : vector<16xi32> to vector<16xi32>
      tpu.vector_store %arg11[%swap3A_994], %swap3A_997 {strides = array<i32>} : memref<256xi32, #tpu.memory_space<vmem>>, vector<16xi32>,
    }
    %scan3A_7 = arith.constant 16 : i32
    %mul3A_8 = arith.constant 256 : i32
    %mul3A_9 = arith.muli %add3A, %mul3A_8 : i32
    "tpu.region"() ({
      %run_scoped3A = tpu.sem_alloc : memref<!tpu.dma_semaphore, #tpu.memory_space<semaphore_mem>>
      %dma_start3A = tpu.memref_slice %arg3[%mul3A_9] : memref<8192xf32, #tpu.memory_space<hbm>> -> memref<256xf32, #tpu.memory_space<hbm>>
      %dma_start3A_10 = tpu.memref_slice %arg3[%mul3A_9] : memref<8192xf32, #tpu.memory_space<hbm>> -> memref<256xf32, #tpu.memory_space<hbm>>
      tpu.enqueue_dma source(%arg8 : memref<256xf32, #tpu.memory_space<vmem>>) target(%dma_start3A_10 : memref<256xf32, #tpu.memory_space<hbm>>) target_semaphore(%run_scoped3A : memref<!tpu.dma_semaphore, #tpu.memory_space<semaphore_mem>>)
      %dma_wait3A = tpu.memref_slice %arg3[%mul3A_9] : memref<8192xf32, #tpu.memory_space<hbm>> -> memref<256xf32, #tpu.memory_space<hbm>>
      %dma_wait3A_11 = tpu.memref_slice %arg3[%mul3A_9] : memref<8192xf32, #tpu.memory_space<hbm>> -> memref<256xf32, #tpu.memory_space<hbm>>
      tpu.wait_dma2 semaphore(%run_scoped3A : memref<!tpu.dma_semaphore, #tpu.memory_space<semaphore_mem>>) src(%arg8 : memref<256xf32, #tpu.memory_space<vmem>>) dst(%dma_wait3A_11 : memref<256xf32, #tpu.memory_space<hbm>>)
      tpu.yield
    }) : () -> ()
    "tpu.region"() ({
      %run_scoped3A = tpu.sem_alloc : memref<!tpu.dma_semaphore, #tpu.memory_space<semaphore_mem>>
      %dma_start3A = tpu.memref_slice %arg4[%mul3A_9] : memref<8192xf32, #tpu.memory_space<hbm>> -> memref<256xf32, #tpu.memory_space<hbm>>
      %dma_start3A_10 = tpu.memref_slice %arg4[%mul3A_9] : memref<8192xf32, #tpu.memory_space<hbm>> -> memref<256xf32, #tpu.memory_space<hbm>>
      tpu.enqueue_dma source(%arg9 : memref<256xf32, #tpu.memory_space<vmem>>) target(%dma_start3A_10 : memref<256xf32, #tpu.memory_space<hbm>>) target_semaphore(%run_scoped3A : memref<!tpu.dma_semaphore, #tpu.memory_space<semaphore_mem>>)
      %dma_wait3A = tpu.memref_slice %arg4[%mul3A_9] : memref<8192xf32, #tpu.memory_space<hbm>> -> memref<256xf32, #tpu.memory_space<hbm>>
      %dma_wait3A_11 = tpu.memref_slice %arg4[%mul3A_9] : memref<8192xf32, #tpu.memory_space<hbm>> -> memref<256xf32, #tpu.memory_space<hbm>>
      tpu.wait_dma2 semaphore(%run_scoped3A : memref<!tpu.dma_semaphore, #tpu.memory_space<semaphore_mem>>) src(%arg9 : memref<256xf32, #tpu.memory_space<vmem>>) dst(%dma_wait3A_11 : memref<256xf32, #tpu.memory_space<hbm>>)
      tpu.yield
    }) : () -> ()
    "tpu.region"() ({
      %run_scoped3A = tpu.sem_alloc : memref<!tpu.dma_semaphore, #tpu.memory_space<semaphore_mem>>
      %dma_start3A = tpu.memref_slice %arg5[%mul3A_9] : memref<8192xi32, #tpu.memory_space<hbm>> -> memref<256xi32, #tpu.memory_space<hbm>>
      %dma_start3A_10 = tpu.memref_slice %arg5[%mul3A_9] : memref<8192xi32, #tpu.memory_space<hbm>> -> memref<256xi32, #tpu.memory_space<hbm>>
      tpu.enqueue_dma source(%arg10 : memref<256xi32, #tpu.memory_space<vmem>>) target(%dma_start3A_10 : memref<256xi32, #tpu.memory_space<hbm>>) target_semaphore(%run_scoped3A : memref<!tpu.dma_semaphore, #tpu.memory_space<semaphore_mem>>)
      %dma_wait3A = tpu.memref_slice %arg5[%mul3A_9] : memref<8192xi32, #tpu.memory_space<hbm>> -> memref<256xi32, #tpu.memory_space<hbm>>
      %dma_wait3A_11 = tpu.memref_slice %arg5[%mul3A_9] : memref<8192xi32, #tpu.memory_space<hbm>> -> memref<256xi32, #tpu.memory_space<hbm>>
      tpu.wait_dma2 semaphore(%run_scoped3A : memref<!tpu.dma_semaphore, #tpu.memory_space<semaphore_mem>>) src(%arg10 : memref<256xi32, #tpu.memory_space<vmem>>) dst(%dma_wait3A_11 : memref<256xi32, #tpu.memory_space<hbm>>)
      tpu.yield
    }) : () -> ()
    "tpu.region"() ({
      %run_scoped3A = tpu.sem_alloc : memref<!tpu.dma_semaphore, #tpu.memory_space<semaphore_mem>>
      %dma_start3A = tpu.memref_slice %arg6[%mul3A_9] : memref<8192xi32, #tpu.memory_space<hbm>> -> memref<256xi32, #tpu.memory_space<hbm>>
      %dma_start3A_10 = tpu.memref_slice %arg6[%mul3A_9] : memref<8192xi32, #tpu.memory_space<hbm>> -> memref<256xi32, #tpu.memory_space<hbm>>
      tpu.enqueue_dma source(%arg11 : memref<256xi32, #tpu.memory_space<vmem>>) target(%dma_start3A_10 : memref<256xi32, #tpu.memory_space<hbm>>) target_semaphore(%run_scoped3A : memref<!tpu.dma_semaphore, #tpu.memory_space<semaphore_mem>>)
      %dma_wait3A = tpu.memref_slice %arg6[%mul3A_9] : memref<8192xi32, #tpu.memory_space<hbm>> -> memref<256xi32, #tpu.memory_space<hbm>>
      %dma_wait3A_11 = tpu.memref_slice %arg6[%mul3A_9] : memref<8192xi32, #tpu.memory_space<hbm>> -> memref<256xi32, #tpu.memory_space<hbm>>
      tpu.wait_dma2 semaphore(%run_scoped3A : memref<!tpu.dma_semaphore, #tpu.memory_space<semaphore_mem>>) src(%arg11 : memref<256xi32, #tpu.memory_space<vmem>>) dst(%dma_wait3A_11 : memref<256xi32, #tpu.memory_space<hbm>>)
      tpu.yield
    }) : () -> ()
    return
  }
}

module attributes {stable_mosaic.version = 14 : i64} {
  func.func @_matmul_body(%arg0: i32, %arg1: memref<64x2048xf32, #tpu.memory_space<vmem>>, %arg2: memref<1024x2048xf32, #tpu.memory_space<vmem>>, %arg3: memref<64x1024xf32, #tpu.memory_space<vmem>>) attributes {dimension_semantics = [#tpu.dimension_semantics<arbitrary>], iteration_bounds = array<i64: 8>, scalar_prefetch = 0 : i64, scratch_operands = 0 : i64, tpu.core_type = #tpu.core_type<tc>, window_params = [{pipeline_mode = #tpu.pipeline_mode<synchronous>, transform_indices = @transform_0, window_bounds = array<i64: 64, 2048>}, {transform_indices = @transform_1, window_bounds = array<i64: 1024, 2048>}, {transform_indices = @transform_2, window_bounds = array<i64: 64, 1024>}]} {
    %get3A = arith.constant 0 : index
    %get3A_0 = arith.constant 0 : index
    %get3A_1 = vector.load %arg1[%get3A, %get3A_0] : memref<64x2048xf32, #tpu.memory_space<vmem>>, vector<64x2048xf32>
    %get3A_2 = arith.constant 0 : index
    %get3A_3 = arith.constant 0 : index
    %get3A_4 = vector.load %arg2[%get3A_2, %get3A_3] : memref<1024x2048xf32, #tpu.memory_space<vmem>>, vector<1024x2048xf32>
    %dot_general3A = arith.constant dense<0.000000e+00> : vector<64x1024xf32>
    %dot_general3A_5 = tpu.matmul %get3A_1, %get3A_4, %dot_general3A {dimension_numbers = #tpu.dot_dimension_numbers<[1], [1], [0], [0], [0, 0, 1, 0], [], []>, transpose_lhs_hint = false} : vector<64x2048xf32>, vector<1024x2048xf32>, vector<64x1024xf32> -> vector<64x1024xf32>
    %swap3A = arith.constant 0 : index
    %swap3A_6 = arith.constant 0 : index
    %swap3A_7 = vector.load %arg3[%swap3A, %swap3A_6] : memref<64x1024xf32, #tpu.memory_space<vmem>>, vector<64x1024xf32>
    tpu.vector_store %arg3[%swap3A, %swap3A_6], %dot_general3A_5 {strides = array<i32>} : memref<64x1024xf32, #tpu.memory_space<vmem>>, vector<64x1024xf32>,
    return
  }
  func.func @transform_0(%arg0: i32) -> (i32, i32) {
    %c0_i32 = arith.constant 0 : i32
    %c0_i32_0 = arith.constant 0 : i32
    %c0_i32_1 = arith.constant 0 : i32
    return %c0_i32, %c0_i32_0 : i32, i32
  }
  func.func @transform_1(%arg0: i32) -> (i32, i32) {
    %c0_i32 = arith.constant 0 : i32
    %c0_i32_0 = arith.constant 0 : i32
    return %arg0, %c0_i32 : i32, i32
  }
  func.func @transform_2(%arg0: i32) -> (i32, i32) {
    %c0_i32 = arith.constant 0 : i32
    %c0_i32_0 = arith.constant 0 : i32
    return %c0_i32, %arg0 : i32, i32
  }
}

module attributes {stable_mosaic.version = 14 : i64} {
  func.func @_tc_router_body(%arg0: i32, %arg1: memref<64x2048xf32, #tpu.memory_space<vmem>>, %arg2: memref<1024x2048xf32, #tpu.memory_space<vmem>>, %arg3: memref<1x1x1024xf32, #tpu.memory_space<vmem>>, %arg4: memref<1x1x1024xf32, #tpu.memory_space<vmem>>, %arg5: memref<1x1x1024xi32, #tpu.memory_space<vmem>>, %arg6: memref<1x1x1024xi32, #tpu.memory_space<vmem>>) attributes {dimension_semantics = [#tpu.dimension_semantics<arbitrary>], iteration_bounds = array<i64: 8>, scalar_prefetch = 0 : i64, scratch_operands = 0 : i64, tpu.core_type = #tpu.core_type<tc>, window_params = [{pipeline_mode = #tpu.pipeline_mode<synchronous>, transform_indices = @transform_0, window_bounds = array<i64: 64, 2048>}, {transform_indices = @transform_1, window_bounds = array<i64: 1024, 2048>}, {transform_indices = @transform_2, window_bounds = array<i64: 1, 1, 1024>}, {transform_indices = @transform_3, window_bounds = array<i64: 1, 1, 1024>}, {transform_indices = @transform_4, window_bounds = array<i64: 1, 1, 1024>}, {transform_indices = @transform_5, window_bounds = array<i64: 1, 1, 1024>}]} {
    %get3A = arith.constant 0 : index
    %get3A_0 = arith.constant 0 : index
    %get3A_1 = vector.load %arg1[%get3A, %get3A_0] : memref<64x2048xf32, #tpu.memory_space<vmem>>, vector<64x2048xf32>
    %get3A_2 = arith.constant 0 : index
    %get3A_3 = arith.constant 0 : index
    %get3A_4 = vector.load %arg2[%get3A_2, %get3A_3] : memref<1024x2048xf32, #tpu.memory_space<vmem>>, vector<1024x2048xf32>
    %dot_general3A = arith.constant dense<0.000000e+00> : vector<64x1024xf32>
    %dot_general3A_5 = tpu.matmul %get3A_1, %get3A_4, %dot_general3A {dimension_numbers = #tpu.dot_dimension_numbers<[1], [1], [0], [0], [0, 0, 1, 0], [], []>, transpose_lhs_hint = false} : vector<64x2048xf32>, vector<1024x2048xf32>, vector<64x1024xf32> -> vector<64x1024xf32>
    %iota3A = tpu.iota {dimensions = array<i32: 0>} : vector<64x1024xi32>
    %reduce_max3A = arith.constant dense<0xFF800000> : vector<1024xf32>
    %reduce_max3A_6 = vector.multi_reduction <maximumf>, %dot_general3A_5, %reduce_max3A [0] : vector<64x1024xf32> to vector<1024xf32>
    %broadcast_in_dim3A = vector.shape_cast %reduce_max3A_6 : vector<1024xf32> to vector<1x1024xf32>
    %eq3A = vector.broadcast %broadcast_in_dim3A : vector<1x1024xf32> to vector<64x1024xf32>
    %eq3A_7 = arith.cmpf oeq, %dot_general3A_5, %eq3A : vector<64x1024xf32>
    %jit3A = arith.constant 64 : i32
    %broadcast_in_dim3A_8 = vector.broadcast %jit3A : i32 to vector<64x1024xi32>
    %select_n3A = arith.select %eq3A_7, %iota3A, %broadcast_in_dim3A_8 : vector<64x1024xi1>, vector<64x1024xi32>
    %reduce_min3A = arith.constant dense<2147483647> : vector<1024xi32>
    %reduce_min3A_9 = vector.multi_reduction <minsi>, %select_n3A, %reduce_min3A [0] : vector<64x1024xi32> to vector<1024xi32>
    %broadcast_in_dim3A_10 = vector.shape_cast %reduce_min3A_9 : vector<1024xi32> to vector<1x1024xi32>
    %eq3A_11 = vector.broadcast %broadcast_in_dim3A_10 : vector<1x1024xi32> to vector<64x1024xi32>
    %eq3A_12 = arith.cmpi eq, %iota3A, %eq3A_11 : vector<64x1024xi32>
    %jit3A_13 = arith.constant 0xFF800000 : f32
    %broadcast_in_dim3A_14 = vector.broadcast %jit3A_13 : f32 to vector<64x1024xf32>
    %select_n3A_15 = arith.select %eq3A_12, %broadcast_in_dim3A_14, %dot_general3A_5 : vector<64x1024xi1>, vector<64x1024xf32>
    %reduce_max3A_16 = arith.constant dense<0xFF800000> : vector<1024xf32>
    %reduce_max3A_17 = vector.multi_reduction <maximumf>, %select_n3A_15, %reduce_max3A_16 [0] : vector<64x1024xf32> to vector<1024xf32>
    %broadcast_in_dim3A_18 = vector.shape_cast %reduce_max3A_17 : vector<1024xf32> to vector<1x1024xf32>
    %eq3A_19 = vector.broadcast %broadcast_in_dim3A_18 : vector<1x1024xf32> to vector<64x1024xf32>
    %eq3A_20 = arith.cmpf oeq, %select_n3A_15, %eq3A_19 : vector<64x1024xf32>
    %jit3A_21 = arith.constant 64 : i32
    %broadcast_in_dim3A_22 = vector.broadcast %jit3A_21 : i32 to vector<64x1024xi32>
    %select_n3A_23 = arith.select %eq3A_20, %iota3A, %broadcast_in_dim3A_22 : vector<64x1024xi1>, vector<64x1024xi32>
    %reduce_min3A_24 = arith.constant dense<2147483647> : vector<1024xi32>
    %reduce_min3A_25 = vector.multi_reduction <minsi>, %select_n3A_23, %reduce_min3A_24 [0] : vector<64x1024xi32> to vector<1024xi32>
    %sub3A = arith.subf %reduce_max3A_17, %reduce_max3A_6 : vector<1024xf32>
    %exp3A = math.exp %sub3A : vector<1024xf32>
    %add3A = arith.constant 1.000000e+00 : f32
    %add3A_26 = vector.broadcast %add3A : f32 to vector<1024xf32>
    %add3A_27 = arith.addf %add3A_26, %exp3A : vector<1024xf32>
    %div3A = arith.constant 1.000000e+00 : f32
    %div3A_28 = vector.broadcast %div3A : f32 to vector<1024xf32>
    %div3A_29 = arith.divf %div3A_28, %add3A_27 : vector<1024xf32>
    %swap3A = arith.constant 0 : index
    %swap3A_30 = arith.constant 0 : index
    %swap3A_31 = arith.constant 0 : index
    %swap3A_32 = vector.load %arg3[%swap3A, %swap3A_30, %swap3A_31] : memref<1x1x1024xf32, #tpu.memory_space<vmem>>, vector<1x1x1024xf32>
    %swap3A_33 = vector.shape_cast %swap3A_32 : vector<1x1x1024xf32> to vector<1024xf32>
    %swap3A_34 = vector.shape_cast %div3A_29 : vector<1024xf32> to vector<1x1x1024xf32>
    tpu.vector_store %arg3[%swap3A, %swap3A_30, %swap3A_31], %swap3A_34 {strides = array<i32>} : memref<1x1x1024xf32, #tpu.memory_space<vmem>>, vector<1x1x1024xf32>,
    %div3A_35 = arith.divf %exp3A, %add3A_27 : vector<1024xf32>
    %swap3A_36 = arith.constant 0 : index
    %swap3A_37 = arith.constant 0 : index
    %swap3A_38 = arith.constant 0 : index
    %swap3A_39 = vector.load %arg4[%swap3A_36, %swap3A_37, %swap3A_38] : memref<1x1x1024xf32, #tpu.memory_space<vmem>>, vector<1x1x1024xf32>
    %swap3A_40 = vector.shape_cast %swap3A_39 : vector<1x1x1024xf32> to vector<1024xf32>
    %swap3A_41 = vector.shape_cast %div3A_35 : vector<1024xf32> to vector<1x1x1024xf32>
    tpu.vector_store %arg4[%swap3A_36, %swap3A_37, %swap3A_38], %swap3A_41 {strides = array<i32>} : memref<1x1x1024xf32, #tpu.memory_space<vmem>>, vector<1x1x1024xf32>,
    %swap3A_42 = arith.constant 0 : index
    %swap3A_43 = arith.constant 0 : index
    %swap3A_44 = arith.constant 0 : index
    %swap3A_45 = vector.load %arg5[%swap3A_42, %swap3A_43, %swap3A_44] : memref<1x1x1024xi32, #tpu.memory_space<vmem>>, vector<1x1x1024xi32>
    %swap3A_46 = vector.shape_cast %swap3A_45 : vector<1x1x1024xi32> to vector<1024xi32>
    %swap3A_47 = vector.shape_cast %reduce_min3A_9 : vector<1024xi32> to vector<1x1x1024xi32>
    tpu.vector_store %arg5[%swap3A_42, %swap3A_43, %swap3A_44], %swap3A_47 {strides = array<i32>} : memref<1x1x1024xi32, #tpu.memory_space<vmem>>, vector<1x1x1024xi32>,
    %swap3A_48 = arith.constant 0 : index
    %swap3A_49 = arith.constant 0 : index
    %swap3A_50 = arith.constant 0 : index
    %swap3A_51 = vector.load %arg6[%swap3A_48, %swap3A_49, %swap3A_50] : memref<1x1x1024xi32, #tpu.memory_space<vmem>>, vector<1x1x1024xi32>
    %swap3A_52 = vector.shape_cast %swap3A_51 : vector<1x1x1024xi32> to vector<1024xi32>
    %swap3A_53 = vector.shape_cast %reduce_min3A_25 : vector<1024xi32> to vector<1x1x1024xi32>
    tpu.vector_store %arg6[%swap3A_48, %swap3A_49, %swap3A_50], %swap3A_53 {strides = array<i32>} : memref<1x1x1024xi32, #tpu.memory_space<vmem>>, vector<1x1x1024xi32>,
    return
  }
  func.func @transform_0(%arg0: i32) -> (i32, i32) {
    %c0_i32 = arith.constant 0 : i32
    %c0_i32_0 = arith.constant 0 : i32
    %c0_i32_1 = arith.constant 0 : i32
    return %c0_i32, %c0_i32_0 : i32, i32
  }
  func.func @transform_1(%arg0: i32) -> (i32, i32) {
    %add3A = arith.constant 8 : i32
    %add3A_0 = arith.addi %add3A, %arg0 : i32
    %c0_i32 = arith.constant 0 : i32
    %c0_i32_1 = arith.constant 0 : i32
    return %add3A_0, %c0_i32 : i32, i32
  }
  func.func @transform_2(%arg0: i32) -> (i32, i32, i32) {
    %c0_i32 = arith.constant 0 : i32
    %c0_i32_0 = arith.constant 0 : i32
    %c0_i32_1 = arith.constant 0 : i32
    return %arg0, %c0_i32, %c0_i32_0 : i32, i32, i32
  }
  func.func @transform_3(%arg0: i32) -> (i32, i32, i32) {
    %c0_i32 = arith.constant 0 : i32
    %c0_i32_0 = arith.constant 0 : i32
    %c0_i32_1 = arith.constant 0 : i32
    return %arg0, %c0_i32, %c0_i32_0 : i32, i32, i32
  }
  func.func @transform_4(%arg0: i32) -> (i32, i32, i32) {
    %c0_i32 = arith.constant 0 : i32
    %c0_i32_0 = arith.constant 0 : i32
    %c0_i32_1 = arith.constant 0 : i32
    return %arg0, %c0_i32, %c0_i32_0 : i32, i32, i32
  }
  func.func @transform_5(%arg0: i32) -> (i32, i32, i32) {
    %c0_i32 = arith.constant 0 : i32
    %c0_i32_0 = arith.constant 0 : i32
    %c0_i32_1 = arith.constant 0 : i32
    return %arg0, %c0_i32, %c0_i32_0 : i32, i32, i32
  }
}

</mosaic_0001>

<sc_bundles>
// kernel: kernel.5.cloned.1.call-start
scs
__scs_entry_jumppad:
0x0: {  	(pc) =	sbr.rel $0x88, $3  }
0x1: {  	(tag) =	ssettag $0x0;
	lr =	simm.s32 $0x1  }
0x2: {  	[smem:$0x3F9F] =	sst lr;
	_ =	strace $0xD0000000  }
0x3: {  	_ = 	snop  }
0x4: {  	_ = 	snop  }
0x5: {  	_ = 	snop  }
0x6: {  	_ = 	snop  }
0x7: {  	_ = 	snop  }
__scs_overlays_trampoline_lowered:
0x8: {  	[smem:$0x3FAE] =	sst s0  }
0x9: {  	[smem:$0x3FAF] =	sst s1  }
0xa: {  	[smem:$0x3FB0] =	sst s2  }
0xb: {  	[smem:$0x3FB1] =	sst s3  }
0xc: {  	[smem:$0x3FB2] =	sst s4  }
0xd: {  	[smem:$0x3FB3] =	sst s5  }
0xe: {  	[smem:$0x3FB4] =	sst s6  }
0xf: {  	[smem:$0x3FB5] =	sst s7  }
0x10: {  	[smem:$0x3FB6] =	sst s8  }
0x11: {  	[smem:$0x3FB7] =	sst s9;
	s0 =	simm.s32 @!p0 $0x0  }
0x12: {  	s1 =	sld [smem:$0x3F9D];
	s0 =	simm.s32 @p0 $0x1  }
0x13: {  	[smem:$0x3FB8] =	sst s0;
	s0 =	simm.s32 @!p1 $0x0  }
0x14: {  	s2 =	sld [smem:$0x3F9C];
	s0 =	simm.s32 @p1 $0x1  }
0x15: {  	[smem:$0x3FB9] =	sst s0;
	s0 =	simm.s32 @!p2 $0x0  }
0x16: {  	s3 =	sld [smem:$0x3FDB];
	s0 =	simm.s32 @p2 $0x1  }
0x17: {  	s4 =	simm.s32 $0x1BF5;
	[smem:$0x3FBB] =	sst s0  }
0x18: {  	s0 =	sld [smem:$0x3F9E];
	_ =	swait.ge [sflag:s4], $0x0  }
0x19: {  	s7 =	sld [smem:$0x3F9F]  }
0x1a: {  	s8 =	sadd.s32 $0xFFFFE003, lr  }
0x1b: {  	s9 =	sadd.s32 $0xFFFFFEF7, lr;
	s5 =	simm.s32 $0xFFFFFFFF;
	p2 =	slt.u32 s8, $0xFFFFF086  }
0x1c: {  	p1 =	slt.u32 s9, $0xF7A;
	s5 =	simm.s32 @!p2 $0x0  }
0x1d: {  	s5 =	simm.s32 @p1 $0x1;
	p0 =	seq.s32 s7, s2  }
0x1e: {  	s7 =	smul.u32 @!p0 $0xF7A, s2;
	p2 =	seq.s32 @!p0 s5, $0x0  }
0x1f: {  	s9 =	smul.u32 $0xF7A, s1;
	s8 =	simm.s32 @!p0 $0x1BF5;
	p2 =	por !p2, p0  }
0x20: {  	[sflag:s8] =	ssyncset.s32 @!p0 $0xFFFFF086;
	s6 =	sadd.s32 @!p0 s3, s7;
	s7 =	simm.s32 @!p0 $0x108  }
0x21: {  	s3 =	sadd.s32 s3, s9;
	s6 =	sadd.s32 @!p0 $0x88, s6;
	s7 =	simm.s32 @p2 $0x1082  }
0x22: {  	[simem:s7], [sflag:s8] =	dma.local @!p0 [hbm:s6], $0xF7A  }
0x23: {  	s9 =	sor.u32 $0xD0000000, s2;
	s6 =	simm.s32 $0x108;
	_ =	swait.ge @!p0 [sflag:s8], $0x0  }
0x24: {  	s3 =	sadd.s32 $0x88, s3;
	s6 =	simm.s32 @!p1 $0x1082;
	[sflag:s4] =	ssyncset.s32 $0xFFFFF086  }
0x25: {  	[simem:s6], [sflag:s4] =	dma.local [hbm:s3], $0xF7A  }
0x26: {  	[smem:$0x3F9F] =	sst s1;
	(tag) =	ssettag s2;
	_ =	strace s9  }
0x27: {  	s1 =	sld [smem:$0x3FAF]  }
0x28: {  	s2 =	sld [smem:$0x3FB0]  }
0x29: {  	s4 =	sld [smem:$0x3FB2]  }
0x2a: {  	p0 =	seq.s32 s5, $0x0;
	s5 =	sld [smem:$0x3FB3]  }
0x2b: {  	s6 =	sld [smem:$0x3FB4]  }
0x2c: {  	s7 =	sld [smem:$0x3FB5]  }
0x2d: {  	s3 =	simm.s32 $0x108;
	s8 =	sld [smem:$0x3FB6]  }
0x2e: {  	s3 =	simm.s32 @!p0 $0x1082;
	s9 =	sld [smem:$0x3FB7]  }
0x2f: {  	lr =	sadd.s32 s0, s3;
	s0 =	sld [smem:$0x3FAE]  }
0x30: {  	s3 =	sld [smem:$0x3FB1]  }
0x31: {  	[smem:$0x3FBA] =	sst s10  }
0x32: {  	s10 =	sld [smem:$0x3FB8];
	_ =	sdelay $0x3  }
0x33: {  	p0 =	seq.s32 s10, $0x1;
	s10 =	sld [smem:$0x3FBA];
	_ =	sdelay $0x3  }
0x34: {  	[smem:$0x3FBA] =	sst s10  }
0x35: {  	s10 =	sld [smem:$0x3FB9];
	_ =	sdelay $0x3  }
0x36: {  	p1 =	seq.s32 s10, $0x1;
	s10 =	sld [smem:$0x3FBA];
	_ =	sdelay $0x3  }
0x37: {  	[smem:$0x3FBA] =	sst s10  }
0x38: {  	s10 =	sld [smem:$0x3FBB]  }
0x39: {  	_ = 	snop;
	(pc) =	sbr.ind lr, $3  }
0x3a: {  	_ = 	snop  }
0x3b: {  	_ = 	snop  }
0x3c: {  	p2 =	seq.s32 s10, $0x1;
	s10 =	sld [smem:$0x3FBA]  }
0x3d: {  	_ =	shalt  }
0x3e: {  	_ =	shalt  }
0x3f: {  	_ =	shalt  }
0x40: {  	_ =	shalt  }
0x41: {  	_ =	shalt  }
0x42: {  	_ =	shalt  }
0x43: {  	_ =	shalt  }
0x44: {  	_ =	shalt  }
0x45: {  	_ =	shalt  }
0x46: {  	_ =	shalt  }
0x47: {  	_ =	shalt  }
0x48: {  	_ =	shalt  }
0x49: {  	_ =	shalt  }
0x4a: {  	_ =	shalt  }
0x4b: {  	_ =	shalt  }
0x4c: {  	_ =	shalt  }
0x4d: {  	_ =	shalt  }
0x4e: {  	_ =	shalt  }
0x4f: {  	_ =	shalt  }
0x50: {  	_ =	shalt  }
0x51: {  	_ =	shalt  }
0x52: {  	_ =	shalt  }
0x53: {  	_ =	shalt  }
0x54: {  	_ =	shalt  }
0x55: {  	_ =	shalt  }
0x56: {  	_ =	shalt  }
0x57: {  	_ =	shalt  }
0x58: {  	_ =	shalt  }
0x59: {  	_ =	shalt  }
0x5a: {  	_ =	shalt  }
0x5b: {  	_ =	shalt  }
0x5c: {  	_ =	shalt  }
0x5d: {  	_ =	shalt  }
0x5e: {  	_ =	shalt  }
0x5f: {  	_ =	shalt  }
0x60: {  	_ =	shalt  }
0x61: {  	_ =	shalt  }
0x62: {  	_ =	shalt  }
0x63: {  	_ =	shalt  }
0x64: {  	_ =	shalt  }
0x65: {  	_ =	shalt  }
0x66: {  	_ =	shalt  }
0x67: {  	_ =	shalt  }
0x68: {  	_ =	shalt  }
0x69: {  	_ =	shalt  }
0x6a: {  	_ =	shalt  }
0x6b: {  	_ =	shalt  }
0x6c: {  	_ =	shalt  }
0x6d: {  	_ =	shalt  }
0x6e: {  	_ =	shalt  }
0x6f: {  	_ =	shalt  }
0x70: {  	_ =	shalt  }
0x71: {  	_ =	shalt  }
0x72: {  	_ =	shalt  }
0x73: {  	_ =	shalt  }
0x74: {  	_ =	shalt  }
0x75: {  	_ =	shalt  }
0x76: {  	_ =	shalt  }
0x77: {  	_ =	shalt  }
0x78: {  	_ =	shalt  }
0x79: {  	_ =	shalt  }
0x7a: {  	_ =	shalt  }
0x7b: {  	_ =	shalt  }
0x7c: {  	_ =	shalt  }
0x7d: {  	_ =	shalt  }
0x7e: {  	_ =	shalt  }
0x7f: {  	_ =	shalt  }
0x80: {  	_ =	shalt  }
0x81: {  	_ =	shalt  }
0x82: {  	_ =	shalt  }
0x83: {  	_ =	shalt  }
0x84: {  	_ =	shalt  }
0x85: {  	_ =	shalt  }
0x86: {  	_ =	shalt  }
0x87: {  	_ =	shalt  }
.Lfunc_end0:
.L_simem_size_0:
called_computation_lowered:
.L_overlay_start_0:
0x88: {  	s2 =	sld [smem:$0x3FD9]  }
0x89: {  	s3 =	sld [smem:$0x3FFE];
	_ =	sdelay $0x1  }
0x8a: {  	s1 =	srdreg.scid  }
0x8b: {  	s0 =	sand.u32 $0x1, s1  }
0x8c: {  	s14 =	sshll.u32 s0, $0xA;
	s2 =	sadd.s32 s3, s2  }
0x8d: {  	s2 =	sadd.s32 s2, s14  }
0x8e: {  	[smem:$0x3FC6] =	sst s2  }
0x8f: {  	_ = 	snop  }
0x90: {  	s2 =	sld [smem:$0x3FD0];
	_ =	sdelay $0x2  }
0x91: {  	s15 =	simm.s32 $0xA;
	s4 =	simm.s32 $0x10  }
0x92: {  	[smem:s4], [sflag:s15] =	dma.local [hbm:s2], $0x1  }
0x93: {  	_ =	swait.eq [sflag:s15], $0x1  }
0x94: {  	[sflag:s15] =	ssyncset.done $0x0  }
0x95: {  	s16 =	sld [smem:$0x10];
	[sflag:s15] =	ssyncadd.s32 $0xFFFFFFFF  }
0x96: {  	s17 =	sld [smem:$0x11];
	(tm) =	ssettm $0x1  }
0x97: {  	s18 =	sld [smem:$0x3FFB];
	_ =	sdelay $0x3  }
0x98: {  	_ =	strace s18  }
0x99: {  	s4 =	sld [smem:$0x3FFC];
	_ =	sdelay $0x3  }
0x9a: {  	_ =	strace s4  }
0x9b: {  	s4 =	sld [smem:$0x3FFD];
	_ =	sdelay $0x3  }
0x9c: {  	_ =	strace s4  }
0x9d: {  	_ =	strace $0x8FFFFFFF  }
0x9e: {  	s19 =	sld [smem:$0x3FDB];
	_ =	sdelay $0x1  }
0x9f: {  	s5 =	simm.s32 $_scs_section_size  }
0xa0: {  	s6 =	simm.s32 $_size__tile_overlayer_lowered;
	s7 =	simm.s32 $_tile_overlayer_lowered  }
0xa1: {  	s22 =	simm.s32 $0x1BFF;
	s21 =	sshll.u32 s7, $0x1;
	s4 =	sadd.s32 s5, s19  }
0xa2: {  	s8 =	simm.s32 $0x0;
	s20 =	sshll.u32 s6, $0x1;
	s6 =	sadd.s32 s21, s4  }
0xa3: {  	[timem:s8], [sflag:s22] =	dma.local [hbm:s6], s20  }
0xa4: {  	_ =	swait.ge [sflag:s22], s20  }
0xa5: {  	s5 =	ssub.s32 $0x0, s20;
	[sflag:s22] =	ssyncset.done $0x0  }
0xa6: {  	[sflag:s22] =	ssyncadd.s32 s5;
	_ =	sdelay $0x1  }
0xa7: {  	s23 =	simm.s32 $0x1B8B  }
0xa8: {  	_ =	swait.ge [sflag:s23], $0x1  }
0xa9: {  	[sflag:s23] =	ssyncset.done $0x0  }
0xaa: {  	s25 =	simm.s32 $0x1B8E;
	s24 =	sld [smem:$0x3FFE];
	[sflag:s23] =	ssyncadd.s32 $0xFFFFFFFF  }
0xab: {  	s26 =	simm.s32 $execute0_lowered;
	[smem:$0x3FD2] =	sst s25  }
0xac: {  	s6 =	sshll.u32 s26, $0x1;
	_ =	strace $0x80000046;
	[dreg:$0x1] =	wrdreg $0xFFFFFFFF  }
0xad: {  	s28 =	simm.s32 $_size_execute0_lowered;
	s4 =	sadd.s32 s4, s6;
	[dreg:$0x0] =	wrdreg $0x0  }
0xae: {  	s6 =	sshll.u32 s28, $0x1;
	[dreg:$0x2] =	wrdreg s4  }
0xaf: {  	[dreg:$0x3] =	wrdreg s6  }
0xb0: {  	[dreg:$0x4] =	wrdreg $0xC0  }
0xb1: {  	_ =	task [dreg:s8], $0x5FFFF  }
0xb2: {  	[dreg:$0x1] =	wrdreg $0xFFFFFFFF  }
0xb3: {  	[dreg:$0x0] =	wrdreg $0x60  }
0xb4: {  	[dreg:$0x2] =	wrdreg s24  }
0xb5: {  	[dreg:$0x3] =	wrdreg s16  }
0xb6: {  	[dreg:$0x4] =	wrdreg s17  }
0xb7: {  	[dreg:$0x5] =	wrdreg $0x9  }
0xb8: {  	_ =	task.clear_ibuf [dreg:s8], $0x6FFFF;
	_ =	strace $0x90000046  }
0xb9: {  	s29 =	simm.s32 $0x9;
	_ =	strace $0x80000048  }
0xba: {  	_ =	swait.ge [sflag:s29], $0x1  }
0xbb: {  	[sflag:s29] =	ssyncadd.s32 $0xFFFFFFFF  }
0xbc: {  	_ =	strace $0x90000048  }
0xbd: {  	_ =	sfence  }
0xbe: {  	s30 =	sld [smem:$0x0];
	_ =	sdelay $0x2  }
0xbf: {  	s31 =	sshll.u32 s1, $0xD;
	s1 =	sshrl.u32 s1, $0x2  }
0xc0: {  	s3 =	sand.u32 $0x4000, s31;
	s1 =	sadd.s32 s1, s30  }
0xc1: {  	s0 =	sor.u32 s3, s0;
	s1 =	sshll.u32 s1, $0x11  }
0xc2: {  	s0 =	sor.u32 s1, s0  }
0xc3: {  	s0 =	sadd.s32 $0x8F2B, s0  }
0xc4: {  	[sflag:s0] =	ssyncadd.remote.s32 $0x1  }
0xc5: {  	_ =	sfence.sel $0xFFFF  }
0xc6: {  	[dreg:$0x0] =	wrdreg $0xFFFFFFFF;
	(pc) =	sbr.abs _section_cstart, $3  }
0xc7: {  	[dreg:$0x1] =	wrdreg $0xFFFFFFFF  }
0xc8: {  	_ =	task.clear_ibuf [dreg:s8], $0x2FFFF;
	_ =	strace $0x9FFFFFFF  }
0xc9: {  	(tm) =	ssettm $0x7FFFFFFF  }
tec
execute0_lowered:
.L_overlay_start_1:
0x0: {  	(tag) =	ssettag $0x1  }
0x1: {  	s3 =	rddreg [dreg:$0x0]  }
0x2: {  	s4 =	rddreg [dreg:$0x1]  }
0x3: {  	s6 =	rddreg [dreg:$0x2];
	s2 =	srdreg.scid  }
0x4: {  	s0 =	rddreg [dreg:$0x3];
	s1 =	stileid.u32  }
0x5: {  	s11 =	simm.s32 $0x1;
	s12 =	simm.s32 $0x4000;
	s13 =	simm.s32 $0x4100  }
0x6: {  	s14 =	simm.s32 $0x4200;
	s15 =	simm.s32 $0x4300;
	s16 =	simm.s32 $0x0  }
0x7: {  	s5 =	sand.u32 $0x1, s2;
	s2 =	simm.s32 $0x0;
	s7 =	sshll.u32 s1, $0x9  }
0x8: {  	s8 =	sshll.u32 s5, $0x8;
	[smem:$0x7FF] =	sst s2;
	s5 =	ssub.s32 $0x2, s5  }
0x9: {  	s7 =	sor.u32 s8, s7;
	_ =	strace $0x80000047;
	s31 =	sshrl.u32 s5, $0x1  }
0xa: {  	s8 =	sshrl.u32 s7, $0x3;
	s7 =	sadd.s32 s7, s3;
	s10 =	ssub.s32 s5, s31  }
0xb: {  	s9 =	sadd.s32 s8, s3;
	s3 =	sadd.s32 $0x1200, s7;
	s4 =	sadd.s32 s4, s8  }
0xc: {  	s6 =	sadd.s32 s6, s8;
	s8 =	smax.u32 s10, $0x1;
	s10 =	simm.s32 $0x10000  }
0xd: {  	v0 =	vimm.s32 $0x0;
	s5 =	sadd.s32 $0x11600, s9;
	s7 =	sadd.s32 $0x11200, s9;
	s9 =	simm.s32 $0x800  }
.LBB2_1:
0xe: {  	[tilespmem:s2], [sflag:$0x1] =	stream.strided.gather [hbm4b:s3+s9], $0x4000, s10, s9, $0x38;
	[tilespmem:$0x4400] =	vst v63  }
0xf: {  	_ =	swait.ge [sflag:s11], $0x4000  }
0x10: {  	s17 =	sand.u32 $0x70, s2;
	s18 =	sand.u32 $0x400, s2;
	[sflag:s11] =	ssyncset.done $0x0  }
0x11: {  	s17 =	sor.u32 s17, s18;
	[sflag:s11] =	ssyncadd.s32 $0xFFFFC000  }
0x12: {  	v1 =	vld [tilespmem:s17+$0x0];
	_ =	sdelay $0x1  }
0x13: {  	v2 =	vld [tilespmem:s17+$0x80];
	_ =	sdelay $0x2  }
0x14: {  	vm0 =	vgt.f32 v1, $-Inf  }
0x15: {  	v4 =	vimm.s32 $0x0;
	v3 =	vld [tilespmem:s17+$0x100];
	v1 =	vnsel vm0, $0xFF800000, v1  }
0x16: {  	vm9 =	vlt.f32 v2, $-Inf;
	vm1 =	vgt.f32 v2, $-Inf;
	vm2 =	vgt.f32 v2, v1  }
0x17: {  	v38 =	vimm.s32 $0x0;
	vm0 =	vmor vm1, vm9;
	v4 =	vsel vm2, $0xFFFFFFFF, v4  }
0x18: {  	v39 =	vnsel vm0, $0xFF800000, v2;
	vm1 =	vmneg vm2;
	[tilespmem:$0x1FB90] =	vst v4;
	v4 =	vsel vm0, $0xFFFFFFFF, v38  }
0x19: {  	v5 =	vld [tilespmem:s17+$0x180];
	[tilespmem:$0x1FB70] =	vst v4;
	v4 =	vsel vm1, v39, v1  }
0x1a: {  	v1 =	vsel vm1, v1, v2;
	v2 =	vimm.s32 $0x0;
	vm10 =	vgt.f32 v3, v4  }
0x1b: {  	v2 =	vsel vm10, $0xFFFFFFFF, v2  }
0x1c: {  	vm3 =	vgt.f32 v3, v1;
	[tilespmem:$0x1FB80] =	vst v2;
	v2 =	vsel vm10, v3, v4  }
0x1d: {  	v40 =	vld [tilespmem:s17+$0x200];
	v2 =	vsel vm3, v1, v2  }
0x1e: {  	v1 =	vsel vm3, v3, v1;
	v3 =	vimm.s32 $0x0;
	vm11 =	vgt.f32 v5, v2  }
0x1f: {  	v3 =	vsel vm11, $0xFFFFFFFF, v3  }
0x20: {  	vm4 =	vgt.f32 v5, v1;
	v2 =	vsel vm11, v5, v2;
	[tilespmem:$0x1FBA0] =	vst v3;
	v3 =	vld [tilespmem:s17+$0x280]  }
0x21: {  	v2 =	vsel vm4, v1, v2  }
0x22: {  	v1 =	vsel vm4, v5, v1;
	vm12 =	vgt.f32 v40, v2  }
0x23: {  	v42 =	vld [tilespmem:s17+$0x300];
	vm5 =	vgt.f32 v40, v1;
	v2 =	vsel vm12, v40, v2  }
0x24: {  	v2 =	vsel vm5, v1, v2  }
0x25: {  	v1 =	vsel vm5, v40, v1;
	vm13 =	vgt.f32 v3, v2  }
0x26: {  	vm6 =	vgt.f32 v3, v1;
	v2 =	vsel vm13, v3, v2  }
0x27: {  	v44 =	vld [tilespmem:s17+$0x380];
	v2 =	vsel vm6, v1, v2  }
0x28: {  	v1 =	vsel vm6, v3, v1;
	v3 =	vimm.s32 $0x0;
	vm14 =	vgt.f32 v42, v2  }
0x29: {  	v3 =	vsel vm14, $0xFFFFFFFF, v3  }
0x2a: {  	vm7 =	vgt.f32 v42, v1;
	v2 =	vsel vm14, v42, v2;
	[tilespmem:$0x1FBD0] =	vst v3;
	v3 =	vld [tilespmem:s17+$0x800]  }
0x2b: {  	v2 =	vsel vm7, v1, v2  }
0x2c: {  	v1 =	vsel vm7, v42, v1;
	vm15 =	vgt.f32 v44, v2  }
0x2d: {  	v46 =	vld [tilespmem:s17+$0x880];
	vm8 =	vgt.f32 v44, v1;
	v2 =	vsel vm15, v44, v2  }
0x2e: {  	v41 =	vimm.s32 $0x0;
	v2 =	vsel vm8, v1, v2  }
0x2f: {  	v5 =	vsel vm12, $0xFFFFFFFF, v41;
	v1 =	vsel vm8, v44, v1;
	vm12 =	vgt.f32 v3, v2  }
0x30: {  	v43 =	vimm.s32 $0x0;
	vm9 =	vgt.f32 v3, v1;
	v2 =	vsel vm12, v3, v2  }
0x31: {  	v48 =	vld [tilespmem:s17+$0x900];
	v4 =	vsel vm13, $0xFFFFFFFF, v43;
	v2 =	vsel vm9, v1, v2  }
0x32: {  	v1 =	vsel vm9, v3, v1;
	v3 =	vimm.s32 $0x0;
	vm13 =	vgt.f32 v46, v2  }
0x33: {  	v3 =	vsel vm13, $0xFFFFFFFF, v3  }
0x34: {  	vm10 =	vgt.f32 v46, v1;
	v2 =	vsel vm13, v46, v2;
	[tilespmem:$0x1FC00] =	vst v3;
	v3 =	vld [tilespmem:s17+$0x980]  }
0x35: {  	v2 =	vsel vm10, v1, v2  }
0x36: {  	v1 =	vsel vm10, v46, v1;
	vm14 =	vgt.f32 v48, v2  }
0x37: {  	v45 =	vimm.s32 $0x0;
	v50 =	vld [tilespmem:s17+$0xA00];
	vm11 =	vgt.f32 v48, v1;
	v2 =	vsel vm14, v48, v2  }
0x38: {  	v47 =	vimm.s32 $0x0;
	v49 =	vimm.s32 $0x0;
	v2 =	vsel vm11, v1, v2  }
0x39: {  	[tilespmem:$0x1FBB0] =	vst v5;
	v5 =	vsel vm15, $0xFFFFFFFF, v45;
	v1 =	vsel vm11, v48, v1;
	vm15 =	vgt.f32 v3, v2  }
0x3a: {  	v51 =	vimm.s32 $0x0;
	vm2 =	vgt.f32 v3, v1;
	v2 =	vsel vm15, v3, v2  }
0x3b: {  	v53 =	vimm.s32 $0x0;
	v52 =	vld [tilespmem:s17+$0xA80];
	[tilespmem:$0x1FBC0] =	vst v4;
	v4 =	vsel vm12, $0xFFFFFFFF, v47;
	v2 =	vsel vm2, v1, v2  }
0x3c: {  	v1 =	vsel vm2, v3, v1;
	v3 =	vimm.s32 $0x0;
	vm12 =	vgt.f32 v50, v2  }
0x3d: {  	v55 =	vimm.s32 $0x0;
	v6 =	vimm.s32 $0x0;
	v3 =	vsel vm12, $0xFFFFFFFF, v3  }
0x3e: {  	v57 =	vimm.s32 $0x0;
	v2 =	vsel vm12, v50, v2;
	vm12 =	vgt.f32 v50, v1;
	[tilespmem:$0x1FC30] =	vst v3;
	v3 =	vld [tilespmem:s17+$0xB00]  }
0x3f: {  	v60 =	vimm.s32 $0x0;
	v8 =	vimm.s32 $0x0;
	v2 =	vsel vm12, v1, v2  }
0x40: {  	[tilespmem:$0x1FBE0] =	vst v5;
	v5 =	vsel vm14, $0xFFFFFFFF, v49;
	v1 =	vsel vm12, v50, v1;
	vm13 =	vgt.f32 v52, v2  }
0x41: {  	v54 =	vld [tilespmem:s17+$0xB80];
	[tilespmem:$0x1FC10] =	vst v5;
	v5 =	vsel vm13, $0xFFFFFFFF, v53;
	v2 =	vsel vm13, v52, v2;
	vm13 =	vgt.f32 v52, v1  }
0x42: {  	v11 =	vimm.s32 $0x0;
	v14 =	vimm.s32 $0x0;
	v2 =	vsel vm13, v1, v2  }
0x43: {  	v56 =	vld [tilespmem:s17+$0x1000];
	[tilespmem:$0x1FBF0] =	vst v4;
	v4 =	vsel vm15, $0xFFFFFFFF, v51;
	v1 =	vsel vm13, v52, v1;
	vm14 =	vgt.f32 v3, v2  }
0x44: {  	v58 =	vld [tilespmem:$0x1FB70];
	[tilespmem:$0x1FC20] =	vst v4;
	v4 =	vsel vm14, $0xFFFFFFFF, v55;
	v2 =	vsel vm14, v3, v2;
	vm14 =	vgt.f32 v3, v1  }
0x45: {  	v17 =	vimm.s32 $0x0;
	v20 =	vimm.s32 $0x0;
	v7 =	vld [tilespmem:$0x1FB80];
	v2 =	vsel vm14, v1, v2  }
0x46: {  	v1 =	vsel vm14, v3, v1;
	v3 =	vimm.s32 $0x0;
	vm15 =	vgt.f32 v54, v2  }
0x47: {  	v62 =	vld [tilespmem:$0x1FB90];
	v3 =	vsel vm15, $0xFFFFFFFF, v3;
	v2 =	vsel vm15, v54, v2;
	vm15 =	vgt.f32 v54, v1  }
0x48: {  	v23 =	vimm.s32 $0x0;
	[tilespmem:$0x1FC60] =	vst v3;
	v3 =	vld [tilespmem:s17+$0x1080];
	v6 =	vsel vm15, $0xFFFFFFFF, v6;
	v2 =	vsel vm15, v1, v2  }
0x49: {  	v1 =	vsel vm15, v54, v1;
	vm15 =	vnez.u8 v58;
	vm0 =	vgt.f32 v56, v2  }
0x4a: {  	[tilespmem:$0x1FC40] =	vst v5;
	vm1 =	vmand vm15, vm1;
	vm15 =	vnez.u8 v7;
	v5 =	vsel vm0, $0xFFFFFFFF, v57  }
0x4b: {  	v59 =	vld [tilespmem:s17+$0x1100];
	v2 =	vsel vm0, v56, v2;
	vm0 =	vgt.f32 v56, v1;
	v61 =	vsel vm1, $0x1, v0  }
0x4c: {  	[tilespmem:$0x1FC70] =	vst v6;
	v6 =	vsel vm0, $0xFFFFFFFF, v60;
	v2 =	vsel vm0, v1, v2;
	v1 =	vsel vm0, v56, v1  }
0x4d: {  	[tilespmem:$0x1FC90] =	vst v6;
	v6 =	vsel vm15, $0x2, v61;
	vm15 =	vnez.u8 v62;
	vm1 =	vgt.f32 v3, v2  }
0x4e: {  	[tilespmem:$0x1FC50] =	vst v4;
	v4 =	vsel vm15, $0x1, v0;
	vm15 =	vgt.f32 v3, v1;
	v2 =	vsel vm1, v3, v2  }
0x4f: {  	v26 =	vimm.s32 $0x0;
	v29 =	vimm.s32 $0x0;
	v2 =	vsel vm15, v1, v2  }
0x50: {  	v1 =	vsel vm15, v3, v1;
	v3 =	vimm.s32 $0x0;
	vm0 =	vgt.f32 v59, v2  }
0x51: {  	v32 =	vimm.s32 $0x0;
	v35 =	vimm.s32 $0x0;
	v63 =	vld [tilespmem:s17+$0x1180];
	v3 =	vsel vm0, $0xFFFFFFFF, v3  }
0x52: {  	v38 =	vimm.s32 $0x0;
	v39 =	vimm.s32 $0x0;
	v42 =	vimm.s32 $0x0;
	[tilespmem:$0x1FCB0] =	vst v3;
	v3 =	vld [tilespmem:$0x1FBA0]  }
0x53: {  	v12 =	vld [tilespmem:$0x1FBB0];
	v45 =	vimm.s32 $0x0;
	v49 =	vimm.s32 $0x0;
	v53 =	vimm.s32 $0x0  }
0x54: {  	v56 =	vimm.s32 $0x0;
	v62 =	vimm.s32 $0x0;
	v6 =	vsel vm3, v4, v6  }
0x55: {  	v4 =	vsel vm3, $0x2, v4;
	vm3 =	vgt.f32 v59, v1;
	v2 =	vsel vm0, v59, v2  }
0x56: {  	v15 =	vld [tilespmem:$0x1FBC0];
	v8 =	vsel vm15, $0xFFFFFFFF, v8;
	v2 =	vsel vm3, v1, v2;
	v1 =	vsel vm3, v59, v1  }
0x57: {  	v10 =	vld [tilespmem:s17+$0x1200];
	v59 =	vimm.s32 $0x0;
	vm0 =	vgt.f32 v63, v2;
	vm15 =	vnez.u8 v3  }
0x58: {  	v2 =	vsel vm0, v63, v2;
	v3 =	vsel vm15, $0x3, v6;
	vm15 =	vnez.u8 v12  }
0x59: {  	v18 =	vld [tilespmem:$0x1FBD0];
	v3 =	vsel vm4, v4, v3;
	v4 =	vsel vm4, $0x3, v4;
	vm4 =	vgt.f32 v63, v1  }
0x5a: {  	[tilespmem:$0x1FC80] =	vst v5;
	v5 =	vsel vm0, $0xFFFFFFFF, v11;
	v3 =	vsel vm15, $0x4, v3;
	v2 =	vsel vm4, v1, v2  }
0x5b: {  	v13 =	vld [tilespmem:s17+$0x1280];
	v1 =	vsel vm4, v63, v1;
	vm15 =	vnez.u8 v15;
	v3 =	vsel vm5, v4, v3  }
0x5c: {  	v21 =	vld [tilespmem:$0x1FBE0];
	v4 =	vsel vm5, $0x4, v4;
	vm0 =	vgt.f32 v10, v2;
	vm5 =	vgt.f32 v10, v1  }
0x5d: {  	v7 =	vsel vm0, $0xFFFFFFFF, v14;
	v3 =	vsel vm15, $0x5, v3;
	v2 =	vsel vm0, v10, v2  }
0x5e: {  	v24 =	vld [tilespmem:$0x1FBF0];
	vm15 =	vnez.u8 v18;
	v3 =	vsel vm6, v4, v3;
	v2 =	vsel vm5, v1, v2  }
0x5f: {  	v16 =	vld [tilespmem:s17+$0x1300];
	v4 =	vsel vm6, $0x5, v4;
	v1 =	vsel vm5, v10, v1;
	v10 =	vimm.s32 $0x0  }
0x60: {  	vm0 =	vgt.f32 v13, v2;
	v3 =	vsel vm15, $0x6, v3;
	vm6 =	vgt.f32 v13, v1  }
0x61: {  	v27 =	vld [tilespmem:$0x1FC00];
	vm15 =	vnez.u8 v21;
	v6 =	vsel vm0, $0xFFFFFFFF, v17;
	v2 =	vsel vm0, v13, v2  }
0x62: {  	v3 =	vsel vm7, v4, v3;
	v4 =	vsel vm7, $0x6, v4;
	v2 =	vsel vm6, v1, v2  }
0x63: {  	v19 =	vld [tilespmem:s17+$0x1380];
	v1 =	vsel vm6, v13, v1;
	v3 =	vsel vm15, $0x7, v3;
	vm15 =	vnez.u8 v24  }
0x64: {  	v30 =	vld [tilespmem:$0x1FC10];
	v13 =	vimm.s32 $0x0;
	vm0 =	vgt.f32 v16, v2;
	vm7 =	vgt.f32 v16, v1  }
0x65: {  	[tilespmem:$0x1FCC0] =	vst v5;
	v3 =	vsel vm8, v4, v3;
	v4 =	vsel vm8, $0x7, v4;
	v5 =	vsel vm0, $0xFFFFFFFF, v20  }
0x66: {  	v2 =	vsel vm0, v16, v2;
	v3 =	vsel vm15, $0x8, v3;
	vm15 =	vnez.u8 v27  }
0x67: {  	v33 =	vld [tilespmem:$0x1FC20];
	v2 =	vsel vm7, v1, v2;
	v1 =	vsel vm7, v16, v1;
	v3 =	vsel vm9, v4, v3  }
0x68: {  	v22 =	vld [tilespmem:s17+$0x1800];
	v4 =	vsel vm9, $0x8, v4;
	v16 =	vimm.s32 $0x0;
	vm0 =	vgt.f32 v19, v2  }
0x69: {  	vm8 =	vgt.f32 v19, v1;
	v3 =	vsel vm15, $0x9, v3;
	vm15 =	vnez.u8 v30  }
0x6a: {  	[tilespmem:$0x1FCD0] =	vst v7;
	v30 =	vimm.s32 $0x0;
	v7 =	vsel vm0, $0xFFFFFFFF, v23;
	v2 =	vsel vm0, v19, v2  }
0x6b: {  	v36 =	vld [tilespmem:$0x1FC30];
	v3 =	vsel vm10, v4, v3;
	v4 =	vsel vm10, $0x9, v4;
	v2 =	vsel vm8, v1, v2  }
0x6c: {  	v1 =	vsel vm8, v19, v1;
	v3 =	vsel vm15, $0xA, v3;
	vm15 =	vnez.u8 v33  }
0x6d: {  	v57 =	vld [tilespmem:$0x1FCB0];
	v19 =	vimm.s32 $0x0;
	v33 =	vimm.s32 $0x0;
	vm0 =	vgt.f32 v22, v2  }
0x6e: {  	v25 =	vld [tilespmem:s17+$0x1880];
	vm9 =	vgt.f32 v22, v1;
	v3 =	vsel vm11, v4, v3;
	v4 =	vsel vm11, $0xA, v4  }
0x6f: {  	[tilespmem:$0x1FCE0] =	vst v6;
	v6 =	vsel vm0, $0xFFFFFFFF, v26;
	v2 =	vsel vm0, v22, v2;
	v3 =	vsel vm15, $0xB, v3  }
0x70: {  	v40 =	vld [tilespmem:$0x1FC40];
	vm15 =	vnez.u8 v36;
	v26 =	vimm.s32 $0x0;
	v36 =	vimm.s32 $0x0  }
0x71: {  	v2 =	vsel vm9, v1, v2;
	v1 =	vsel vm9, v22, v1;
	v3 =	vsel vm2, v4, v3  }
0x72: {  	v28 =	vld [tilespmem:s17+$0x1900];
	v4 =	vsel vm2, $0xB, v4;
	vm2 =	vnez.u8 v57;
	v22 =	vimm.s32 $0x0  }
0x73: {  	vm0 =	vgt.f32 v25, v2;
	vm10 =	vgt.f32 v25, v1;
	v3 =	vsel vm15, $0xC, v3  }
0x74: {  	v43 =	vld [tilespmem:$0x1FC50];
	[tilespmem:$0x1FCF0] =	vst v5;
	v5 =	vsel vm0, $0xFFFFFFFF, v29;
	v2 =	vsel vm0, v25, v2;
	v3 =	vsel vm12, v4, v3  }
0x75: {  	v31 =	vld [tilespmem:s17+$0x1980];
	v4 =	vsel vm12, $0xC, v4;
	vm12 =	vnez.u8 v40;
	v29 =	vimm.s32 $0x0  }
0x76: {  	v2 =	vsel vm10, v1, v2;
	v1 =	vsel vm10, v25, v1;
	v3 =	vsel vm12, $0xD, v3  }
0x77: {  	v46 =	vld [tilespmem:$0x1FC60];
	v25 =	vimm.s32 $0x0;
	vm0 =	vgt.f32 v28, v2;
	vm11 =	vgt.f32 v28, v1  }
0x78: {  	v34 =	vld [tilespmem:s17+$0x1A00];
	v3 =	vsel vm13, v4, v3;
	v4 =	vsel vm13, $0xD, v4;
	v2 =	vsel vm0, v28, v2  }
0x79: {  	[tilespmem:$0x1FD00] =	vst v7;
	vm13 =	vnez.u8 v43;
	v7 =	vsel vm0, $0xFFFFFFFF, v32;
	v2 =	vsel vm11, v1, v2  }
0x7a: {  	v3 =	vsel vm13, $0xE, v3;
	v1 =	vsel vm11, v28, v1;
	vm0 =	vgt.f32 v31, v2  }
0x7b: {  	v37 =	vld [tilespmem:s17+$0x1A80];
	v3 =	vsel vm14, v4, v3;
	vm15 =	vgt.f32 v31, v1;
	v2 =	vsel vm0, v31, v2  }
0x7c: {  	v4 =	vsel vm14, $0xE, v4;
	vm14 =	vnez.u8 v46;
	v2 =	vsel vm15, v1, v2  }
0x7d: {  	[tilespmem:$0x1FCA0] =	vst v8;
	v8 =	vsel vm15, $0xFFFFFFFF, v38;
	v1 =	vsel vm15, v31, v1;
	vm15 =	vgt.f32 v34, v2  }
0x7e: {  	v41 =	vld [tilespmem:s17+$0x1B00];
	v3 =	vsel vm14, $0xF, v3;
	vm12 =	vgt.f32 v34, v1;
	v2 =	vsel vm15, v34, v2  }
0x7f: {  	v48 =	vld [tilespmem:$0x1FC70];
	[tilespmem:$0x1FD10] =	vst v6;
	v6 =	vsel vm0, $0xFFFFFFFF, v35;
	v38 =	vimm.s32 $0x0;
	v2 =	vsel vm12, v1, v2  }
0x80: {  	[tilespmem:$0x1FD20] =	vst v5;
	v5 =	vsel vm15, $0xFFFFFFFF, v39;
	v1 =	vsel vm12, v34, v1;
	vm15 =	vgt.f32 v37, v2  }
0x81: {  	v50 =	vld [tilespmem:$0x1FC80];
	v39 =	vimm.s32 $0x0;
	vm13 =	vgt.f32 v37, v1;
	v2 =	vsel vm15, v37, v2  }
0x82: {  	v44 =	vld [tilespmem:s17+$0x1B80];
	[tilespmem:$0x1FD30] =	vst v7;
	v7 =	vsel vm15, $0xFFFFFFFF, v42;
	v2 =	vsel vm13, v1, v2;
	v1 =	vsel vm13, v37, v1  }
0x83: {  	v42 =	vimm.s32 $0x0;
	vm15 =	vgt.f32 v41, v2;
	vm14 =	vgt.f32 v41, v1  }
0x84: {  	v52 =	vld [tilespmem:$0x1FC90];
	[tilespmem:$0x1FD40] =	vst v6;
	v6 =	vsel vm15, $0xFFFFFFFF, v45;
	v2 =	vsel vm15, v41, v2;
	vm15 =	vnez.u8 v48  }
0x85: {  	v45 =	vimm.s32 $0x0;
	v48 =	vimm.s32 $0x0;
	v3 =	vsel vm15, v4, v3  }
0x86: {  	v47 =	vld [tilespmem:s17+$0x2000];
	v2 =	vsel vm14, v1, v2;
	v4 =	vsel vm15, $0xF, v4;
	vm15 =	vnez.u8 v50  }
0x87: {  	v1 =	vsel vm14, v41, v1;
	vm0 =	vgt.f32 v44, v2;
	v3 =	vsel vm15, $0x10, v3  }
0x88: {  	v55 =	vld [tilespmem:$0x1FCA0];
	[tilespmem:$0x1FD60] =	vst v5;
	vm15 =	vgt.f32 v44, v1;
	v5 =	vsel vm0, $0xFFFFFFFF, v49;
	v2 =	vsel vm0, v44, v2  }
0x89: {  	v51 =	vld [tilespmem:s17+$0x2080];
	vm0 =	vnez.u8 v52;
	v49 =	vimm.s32 $0x0;
	v52 =	vimm.s32 $0x0  }
0x8a: {  	v3 =	vsel vm0, v4, v3;
	v2 =	vsel vm15, v1, v2;
	v4 =	vsel vm0, $0x10, v4  }
0x8b: {  	v1 =	vsel vm15, v44, v1;
	vm0 =	vgt.f32 v47, v2;
	v3 =	vsel vm1, $0x11, v3  }
0x8c: {  	v60 =	vld [tilespmem:$0x1FCC0];
	[tilespmem:$0x1FD70] =	vst v7;
	vm1 =	vgt.f32 v47, v1;
	v7 =	vsel vm0, $0xFFFFFFFF, v53;
	v2 =	vsel vm0, v47, v2  }
0x8d: {  	vm0 =	vnez.u8 v55;
	v55 =	vimm.s32 $0x0;
	v2 =	vsel vm1, v1, v2  }
0x8e: {  	v54 =	vld [tilespmem:s17+$0x2100];
	v3 =	vsel vm0, v4, v3;
	v4 =	vsel vm0, $0x11, v4;
	vm0 =	vgt.f32 v51, v2  }
0x8f: {  	v63 =	vld [tilespmem:$0x1FCD0];
	[tilespmem:$0x1FD80] =	vst v6;
	v1 =	vsel vm1, v47, v1;
	v3 =	vsel vm2, $0x12, v3;
	v6 =	vsel vm0, $0xFFFFFFFF, v56  }
0x90: {  	v2 =	vsel vm0, v51, v2;
	vm0 =	vgt.f32 v51, v1;
	v3 =	vsel vm3, v4, v3  }
0x91: {  	v4 =	vsel vm3, $0x12, v4;
	vm3 =	vnez.u8 v60;
	v56 =	vimm.s32 $0x0  }
0x92: {  	v11 =	vld [tilespmem:$0x1FCE0];
	v60 =	vimm.s32 $0x0;
	v2 =	vsel vm0, v1, v2;
	v3 =	vsel vm3, $0x13, v3  }
0x93: {  	v58 =	vld [tilespmem:s17+$0x2180];
	v1 =	vsel vm0, v51, v1;
	vm2 =	vgt.f32 v54, v2;
	v3 =	vsel vm4, v4, v3  }
0x94: {  	v4 =	vsel vm4, $0x13, v4;
	vm4 =	vnez.u8 v63;
	v63 =	vimm.s32 $0x0  }
0x95: {  	v14 =	vld [tilespmem:$0x1FCF0];
	[tilespmem:$0x1FD90] =	vst v5;
	v5 =	vsel vm2, $0xFFFFFFFF, v59;
	v2 =	vsel vm2, v54, v2;
	vm2 =	vgt.f32 v54, v1  }
0x96: {  	v3 =	vsel vm4, $0x14, v3;
	v59 =	vimm.s32 $0x0;
	v2 =	vsel vm2, v1, v2  }
0x97: {  	v61 =	vld [tilespmem:s17+$0x2200];
	v3 =	vsel vm5, v4, v3;
	v4 =	vsel vm5, $0x14, v4;
	vm5 =	vnez.u8 v11  }
0x98: {  	v17 =	vld [tilespmem:$0x1FD00];
	v1 =	vsel vm2, v54, v1;
	vm3 =	vgt.f32 v58, v2;
	v3 =	vsel vm5, $0x15, v3  }
0x99: {  	[tilespmem:$0x1FDA0] =	vst v7;
	v7 =	vsel vm3, $0xFFFFFFFF, v62;
	v2 =	vsel vm3, v58, v2;
	vm3 =	vgt.f32 v58, v1  }
0x9a: {  	v9 =	vld [tilespmem:s17+$0x2280];
	v3 =	vsel vm6, v4, v3;
	v4 =	vsel vm6, $0x15, v4;
	vm6 =	vnez.u8 v14  }
0x9b: {  	v20 =	vld [tilespmem:$0x1FD10];
	v2 =	vsel vm3, v1, v2;
	v1 =	vsel vm3, v58, v1;
	v3 =	vsel vm6, $0x16, v3  }
0x9c: {  	vm4 =	vgt.f32 v61, v2;
	v3 =	vsel vm7, v4, v3;
	v4 =	vsel vm7, $0x16, v4  }
0x9d: {  	[tilespmem:$0x1FDB0] =	vst v6;
	vm7 =	vnez.u8 v17;
	v6 =	vsel vm4, $0xFFFFFFFF, v10;
	v2 =	vsel vm4, v61, v2  }
0x9e: {  	v23 =	vld [tilespmem:$0x1FD20];
	vm4 =	vgt.f32 v61, v1;
	v3 =	vsel vm7, $0x17, v3;
	v10 =	vimm.s32 $0x0  }
0x9f: {  	v27 =	vld [tilespmem:$0x1FD30];
	v2 =	vsel vm4, v1, v2;
	v1 =	vsel vm4, v61, v1;
	v3 =	vsel vm8, v4, v3  }
0xa0: {  	v12 =	vld [tilespmem:s17+$0x2300];
	v4 =	vsel vm8, $0x17, v4;
	vm8 =	vnez.u8 v20;
	vm5 =	vgt.f32 v9, v2  }
0xa1: {  	v35 =	vld [tilespmem:$0x1FD60];
	[tilespmem:$0x1FDC0] =	vst v5;
	v3 =	vsel vm8, $0x18, v3;
	v5 =	vsel vm5, $0xFFFFFFFF, v13;
	v2 =	vsel vm5, v9, v2  }
0xa2: {  	v31 =	vld [tilespmem:$0x1FD40];
	vm5 =	vgt.f32 v9, v1;
	v3 =	vsel vm9, v4, v3;
	v4 =	vsel vm9, $0x18, v4  }
0xa3: {  	vm9 =	vnez.u8 v23;
	v13 =	vimm.s32 $0x0;
	v2 =	vsel vm5, v1, v2  }
0xa4: {  	v15 =	vld [tilespmem:s17+$0x2380];
	[tilespmem:$0x1FD50] =	vst v8;
	v1 =	vsel vm5, v9, v1;
	v3 =	vsel vm9, $0x19, v3;
	vm9 =	vnez.u8 v27  }
0xa5: {  	v34 =	vld [tilespmem:$0x1FD50];
	vm6 =	vgt.f32 v12, v2;
	v3 =	vsel vm10, v4, v3;
	v4 =	vsel vm10, $0x19, v4  }
0xa6: {  	[tilespmem:$0x1FDD0] =	vst v7;
	vm10 =	vnez.u8 v35;
	v7 =	vsel vm6, $0xFFFFFFFF, v16;
	v2 =	vsel vm6, v12, v2  }
0xa7: {  	vm6 =	vgt.f32 v12, v1;
	v3 =	vsel vm9, $0x1A, v3;
	vm9 =	vnez.u8 v31  }
0xa8: {  	v18 =	vld [tilespmem:s17+$0x2800];
	v16 =	vimm.s32 $0x0;
	v2 =	vsel vm6, v1, v2;
	v1 =	vsel vm6, v12, v1  }
0xa9: {  	v40 =	vld [tilespmem:$0x1FD70];
	v3 =	vsel vm11, v4, v3;
	v4 =	vsel vm11, $0x1A, v4;
	vm7 =	vgt.f32 v15, v2  }
0xaa: {  	v3 =	vsel vm9, $0x1B, v3;
	vm9 =	vnez.u8 v34;
	v34 =	vimm.s32 $0x0  }
0xab: {  	[tilespmem:$0x1FDE0] =	vst v6;
	v6 =	vsel vm7, $0xFFFFFFFF, v19;
	v2 =	vsel vm7, v15, v2;
	vm7 =	vgt.f32 v15, v1  }
0xac: {  	v21 =	vld [tilespmem:s17+$0x2880];
	v3 =	vsel vm9, v4, v3;
	v4 =	vsel vm9, $0x1B, v4;
	v2 =	vsel vm7, v1, v2  }
0xad: {  	v1 =	vsel vm7, v15, v1;
	v3 =	vsel vm10, $0x1C, v3;
	vm8 =	vgt.f32 v18, v2  }
0xae: {  	v3 =	vsel vm12, v4, v3;
	v4 =	vsel vm12, $0x1C, v4;
	vm12 =	vnez.u8 v40  }
0xaf: {  	v24 =	vld [tilespmem:s17+$0x2900];
	[tilespmem:$0x1FDF0] =	vst v5;
	v5 =	vsel vm8, $0xFFFFFFFF, v22;
	v2 =	vsel vm8, v18, v2;
	vm8 =	vgt.f32 v18, v1  }
0xb0: {  	v19 =	vimm.s32 $0x0;
	v3 =	vsel vm12, $0x1D, v3;
	v2 =	vsel vm8, v1, v2  }
0xb1: {  	v8 =	vsel vm8, $0xFFFFFFFF, v25;
	v1 =	vsel vm8, v18, v1;
	vm8 =	vgt.f32 v21, v2  }
0xb2: {  	v28 =	vld [tilespmem:s17+$0x2980];
	[tilespmem:$0x1FE00] =	vst v7;
	v7 =	vsel vm8, $0xFFFFFFFF, v26;
	v2 =	vsel vm8, v21, v2;
	vm8 =	vgt.f32 v21, v1  }
0xb3: {  	v22 =	vimm.s32 $0x0;
	v3 =	vsel vm13, v4, v3;
	v2 =	vsel vm8, v1, v2  }
0xb4: {  	[tilespmem:$0x1FE30] =	vst v8;
	v8 =	vsel vm8, $0xFFFFFFFF, v29;
	v1 =	vsel vm8, v21, v1;
	vm8 =	vgt.f32 v24, v2  }
0xb5: {  	v32 =	vld [tilespmem:s17+$0x2A00];
	[tilespmem:$0x1FE10] =	vst v6;
	v6 =	vsel vm8, $0xFFFFFFFF, v30;
	v2 =	vsel vm8, v24, v2;
	vm8 =	vgt.f32 v24, v1  }
0xb6: {  	v4 =	vsel vm13, $0x1D, v4;
	v26 =	vimm.s32 $0x0;
	v2 =	vsel vm8, v1, v2  }
0xb7: {  	v43 =	vld [tilespmem:$0x1FD80];
	[tilespmem:$0x1FE50] =	vst v8;
	v8 =	vsel vm8, $0xFFFFFFFF, v33;
	v1 =	vsel vm8, v24, v1;
	vm8 =	vgt.f32 v28, v2  }
0xb8: {  	v37 =	vld [tilespmem:s17+$0x2A80];
	[tilespmem:$0x1FE20] =	vst v5;
	v5 =	vsel vm8, $0xFFFFFFFF, v36;
	v2 =	vsel vm8, v28, v2;
	vm8 =	vgt.f32 v28, v1  }
0xb9: {  	v30 =	vimm.s32 $0x0;
	v2 =	vsel vm8, v1, v2;
	v1 =	vsel vm8, v28, v1  }
0xba: {  	v46 =	vld [tilespmem:$0x1FD90];
	[tilespmem:$0x1FE70] =	vst v8;
	v8 =	vsel vm8, $0xFFFFFFFF, v38;
	vm8 =	vgt.f32 v32, v2;
	vm12 =	vgt.f32 v32, v1  }
0xbb: {  	v38 =	vimm.s32 $0x0;
	v2 =	vsel vm8, v32, v2;
	vm13 =	vmmov vm12  }
0xbc: {  	v41 =	vld [tilespmem:s17+$0x2B00];
	v2 =	vsel vm12, v1, v2;
	v1 =	vsel vm12, v32, v1;
	vm12 =	vnez.u8 v43  }
0xbd: {  	v50 =	vld [tilespmem:$0x1FDA0];
	[tilespmem:$0x1FE40] =	vst v7;
	v7 =	vsel vm8, $0xFFFFFFFF, v39;
	vm8 =	vgt.f32 v37, v2;
	v3 =	vsel vm12, $0x1E, v3  }
0xbe: {  	[tilespmem:$0x1FE60] =	vst v6;
	vm12 =	vgt.f32 v37, v1;
	v6 =	vsel vm8, $0xFFFFFFFF, v42;
	v2 =	vsel vm8, v37, v2  }
0xbf: {  	v57 =	vld [tilespmem:$0x1FDC0];
	v3 =	vsel vm14, v4, v3;
	v4 =	vsel vm14, $0x1E, v4;
	vm14 =	vnez.u8 v46  }
0xc0: {  	v44 =	vld [tilespmem:s17+$0x2B80];
	v2 =	vsel vm12, v1, v2;
	v1 =	vsel vm12, v37, v1;
	v3 =	vsel vm14, $0x1F, v3  }
0xc1: {  	vm8 =	vgt.f32 v41, v2;
	vm14 =	vgt.f32 v41, v1;
	v3 =	vsel vm15, v4, v3  }
0xc2: {  	v53 =	vld [tilespmem:$0x1FDB0];
	[tilespmem:$0x1FE80] =	vst v5;
	v4 =	vsel vm15, $0x1F, v4;
	vm15 =	vnez.u8 v50;
	v5 =	vsel vm8, $0xFFFFFFFF, v45  }
0xc3: {  	v47 =	vld [tilespmem:s17+$0x3000];
	[tilespmem:$0x1FE90] =	vst v8;
	v2 =	vsel vm8, v41, v2;
	v8 =	vsel vm14, $0xFFFFFFFF, v48;
	v3 =	vsel vm15, $0x20, v3  }
0xc4: {  	vm8 =	vnez.u8 v57;
	v2 =	vsel vm14, v1, v2;
	v1 =	vsel vm14, v41, v1  }
0xc5: {  	v3 =	vsel vm1, v4, v3;
	v4 =	vsel vm1, $0x20, v4;
	vm14 =	vgt.f32 v44, v2  }
0xc6: {  	v41 =	vimm.s32 $0x0;
	vm15 =	vgt.f32 v44, v1;
	v2 =	vsel vm14, v44, v2  }
0xc7: {  	v61 =	vld [tilespmem:$0x1FDD0];
	[tilespmem:$0x1FEA0] =	vst v7;
	v7 =	vsel vm14, $0xFFFFFFFF, v49;
	vm14 =	vnez.u8 v53;
	v2 =	vsel vm15, v1, v2  }
0xc8: {  	v51 =	vld [tilespmem:s17+$0x3080];
	v1 =	vsel vm15, v44, v1;
	v3 =	vsel vm14, $0x21, v3;
	vm1 =	vgt.f32 v47, v2  }
0xc9: {  	v14 =	vld [tilespmem:$0x1FDF0];
	[tilespmem:$0x1FEB0] =	vst v6;
	vm11 =	vgt.f32 v47, v1;
	v3 =	vsel vm0, v4, v3;
	v4 =	vsel vm0, $0x21, v4  }
0xca: {  	[tilespmem:$0x1FED0] =	vst v8;
	v6 =	vsel vm1, $0xFFFFFFFF, v52;
	v2 =	vsel vm1, v47, v2;
	v8 =	vsel vm11, $0xFFFFFFFF, v55  }
0xcb: {  	v11 =	vld [tilespmem:$0x1FDE0];
	v3 =	vsel vm8, $0x22, v3;
	v2 =	vsel vm11, v1, v2;
	v1 =	vsel vm11, v47, v1  }
0xcc: {  	v54 =	vld [tilespmem:s17+$0x3100];
	v3 =	vsel vm2, v4, v3;
	v4 =	vsel vm2, $0x22, v4;
	vm11 =	vnez.u8 v61  }
0xcd: {  	v20 =	vld [tilespmem:$0x1FE10];
	vm14 =	vgt.f32 v51, v2;
	vm9 =	vgt.f32 v51, v1;
	v3 =	vsel vm11, $0x23, v3  }
0xce: {  	[tilespmem:$0x1FEC0] =	vst v5;
	vm11 =	vnez.u8 v14;
	v5 =	vsel vm14, $0xFFFFFFFF, v56;
	v2 =	vsel vm14, v51, v2  }
0xcf: {  	[tilespmem:$0x1FF00] =	vst v8;
	v8 =	vsel vm9, $0xFFFFFFFF, v59;
	v3 =	vsel vm3, v4, v3;
	v4 =	vsel vm3, $0x23, v4  }
0xd0: {  	v58 =	vld [tilespmem:s17+$0x3180];
	v2 =	vsel vm9, v1, v2;
	v1 =	vsel vm9, v51, v1;
	vm9 =	vnez.u8 v11  }
0xd1: {  	v17 =	vld [tilespmem:$0x1FE00];
	vm10 =	vgt.f32 v54, v2;
	vm14 =	vgt.f32 v54, v1;
	v3 =	vsel vm9, $0x24, v3  }
0xd2: {  	v62 =	vld [tilespmem:s17+$0x3200];
	[tilespmem:$0x1FEE0] =	vst v7;
	vm9 =	vnez.u8 v20;
	v7 =	vsel vm10, $0xFFFFFFFF, v60;
	v2 =	vsel vm10, v54, v2  }
0xd3: {  	v23 =	vld [tilespmem:$0x1FE20];
	[tilespmem:$0x1FF20] =	vst v8;
	v8 =	vsel vm14, $0xFFFFFFFF, v63;
	v3 =	vsel vm4, v4, v3;
	v4 =	vsel vm4, $0x24, v4  }
0xd4: {  	v2 =	vsel vm14, v1, v2;
	v1 =	vsel vm14, v54, v1;
	v3 =	vsel vm11, $0x25, v3  }
0xd5: {  	v25 =	vld [tilespmem:$0x1FE30];
	vm8 =	vgt.f32 v58, v2;
	vm14 =	vgt.f32 v58, v1;
	v3 =	vsel vm5, v4, v3  }
0xd6: {  	v12 =	vld [tilespmem:s17+$0x3280];
	v4 =	vsel vm5, $0x25, v4;
	vm5 =	vnez.u8 v17;
	v2 =	vsel vm8, v58, v2  }
0xd7: {  	[tilespmem:$0x1FEF0] =	vst v6;
	v6 =	vsel vm8, $0xFFFFFFFF, v10;
	v3 =	vsel vm5, $0x26, v3;
	v2 =	vsel vm14, v1, v2  }
0xd8: {  	vm5 =	vnez.u8 v23;
	v1 =	vsel vm14, v58, v1;
	vm10 =	vgt.f32 v62, v2  }
0xd9: {  	v15 =	vld [tilespmem:s17+$0x3300];
	v3 =	vsel vm6, v4, v3;
	vm11 =	vgt.f32 v62, v1;
	v2 =	vsel vm10, v62, v2  }
0xda: {  	v29 =	vld [tilespmem:$0x1FE50];
	v4 =	vsel vm6, $0x26, v4;
	vm6 =	vnez.u8 v25;
	v2 =	vsel vm11, v1, v2  }
0xdb: {  	v3 =	vsel vm9, $0x27, v3;
	v1 =	vsel vm11, v62, v1;
	vm4 =	vgt.f32 v12, v2  }
0xdc: {  	v18 =	vld [tilespmem:s17+$0x3380];
	[tilespmem:$0x1FF10] =	vst v5;
	v5 =	vsel vm10, $0xFFFFFFFF, v13;
	vm10 =	vgt.f32 v12, v1;
	v2 =	vsel vm4, v12, v2  }
0xdd: {  	v3 =	vsel vm7, v4, v3;
	v4 =	vsel vm7, $0x27, v4;
	v2 =	vsel vm10, v1, v2  }
0xde: {  	v27 =	vld [tilespmem:$0x1FE40];
	v3 =	vsel vm5, $0x28, v3;
	v1 =	vsel vm10, v12, v1;
	vm8 =	vgt.f32 v15, v2  }
0xdf: {  	v31 =	vld [tilespmem:$0x1FE60];
	vm5 =	vnez.u8 v29;
	vm9 =	vgt.f32 v15, v1;
	v2 =	vsel vm8, v15, v2  }
0xe0: {  	v21 =	vld [tilespmem:s17+$0x3800];
	v3 =	vsel vm6, v4, v3;
	v4 =	vsel vm6, $0x28, v4;
	v2 =	vsel vm9, v1, v2  }
0xe1: {  	[tilespmem:$0x1FF30] =	vst v7;
	v7 =	vsel vm4, $0xFFFFFFFF, v16;
	v1 =	vsel vm9, v15, v1;
	vm4 =	vgt.f32 v18, v2  }
0xe2: {  	v33 =	vld [tilespmem:$0x1FE70];
	[tilespmem:$0x1FF50] =	vst v6;
	v6 =	vsel vm8, $0xFFFFFFFF, v19;
	vm8 =	vgt.f32 v18, v1;
	v2 =	vsel vm4, v18, v2  }
0xe3: {  	v24 =	vld [tilespmem:s17+$0x3880];
	[tilespmem:$0x1FF60] =	vst v5;
	v5 =	vsel vm4, $0xFFFFFFFF, v22;
	vm4 =	vnez.u8 v27;
	v2 =	vsel vm8, v1, v2  }
0xe4: {  	v1 =	vsel vm8, v18, v1;
	v3 =	vsel vm4, $0x29, v3;
	vm4 =	vnez.u8 v31  }
0xe5: {  	v35 =	vld [tilespmem:$0x1FE80];
	vm7 =	vgt.f32 v21, v2;
	v3 =	vsel vm5, v4, v3;
	v4 =	vsel vm5, $0x29, v4  }
0xe6: {  	v28 =	vld [tilespmem:s17+$0x3900];
	[tilespmem:$0x1FF70] =	vst v7;
	v7 =	vsel vm7, $0xFFFFFFFF, v26;
	v2 =	vsel vm7, v21, v2;
	vm7 =	vgt.f32 v21, v1  }
0xe7: {  	v37 =	vld [tilespmem:$0x1FE90];
	vm5 =	vnez.u8 v33;
	v3 =	vsel vm4, $0x2A, v3;
	v2 =	vsel vm7, v1, v2  }
0xe8: {  	v1 =	vsel vm7, v21, v1;
	v3 =	vsel vm5, v4, v3;
	vm6 =	vgt.f32 v24, v2  }
0xe9: {  	v39 =	vld [tilespmem:$0x1FEA0];
	[tilespmem:$0x1FF80] =	vst v6;
	v6 =	vsel vm6, $0xFFFFFFFF, v30;
	v2 =	vsel vm6, v24, v2;
	vm6 =	vgt.f32 v24, v1  }
0xea: {  	v32 =	vld [tilespmem:s17+$0x3980];
	v4 =	vsel vm5, $0x2A, v4;
	vm5 =	vnez.u8 v35;
	v2 =	vsel vm6, v1, v2  }
0xeb: {  	v3 =	vsel vm5, $0x2B, v3;
	v1 =	vsel vm6, v24, v1;
	vm4 =	vgt.f32 v28, v2  }
0xec: {  	v42 =	vld [tilespmem:$0x1FEB0];
	[tilespmem:$0x1FF90] =	vst v5;
	v5 =	vsel vm4, $0xFFFFFFFF, v34;
	v2 =	vsel vm4, v28, v2;
	vm4 =	vnez.u8 v37  }
0xed: {  	v36 =	vld [tilespmem:s17+$0x3A00];
	v44 =	vimm.s32 $0x0;
	vm5 =	vgt.f32 v28, v1;
	v3 =	vsel vm4, v4, v3  }
0xee: {  	v45 =	vld [tilespmem:$0x1FEC0];
	v2 =	vsel vm5, v1, v2;
	v4 =	vsel vm4, $0x2B, v4;
	vm4 =	vnez.u8 v39  }
0xef: {  	v1 =	vsel vm5, v28, v1;
	vm1 =	vgt.f32 v32, v2;
	v3 =	vsel vm4, $0x2C, v3  }
0xf0: {  	[tilespmem:$0x1FFA0] =	vst v7;
	vm4 =	vgt.f32 v32, v1;
	v7 =	vsel vm1, $0xFFFFFFFF, v38;
	v2 =	vsel vm1, v32, v2  }
0xf1: {  	v40 =	vld [tilespmem:s17+$0x3A80];
	v3 =	vsel vm13, v4, v3;
	v4 =	vsel vm13, $0x2C, v4;
	vm13 =	vnez.u8 v42  }
0xf2: {  	v47 =	vld [tilespmem:$0x1FED0];
	v2 =	vsel vm4, v1, v2;
	v1 =	vsel vm4, v32, v1;
	v3 =	vsel vm13, $0x2D, v3  }
0xf3: {  	v48 =	vld [tilespmem:$0x1FEE0];
	vm13 =	vnez.u8 v45;
	vm1 =	vgt.f32 v36, v2;
	vm3 =	vgt.f32 v36, v1  }
0xf4: {  	v43 =	vld [tilespmem:s17+$0x3B00];
	v3 =	vsel vm12, v4, v3;
	v4 =	vsel vm12, $0x2D, v4;
	v2 =	vsel vm1, v36, v2  }
0xf5: {  	[tilespmem:$0x1FFB0] =	vst v6;
	v6 =	vsel vm1, $0xFFFFFFFF, v41;
	v2 =	vsel vm3, v1, v2;
	v1 =	vsel vm3, v36, v1  }
0xf6: {  	v46 =	vld [tilespmem:s17+$0x3B80];
	v3 =	vsel vm13, $0x2E, v3;
	vm12 =	vgt.f32 v40, v2;
	vm2 =	vgt.f32 v40, v1  }
0xf7: {  	v49 =	vld [tilespmem:$0x1FEF0];
	[tilespmem:$0x1FFC0] =	vst v5;
	v5 =	vsel vm12, $0xFFFFFFFF, v44;
	v2 =	vsel vm12, v40, v2;
	vm12 =	vnez.u8 v47  }
0xf8: {  	vm13 =	vnez.u8 v48;
	v3 =	vsel vm12, v4, v3;
	v2 =	vsel vm2, v1, v2  }
0xf9: {  	v4 =	vsel vm12, $0x2E, v4;
	v1 =	vsel vm2, v40, v1;
	vm12 =	vgt.f32 v43, v2  }
0xfa: {  	v3 =	vsel vm13, $0x2F, v3;
	vm1 =	vgt.f32 v43, v1;
	v2 =	vsel vm12, v43, v2  }
0xfb: {  	v3 =	vsel vm15, v4, v3;
	v4 =	vsel vm15, $0x2F, v4;
	v2 =	vsel vm1, v1, v2  }
0xfc: {  	vm15 =	vnez.u8 v49;
	v1 =	vsel vm1, v43, v1;
	vm13 =	vgt.f32 v46, v2  }
0xfd: {  	v50 =	vld [tilespmem:$0x1FF00];
	v3 =	vsel vm15, $0x30, v3;
	vm15 =	vgt.f32 v46, v1;
	v2 =	vsel vm13, v46, v2  }
0xfe: {  	v51 =	vld [tilespmem:$0x1FF10];
	v2 =	vsel vm15, v1, v2;
	v1 =	vsel vm15, v46, v1  }
0xff: {  	v1 =	vsub.f32 v2, v1;
	v2 =	vld [tilespmem:$0x1FF20]  }
0x100: {  	[tilespmem:$0x1FF40] =	vst v8;
	v52 =	vld [tilespmem:$0x1FF30]  }
0x101: {  	v53 =	vld [tilespmem:$0x1FF40]  }
0x102: {  	vm0 =	vnez.u8 v50;
	v54 =	vld [tilespmem:$0x1FF50]  }
0x103: {  	v3 =	vsel vm0, v4, v3;
	v4 =	vsel vm0, $0x30, v4;
	vm0 =	vnez.u8 v51  }
0x104: {  	v3 =	vsel vm0, $0x31, v3;
	vm0 =	vnez.u8 v2  }
0x105: {  	v2 =	vsel vm0, v4, v3;
	v3 =	vsel vm0, $0x31, v4;
	vm0 =	vnez.u8 v52  }
0x106: {  	v1 =	vmul.f32 $1.442695020e+00, v1;
	v2 =	vsel vm0, $0x32, v2;
	vm0 =	vnez.u8 v53  }
0x107: {  	v2 =	vsel vm0, v3, v2;
	v3 =	vsel vm0, $0x32, v3;
	vm0 =	vnez.u8 v54  }
0x108: {  	v2 =	vsel vm0, $0x33, v2  }
0x109: {  	(erf) = vpow2.f32 v1;
	v1 =	vsel vm14, v3, v2;
	v2 =	vsel vm14, $0x33, v3;
	v3 =	vld [tilespmem:$0x1FF60];
	_ =	sdelay $0x4  }
0x10a: {  	vm14 =	vnez.u8 v3;
	v3 =	vld [tilespmem:$0x1FF70];
	_ =	sdelay $0x4  }
0x10b: {  	v1 =	vsel vm14, $0x34, v1;
	vm14 =	vnez.u8 v3;
	v3 =	vld [tilespmem:$0x1FF80];
	_ =	sdelay $0x2  }
0x10c: {  	v1 =	vsel vm11, v2, v1  }
0x10d: {  	v2 =	vsel vm11, $0x34, v2;
	v1 =	vsel vm14, $0x35, v1  }
0x10e: {  	v1 =	vsel vm10, v2, v1;
	v2 =	vsel vm10, $0x35, v2;
	vm10 =	vnez.u8 v3;
	v3 =	vld [tilespmem:$0x1FF90];
	_ =	sdelay $0x1  }
0x10f: {  	v55 =	vld [tilespmem:$0x1FFA0];
	_ =	sdelay $0x1  }
0x110: {  	v57 =	vld [tilespmem:$0x1FFB0];
	v1 =	vsel vm10, $0x36, v1  }
0x111: {  	v1 =	vsel vm9, v2, v1;
	vm11 =	vnez.u8 v3  }
0x112: {  	v58 =	vld [tilespmem:$0x1FFC0];
	v2 =	vsel vm9, $0x36, v2;
	v1 =	vsel vm11, $0x37, v1  }
0x113: {  	[tilespmem:$0x1FFD0] =	vst v7;
	vm14 =	vnez.u8 v55;
	v3 =	vpop (erf);
	v1 =	vsel vm8, v2, v1  }
0x114: {  	v59 =	vld [tilespmem:$0x1FFD0];
	v56 =	vadd.f32 $1.000000000e+00, v3;
	v2 =	vsel vm8, $0x37, v2;
	v1 =	vsel vm14, $0x38, v1  }
0x115: {  	[tilespmem:$0x1FFE0] =	vst v6;
	vm8 =	vnez.u8 v57;
	v1 =	vsel vm7, v2, v1  }
0x116: {  	v60 =	vld [tilespmem:$0x1FFE0];
	(erf) = vrcp.f32 v56;
	v2 =	vsel vm7, $0x38, v2;
	v1 =	vsel vm8, $0x39, v1  }
0x117: {  	[tilespmem:$0x1FFF0] =	vst v5;
	vm9 =	vnez.u8 v58;
	v1 =	vsel vm6, v2, v1  }
0x118: {  	v61 =	vld [tilespmem:$0x1FFF0];
	v2 =	vsel vm6, $0x39, v2;
	v1 =	vsel vm9, $0x3A, v1  }
0x119: {  	vm10 =	vnez.u8 v59;
	v1 =	vsel vm5, v2, v1  }
0x11a: {  	v2 =	vsel vm5, $0x3A, v2;
	v1 =	vsel vm10, $0x3B, v1  }
0x11b: {  	vm11 =	vnez.u8 v60;
	v1 =	vsel vm4, v2, v1  }
0x11c: {  	v2 =	vsel vm4, $0x3B, v2;
	v1 =	vsel vm11, $0x3C, v1  }
0x11d: {  	vm14 =	vnez.u8 v61;
	v1 =	vsel vm3, v2, v1  }
0x11e: {  	v2 =	vsel vm3, $0x3C, v2;
	v1 =	vsel vm14, $0x3D, v1  }
0x11f: {  	v62 =	vpop (erf);
	v1 =	vsel vm2, v2, v1  }
0x120: {  	s19 =	simm.s32 $0x10;
	v3 =	vmul.f32 v62, v3;
	v2 =	vsel vm2, $0x3D, v2;
	v1 =	vsel vm12, $0x3E, v1  }
0x121: {  	s28 =	simm.s32 $0x20;
	s21 =	simm.s32 $0x80;
	s22 =	simm.s32 $0x4300;
	[tilespmem:s12+$0x0] =	vst v62;
	v1 =	vsel vm1, v2, v1;
	v2 =	vsel vm1, $0x3E, v2  }
0x122: {  	s20 =	simm.s32 $0x4000;
	s18 =	simm.s32 $0x4310;
	s24 =	sand.u32 $0x70, s19;
	[tilespmem:s13+$0x0] =	vst v3;
	v1 =	vsel vm13, $0x3F, v1;
	v63 =	vsel vm15, $0x3F, v2  }
0x123: {  	s26 =	sand.u32 $0x400, s21;
	s19 =	simm.s32 $0x4110;
	s17 =	simm.s32 $0x4210;
	v1 =	vsel vm15, v2, v1;
	[tilespmem:s14+$0x0] =	vst v63  }
.LBB2_2:
0x124: {  	s26 =	sor.u32 s24, s26;
	s20 =	sadd.s32 $0x10, s20;
	s24 =	smov.u32 s28  }
0x125: {  	[tilespmem:s22+$0x0] =	vst v1;
	s23 =	sadd.s32 $0x10, s28;
	s25 =	smov.u32 s17;
	s22 =	smov.u32 s18  }
0x126: {  	p0 =	sne.s32 s28, $0xF0;
	v1 =	vld [tilespmem:s26+$0x0]  }
0x127: {  	v2 =	vld [tilespmem:s26+$0x80];
	_ =	sdelay $0x3  }
0x128: {  	vm0 =	vgt.f32 v1, $-Inf;
	v3 =	vld [tilespmem:s26+$0x100]  }
0x129: {  	v1 =	vnsel vm0, $0xFF800000, v1;
	vm0 =	vlt.f32 v2, $-Inf;
	vm1 =	vgt.f32 v2, $-Inf  }
0x12a: {  	vm2 =	vgt.f32 v2, v1;
	vm0 =	vmor vm1, vm0  }
0x12b: {  	vm1 =	vmneg vm2;
	v4 =	vnsel vm0, $0xFF800000, v2;
	v5 =	vld [tilespmem:s26+$0x180]  }
0x12c: {  	vm0 =	vmand vm0, vm1;
	v4 =	vsel vm1, v4, v1;
	v1 =	vsel vm1, v1, v2  }
0x12d: {  	v2 =	vsel vm0, $0x1, v0;
	vm0 =	vgt.f32 v3, v4  }
0x12e: {  	vm1 =	vgt.f32 v3, v1;
	v2 =	vsel vm0, $0x2, v2;
	v4 =	vsel vm0, v3, v4;
	v6 =	vld [tilespmem:s26+$0x200]  }
0x12f: {  	v7 =	vsel vm2, $0x1, v0;
	v4 =	vsel vm1, v1, v4;
	v1 =	vsel vm1, v3, v1  }
0x130: {  	v2 =	vsel vm1, v7, v2;
	v3 =	vsel vm1, $0x2, v7;
	vm0 =	vgt.f32 v5, v4  }
0x131: {  	vm1 =	vgt.f32 v5, v1;
	v2 =	vsel vm0, $0x3, v2;
	v4 =	vsel vm0, v5, v4;
	v7 =	vld [tilespmem:s26+$0x280]  }
0x132: {  	v2 =	vsel vm1, v3, v2;
	v4 =	vsel vm1, v1, v4;
	v1 =	vsel vm1, v5, v1  }
0x133: {  	v3 =	vsel vm1, $0x3, v3;
	vm0 =	vgt.f32 v6, v4  }
0x134: {  	vm1 =	vgt.f32 v6, v1;
	v2 =	vsel vm0, $0x4, v2;
	v4 =	vsel vm0, v6, v4;
	v5 =	vld [tilespmem:s26+$0x300]  }
0x135: {  	v2 =	vsel vm1, v3, v2;
	v4 =	vsel vm1, v1, v4;
	v1 =	vsel vm1, v6, v1  }
0x136: {  	v3 =	vsel vm1, $0x4, v3;
	vm0 =	vgt.f32 v7, v4  }
0x137: {  	vm1 =	vgt.f32 v7, v1;
	v2 =	vsel vm0, $0x5, v2;
	v4 =	vsel vm0, v7, v4;
	v6 =	vld [tilespmem:s26+$0x380]  }
0x138: {  	v2 =	vsel vm1, v3, v2;
	v4 =	vsel vm1, v1, v4;
	v1 =	vsel vm1, v7, v1  }
0x139: {  	v3 =	vsel vm1, $0x5, v3;
	vm0 =	vgt.f32 v5, v4  }
0x13a: {  	vm1 =	vgt.f32 v5, v1;
	v2 =	vsel vm0, $0x6, v2;
	v4 =	vsel vm0, v5, v4;
	v7 =	vld [tilespmem:s26+$0x800]  }
0x13b: {  	v8 =	vsel vm1, $0x6, v3;
	v4 =	vsel vm1, v1, v4;
	v1 =	vsel vm1, v5, v1  }
0x13c: {  	v2 =	vsel vm1, v3, v2;
	vm0 =	vgt.f32 v6, v4  }
0x13d: {  	vm1 =	vgt.f32 v6, v1;
	v2 =	vsel vm0, $0x7, v2;
	v3 =	vsel vm0, v6, v4;
	v4 =	vld [tilespmem:s26+$0x880]  }
0x13e: {  	v2 =	vsel vm1, v8, v2;
	v3 =	vsel vm1, v1, v3;
	v1 =	vsel vm1, v6, v1  }
0x13f: {  	vm0 =	vgt.f32 v7, v3  }
0x140: {  	v5 =	vsel vm1, $0x7, v8;
	vm1 =	vgt.f32 v7, v1;
	v3 =	vsel vm0, v7, v3;
	v6 =	vld [tilespmem:s26+$0x900]  }
0x141: {  	v2 =	vsel vm0, $0x8, v2;
	v3 =	vsel vm1, v1, v3;
	v1 =	vsel vm1, v7, v1  }
0x142: {  	v2 =	vsel vm1, v5, v2;
	v5 =	vsel vm1, $0x8, v5;
	vm0 =	vgt.f32 v4, v3  }
0x143: {  	vm1 =	vgt.f32 v4, v1;
	v2 =	vsel vm0, $0x9, v2;
	v3 =	vsel vm0, v4, v3;
	v7 =	vld [tilespmem:s26+$0x980]  }
0x144: {  	v2 =	vsel vm1, v5, v2;
	v3 =	vsel vm1, v1, v3;
	v1 =	vsel vm1, v4, v1  }
0x145: {  	v4 =	vsel vm1, $0x9, v5;
	vm0 =	vgt.f32 v6, v3  }
0x146: {  	vm1 =	vgt.f32 v6, v1;
	v2 =	vsel vm0, $0xA, v2;
	v3 =	vsel vm0, v6, v3;
	v5 =	vld [tilespmem:s26+$0xA00]  }
0x147: {  	v2 =	vsel vm1, v4, v2;
	v3 =	vsel vm1, v1, v3;
	v1 =	vsel vm1, v6, v1  }
0x148: {  	v4 =	vsel vm1, $0xA, v4;
	vm0 =	vgt.f32 v7, v3  }
0x149: {  	vm1 =	vgt.f32 v7, v1;
	v2 =	vsel vm0, $0xB, v2;
	v3 =	vsel vm0, v7, v3;
	v6 =	vld [tilespmem:s26+$0xA80]  }
0x14a: {  	v2 =	vsel vm1, v4, v2;
	v3 =	vsel vm1, v1, v3;
	v1 =	vsel vm1, v7, v1  }
0x14b: {  	v4 =	vsel vm1, $0xB, v4;
	vm0 =	vgt.f32 v5, v3  }
0x14c: {  	vm1 =	vgt.f32 v5, v1;
	v2 =	vsel vm0, $0xC, v2;
	v3 =	vsel vm0, v5, v3;
	v7 =	vld [tilespmem:s26+$0xB00]  }
0x14d: {  	v2 =	vsel vm1, v4, v2;
	v3 =	vsel vm1, v1, v3;
	v1 =	vsel vm1, v5, v1  }
0x14e: {  	v4 =	vsel vm1, $0xC, v4;
	vm0 =	vgt.f32 v6, v3  }
0x14f: {  	vm1 =	vgt.f32 v6, v1;
	v2 =	vsel vm0, $0xD, v2;
	v3 =	vsel vm0, v6, v3;
	v5 =	vld [tilespmem:s26+$0xB80]  }
0x150: {  	v2 =	vsel vm1, v4, v2;
	v3 =	vsel vm1, v1, v3;
	v4 =	vsel vm1, $0xD, v4  }
0x151: {  	v1 =	vsel vm1, v6, v1;
	vm0 =	vgt.f32 v7, v3  }
0x152: {  	vm1 =	vgt.f32 v7, v1;
	v2 =	vsel vm0, $0xE, v2;
	v3 =	vsel vm0, v7, v3;
	v6 =	vld [tilespmem:s26+$0x1000]  }
0x153: {  	v2 =	vsel vm1, v4, v2;
	v3 =	vsel vm1, v1, v3;
	v4 =	vsel vm1, $0xE, v4  }
0x154: {  	v1 =	vsel vm1, v7, v1;
	vm0 =	vgt.f32 v5, v3  }
0x155: {  	vm1 =	vgt.f32 v5, v1;
	v2 =	vsel vm0, $0xF, v2;
	v3 =	vsel vm0, v5, v3;
	v7 =	vld [tilespmem:s26+$0x1080]  }
0x156: {  	v2 =	vsel vm1, v4, v2;
	v3 =	vsel vm1, v1, v3  }
0x157: {  	v4 =	vsel vm1, $0xF, v4;
	v1 =	vsel vm1, v5, v1;
	vm0 =	vgt.f32 v6, v3  }
0x158: {  	vm1 =	vgt.f32 v6, v1;
	v2 =	vsel vm0, $0x10, v2;
	v3 =	vsel vm0, v6, v3;
	v5 =	vld [tilespmem:s26+$0x1100]  }
0x159: {  	v2 =	vsel vm1, v4, v2;
	v3 =	vsel vm1, v1, v3;
	v4 =	vsel vm1, $0x10, v4  }
0x15a: {  	v1 =	vsel vm1, v6, v1;
	vm0 =	vgt.f32 v7, v3  }
0x15b: {  	vm1 =	vgt.f32 v7, v1;
	v2 =	vsel vm0, $0x11, v2;
	v3 =	vsel vm0, v7, v3;
	v6 =	vld [tilespmem:s26+$0x1180]  }
0x15c: {  	v2 =	vsel vm1, v4, v2;
	v3 =	vsel vm1, v1, v3;
	v1 =	vsel vm1, v7, v1  }
0x15d: {  	v4 =	vsel vm1, $0x11, v4;
	vm0 =	vgt.f32 v5, v3  }
0x15e: {  	vm1 =	vgt.f32 v5, v1;
	v2 =	vsel vm0, $0x12, v2;
	v3 =	vsel vm0, v5, v3;
	v7 =	vld [tilespmem:s26+$0x1200]  }
0x15f: {  	v2 =	vsel vm1, v4, v2;
	v3 =	vsel vm1, v1, v3;
	v1 =	vsel vm1, v5, v1  }
0x160: {  	vm0 =	vgt.f32 v6, v3  }
0x161: {  	v4 =	vsel vm1, $0x12, v4;
	vm1 =	vgt.f32 v6, v1;
	v3 =	vsel vm0, v6, v3;
	v5 =	vld [tilespmem:s26+$0x1280]  }
0x162: {  	v2 =	vsel vm0, $0x13, v2;
	v3 =	vsel vm1, v1, v3;
	v1 =	vsel vm1, v6, v1  }
0x163: {  	v2 =	vsel vm1, v4, v2;
	v4 =	vsel vm1, $0x13, v4;
	vm0 =	vgt.f32 v7, v3  }
0x164: {  	vm1 =	vgt.f32 v7, v1;
	v2 =	vsel vm0, $0x14, v2;
	v3 =	vsel vm0, v7, v3;
	v6 =	vld [tilespmem:s26+$0x1300]  }
0x165: {  	v2 =	vsel vm1, v4, v2;
	v3 =	vsel vm1, v1, v3  }
0x166: {  	v1 =	vsel vm1, v7, v1;
	vm0 =	vgt.f32 v5, v3  }
0x167: {  	v4 =	vsel vm1, $0x14, v4;
	vm1 =	vgt.f32 v5, v1;
	v3 =	vsel vm0, v5, v3;
	v7 =	vld [tilespmem:s26+$0x1380]  }
0x168: {  	v2 =	vsel vm0, $0x15, v2;
	v8 =	vsel vm1, $0x15, v4;
	v3 =	vsel vm1, v1, v3  }
0x169: {  	v2 =	vsel vm1, v4, v2;
	v1 =	vsel vm1, v5, v1;
	vm0 =	vgt.f32 v6, v3  }
0x16a: {  	vm1 =	vgt.f32 v6, v1;
	v2 =	vsel vm0, $0x16, v2;
	v3 =	vsel vm0, v6, v3;
	v4 =	vld [tilespmem:s26+$0x1800]  }
0x16b: {  	v5 =	vsel vm1, $0x16, v8;
	v3 =	vsel vm1, v1, v3;
	v1 =	vsel vm1, v6, v1  }
0x16c: {  	v2 =	vsel vm1, v8, v2;
	vm0 =	vgt.f32 v7, v3  }
0x16d: {  	vm1 =	vgt.f32 v7, v1;
	v2 =	vsel vm0, $0x17, v2;
	v3 =	vsel vm0, v7, v3;
	v6 =	vld [tilespmem:s26+$0x1880]  }
0x16e: {  	v2 =	vsel vm1, v5, v2;
	v3 =	vsel vm1, v1, v3;
	v1 =	vsel vm1, v7, v1  }
0x16f: {  	v5 =	vsel vm1, $0x17, v5;
	vm0 =	vgt.f32 v4, v3  }
0x170: {  	vm1 =	vgt.f32 v4, v1;
	v2 =	vsel vm0, $0x18, v2;
	v3 =	vsel vm0, v4, v3;
	v7 =	vld [tilespmem:s26+$0x1900]  }
0x171: {  	v8 =	vsel vm1, $0x18, v5;
	v3 =	vsel vm1, v1, v3;
	v1 =	vsel vm1, v4, v1  }
0x172: {  	v2 =	vsel vm1, v5, v2;
	vm0 =	vgt.f32 v6, v3  }
0x173: {  	vm1 =	vgt.f32 v6, v1;
	v2 =	vsel vm0, $0x19, v2;
	v3 =	vsel vm0, v6, v3;
	v4 =	vld [tilespmem:s26+$0x1980]  }
0x174: {  	v2 =	vsel vm1, v8, v2;
	v3 =	vsel vm1, v1, v3;
	v1 =	vsel vm1, v6, v1  }
0x175: {  	v5 =	vsel vm1, $0x19, v8;
	vm0 =	vgt.f32 v7, v3  }
0x176: {  	vm1 =	vgt.f32 v7, v1;
	v2 =	vsel vm0, $0x1A, v2;
	v3 =	vsel vm0, v7, v3;
	v6 =	vld [tilespmem:s26+$0x1A00]  }
0x177: {  	v2 =	vsel vm1, v5, v2;
	v3 =	vsel vm1, v1, v3  }
0x178: {  	v5 =	vsel vm1, $0x1A, v5;
	v1 =	vsel vm1, v7, v1;
	vm0 =	vgt.f32 v4, v3  }
0x179: {  	vm1 =	vgt.f32 v4, v1;
	v2 =	vsel vm0, $0x1B, v2;
	v3 =	vsel vm0, v4, v3;
	v7 =	vld [tilespmem:s26+$0x1A80]  }
0x17a: {  	v2 =	vsel vm1, v5, v2;
	v3 =	vsel vm1, v1, v3  }
0x17b: {  	v1 =	vsel vm1, v4, v1;
	vm0 =	vgt.f32 v6, v3  }
0x17c: {  	vm2 =	vgt.f32 v6, v1;
	v2 =	vsel vm0, $0x1C, v2;
	v3 =	vsel vm0, v6, v3;
	v4 =	vld [tilespmem:s26+$0x1B00]  }
0x17d: {  	v5 =	vsel vm1, $0x1B, v5;
	v3 =	vsel vm2, v1, v3;
	v1 =	vsel vm2, v6, v1  }
0x17e: {  	v2 =	vsel vm2, v5, v2;
	v5 =	vsel vm2, $0x1C, v5;
	vm0 =	vgt.f32 v7, v3  }
0x17f: {  	vm1 =	vgt.f32 v7, v1;
	v2 =	vsel vm0, $0x1D, v2;
	v3 =	vsel vm0, v7, v3;
	v6 =	vld [tilespmem:s26+$0x1B80]  }
0x180: {  	v2 =	vsel vm1, v5, v2;
	v3 =	vsel vm1, v1, v3  }
0x181: {  	v5 =	vsel vm1, $0x1D, v5;
	v1 =	vsel vm1, v7, v1;
	vm0 =	vgt.f32 v4, v3  }
0x182: {  	vm1 =	vgt.f32 v4, v1;
	v2 =	vsel vm0, $0x1E, v2;
	v3 =	vsel vm0, v4, v3;
	v7 =	vld [tilespmem:s26+$0x2000]  }
0x183: {  	v2 =	vsel vm1, v5, v2;
	v3 =	vsel vm1, v1, v3  }
0x184: {  	v1 =	vsel vm1, v4, v1;
	vm0 =	vgt.f32 v6, v3  }
0x185: {  	v4 =	vsel vm1, $0x1E, v5;
	vm1 =	vgt.f32 v6, v1;
	v3 =	vsel vm0, v6, v3;
	v5 =	vld [tilespmem:s26+$0x2080]  }
0x186: {  	v2 =	vsel vm0, $0x1F, v2;
	v8 =	vsel vm1, $0x1F, v4;
	v3 =	vsel vm1, v1, v3  }
0x187: {  	v2 =	vsel vm1, v4, v2;
	v1 =	vsel vm1, v6, v1;
	vm0 =	vgt.f32 v7, v3  }
0x188: {  	vm1 =	vgt.f32 v7, v1;
	v2 =	vsel vm0, $0x20, v2;
	v3 =	vsel vm0, v7, v3;
	v4 =	vld [tilespmem:s26+$0x2100]  }
0x189: {  	v6 =	vsel vm1, $0x20, v8;
	v2 =	vsel vm1, v8, v2;
	v3 =	vsel vm1, v1, v3  }
0x18a: {  	v1 =	vsel vm1, v7, v1;
	vm0 =	vgt.f32 v5, v3  }
0x18b: {  	vm1 =	vgt.f32 v5, v1;
	v2 =	vsel vm0, $0x21, v2;
	v3 =	vsel vm0, v5, v3;
	v7 =	vld [tilespmem:s26+$0x2180]  }
0x18c: {  	v2 =	vsel vm1, v6, v2;
	v3 =	vsel vm1, v1, v3;
	v1 =	vsel vm1, v5, v1  }
0x18d: {  	v5 =	vsel vm1, $0x21, v6;
	vm0 =	vgt.f32 v4, v3  }
0x18e: {  	vm1 =	vgt.f32 v4, v1;
	v2 =	vsel vm0, $0x22, v2;
	v3 =	vsel vm0, v4, v3;
	v6 =	vld [tilespmem:s26+$0x2200]  }
0x18f: {  	v2 =	vsel vm1, v5, v2;
	v3 =	vsel vm1, v1, v3  }
0x190: {  	v5 =	vsel vm1, $0x22, v5;
	v1 =	vsel vm1, v4, v1;
	vm0 =	vgt.f32 v7, v3  }
0x191: {  	vm1 =	vgt.f32 v7, v1;
	v2 =	vsel vm0, $0x23, v2;
	v3 =	vsel vm0, v7, v3;
	v4 =	vld [tilespmem:s26+$0x2280]  }
0x192: {  	v2 =	vsel vm1, v5, v2;
	v3 =	vsel vm1, v1, v3  }
0x193: {  	v5 =	vsel vm1, $0x23, v5;
	v1 =	vsel vm1, v7, v1;
	vm0 =	vgt.f32 v6, v3  }
0x194: {  	vm1 =	vgt.f32 v6, v1;
	v2 =	vsel vm0, $0x24, v2;
	v3 =	vsel vm0, v6, v3;
	v7 =	vld [tilespmem:s26+$0x2300]  }
0x195: {  	v2 =	vsel vm1, v5, v2;
	v3 =	vsel vm1, v1, v3;
	v1 =	vsel vm1, v6, v1  }
0x196: {  	v5 =	vsel vm1, $0x24, v5;
	vm0 =	vgt.f32 v4, v3  }
0x197: {  	vm1 =	vgt.f32 v4, v1;
	v2 =	vsel vm0, $0x25, v2;
	v3 =	vsel vm0, v4, v3;
	v6 =	vld [tilespmem:s26+$0x2380]  }
0x198: {  	v2 =	vsel vm1, v5, v2;
	v3 =	vsel vm1, v1, v3;
	v1 =	vsel vm1, v4, v1  }
0x199: {  	v4 =	vsel vm1, $0x25, v5;
	vm0 =	vgt.f32 v7, v3  }
0x19a: {  	vm1 =	vgt.f32 v7, v1;
	v2 =	vsel vm0, $0x26, v2;
	v3 =	vsel vm0, v7, v3;
	v5 =	vld [tilespmem:s26+$0x2800]  }
0x19b: {  	v2 =	vsel vm1, v4, v2;
	v3 =	vsel vm1, v1, v3;
	v1 =	vsel vm1, v7, v1  }
0x19c: {  	v4 =	vsel vm1, $0x26, v4;
	vm0 =	vgt.f32 v6, v3  }
0x19d: {  	vm1 =	vgt.f32 v6, v1;
	v2 =	vsel vm0, $0x27, v2;
	v3 =	vsel vm0, v6, v3;
	v7 =	vld [tilespmem:s26+$0x2880]  }
0x19e: {  	v2 =	vsel vm1, v4, v2;
	v3 =	vsel vm1, v1, v3;
	v1 =	vsel vm1, v6, v1  }
0x19f: {  	v4 =	vsel vm1, $0x27, v4;
	vm0 =	vgt.f32 v5, v3  }
0x1a0: {  	vm1 =	vgt.f32 v5, v1;
	v2 =	vsel vm0, $0x28, v2;
	v3 =	vsel vm0, v5, v3;
	v6 =	vld [tilespmem:s26+$0x2900]  }
0x1a1: {  	v2 =	vsel vm1, v4, v2;
	v3 =	vsel vm1, v1, v3;
	v4 =	vsel vm1, $0x28, v4  }
0x1a2: {  	v1 =	vsel vm1, v5, v1;
	vm0 =	vgt.f32 v7, v3  }
0x1a3: {  	vm1 =	vgt.f32 v7, v1;
	v2 =	vsel vm0, $0x29, v2;
	v3 =	vsel vm0, v7, v3;
	v5 =	vld [tilespmem:s26+$0x2980]  }
0x1a4: {  	v2 =	vsel vm1, v4, v2;
	v3 =	vsel vm1, v1, v3;
	v4 =	vsel vm1, $0x29, v4  }
0x1a5: {  	v1 =	vsel vm1, v7, v1;
	vm0 =	vgt.f32 v6, v3  }
0x1a6: {  	vm1 =	vgt.f32 v6, v1;
	v2 =	vsel vm0, $0x2A, v2;
	v3 =	vsel vm0, v6, v3;
	v7 =	vld [tilespmem:s26+$0x2A00]  }
0x1a7: {  	v2 =	vsel vm1, v4, v2;
	v3 =	vsel vm1, v1, v3;
	v4 =	vsel vm1, $0x2A, v4  }
0x1a8: {  	v1 =	vsel vm1, v6, v1;
	vm0 =	vgt.f32 v5, v3  }
0x1a9: {  	vm1 =	vgt.f32 v5, v1;
	v2 =	vsel vm0, $0x2B, v2;
	v3 =	vsel vm0, v5, v3;
	v6 =	vld [tilespmem:s26+$0x2A80]  }
0x1aa: {  	v2 =	vsel vm1, v4, v2;
	v3 =	vsel vm1, v1, v3  }
0x1ab: {  	v4 =	vsel vm1, $0x2B, v4;
	v1 =	vsel vm1, v5, v1;
	vm0 =	vgt.f32 v7, v3  }
0x1ac: {  	vm1 =	vgt.f32 v7, v1;
	v2 =	vsel vm0, $0x2C, v2;
	v3 =	vsel vm0, v7, v3;
	v5 =	vld [tilespmem:s26+$0x2B00]  }
0x1ad: {  	v8 =	vsel vm1, $0x2C, v4;
	v3 =	vsel vm1, v1, v3;
	v1 =	vsel vm1, v7, v1  }
0x1ae: {  	v2 =	vsel vm1, v4, v2;
	vm0 =	vgt.f32 v6, v3  }
0x1af: {  	vm1 =	vgt.f32 v6, v1;
	v2 =	vsel vm0, $0x2D, v2;
	v3 =	vsel vm0, v6, v3;
	v4 =	vld [tilespmem:s26+$0x2B80]  }
0x1b0: {  	v7 =	vsel vm1, $0x2D, v8;
	v3 =	vsel vm1, v1, v3;
	v1 =	vsel vm1, v6, v1  }
0x1b1: {  	v2 =	vsel vm1, v8, v2;
	vm0 =	vgt.f32 v5, v3  }
0x1b2: {  	vm1 =	vgt.f32 v5, v1;
	v2 =	vsel vm0, $0x2E, v2;
	v3 =	vsel vm0, v5, v3;
	v6 =	vld [tilespmem:s26+$0x3000]  }
0x1b3: {  	v2 =	vsel vm1, v7, v2;
	v3 =	vsel vm1, v1, v3;
	v1 =	vsel vm1, v5, v1  }
0x1b4: {  	v5 =	vsel vm1, $0x2E, v7;
	vm0 =	vgt.f32 v4, v3  }
0x1b5: {  	vm1 =	vgt.f32 v4, v1;
	v2 =	vsel vm0, $0x2F, v2;
	v3 =	vsel vm0, v4, v3;
	v7 =	vld [tilespmem:s26+$0x3080]  }
0x1b6: {  	v8 =	vsel vm1, $0x2F, v5;
	v3 =	vsel vm1, v1, v3;
	v1 =	vsel vm1, v4, v1  }
0x1b7: {  	v2 =	vsel vm1, v5, v2;
	vm0 =	vgt.f32 v6, v3;
	v4 =	vld [tilespmem:s26+$0x3100]  }
0x1b8: {  	vm1 =	vgt.f32 v6, v1;
	v2 =	vsel vm0, $0x30, v2;
	v3 =	vsel vm0, v6, v3  }
0x1b9: {  	v5 =	vsel vm1, $0x30, v8;
	v3 =	vsel vm1, v1, v3;
	v1 =	vsel vm1, v6, v1  }
0x1ba: {  	v2 =	vsel vm1, v8, v2;
	vm0 =	vgt.f32 v7, v1;
	vm1 =	vgt.f32 v7, v3  }
0x1bb: {  	v2 =	vsel vm1, $0x31, v2;
	v3 =	vsel vm1, v7, v3;
	v6 =	vsel vm0, v7, v1;
	v7 =	vld [tilespmem:s26+$0x3180]  }
0x1bc: {  	v1 =	vsel vm0, v1, v3;
	v3 =	vsel vm0, $0x31, v5;
	vm1 =	vgt.f32 v4, v6  }
0x1bd: {  	v2 =	vsel vm0, v5, v2;
	vm0 =	vgt.f32 v4, v1;
	v5 =	vsel vm1, $0x32, v3  }
0x1be: {  	v2 =	vsel vm0, $0x32, v2;
	v1 =	vsel vm0, v4, v1;
	v8 =	vld [tilespmem:s26+$0x3200]  }
0x1bf: {  	v2 =	vsel vm1, v3, v2;
	v1 =	vsel vm1, v6, v1  }
0x1c0: {  	v3 =	vsel vm1, v4, v6;
	vm0 =	vgt.f32 v7, v1  }
0x1c1: {  	vm1 =	vgt.f32 v7, v3;
	v2 =	vsel vm0, $0x33, v2;
	v1 =	vsel vm0, v7, v1;
	v4 =	vld [tilespmem:s26+$0x3280]  }
0x1c2: {  	v6 =	vsel vm1, $0x33, v5;
	v1 =	vsel vm1, v3, v1;
	v3 =	vsel vm1, v7, v3  }
0x1c3: {  	v2 =	vsel vm1, v5, v2;
	vm0 =	vgt.f32 v8, v3;
	vm1 =	vgt.f32 v8, v1  }
0x1c4: {  	v1 =	vsel vm1, v8, v1;
	v5 =	vsel vm0, $0x34, v6;
	v7 =	vsel vm0, v8, v3;
	v8 =	vld [tilespmem:s26+$0x3300]  }
0x1c5: {  	v2 =	vsel vm1, $0x34, v2;
	v1 =	vsel vm0, v3, v1  }
0x1c6: {  	v2 =	vsel vm0, v6, v2;
	vm0 =	vgt.f32 v4, v1  }
0x1c7: {  	vm1 =	vgt.f32 v4, v7;
	v2 =	vsel vm0, $0x35, v2;
	v1 =	vsel vm0, v4, v1;
	v3 =	vld [tilespmem:s26+$0x3380]  }
0x1c8: {  	v2 =	vsel vm1, v5, v2;
	v1 =	vsel vm1, v7, v1  }
0x1c9: {  	v4 =	vsel vm1, v4, v7;
	v5 =	vsel vm1, $0x35, v5;
	vm0 =	vgt.f32 v8, v1  }
0x1ca: {  	vm1 =	vgt.f32 v8, v4;
	v2 =	vsel vm0, $0x36, v2;
	v1 =	vsel vm0, v8, v1;
	v6 =	vld [tilespmem:s26+$0x3800]  }
0x1cb: {  	v2 =	vsel vm1, v5, v2;
	v1 =	vsel vm1, v4, v1  }
0x1cc: {  	v4 =	vsel vm1, v8, v4;
	vm0 =	vgt.f32 v3, v1;
	v7 =	vld [tilespmem:s26+$0x3880]  }
0x1cd: {  	v5 =	vsel vm1, $0x36, v5;
	vm1 =	vgt.f32 v3, v4;
	v1 =	vsel vm0, v3, v1  }
0x1ce: {  	v8 =	vsel vm1, $0x37, v5;
	v3 =	vsel vm1, v3, v4;
	v1 =	vsel vm1, v4, v1  }
0x1cf: {  	v2 =	vsel vm0, $0x37, v2;
	vm0 =	vgt.f32 v6, v3;
	vm2 =	vgt.f32 v6, v1  }
0x1d0: {  	v2 =	vsel vm1, v5, v2;
	v1 =	vsel vm2, v6, v1;
	v4 =	vsel vm0, v6, v3;
	v5 =	vld [tilespmem:s26+$0x3900]  }
0x1d1: {  	v1 =	vsel vm0, v3, v1;
	v3 =	vsel vm0, $0x38, v8;
	vm1 =	vgt.f32 v7, v4  }
0x1d2: {  	v2 =	vsel vm2, $0x38, v2;
	vm2 =	vgt.f32 v7, v1;
	v6 =	vsel vm1, $0x39, v3  }
0x1d3: {  	v2 =	vsel vm0, v8, v2;
	v1 =	vsel vm2, v7, v1;
	v8 =	vld [tilespmem:s26+$0x3980]  }
0x1d4: {  	v2 =	vsel vm2, $0x39, v2;
	v1 =	vsel vm1, v4, v1  }
0x1d5: {  	v2 =	vsel vm1, v3, v2;
	v3 =	vsel vm1, v7, v4;
	vm0 =	vgt.f32 v5, v1  }
0x1d6: {  	vm1 =	vgt.f32 v5, v3;
	v2 =	vsel vm0, $0x3A, v2;
	v1 =	vsel vm0, v5, v1;
	v4 =	vld [tilespmem:s26+$0x3A00]  }
0x1d7: {  	v2 =	vsel vm1, v6, v2;
	v1 =	vsel vm1, v3, v1;
	v3 =	vsel vm1, v5, v3  }
0x1d8: {  	vm0 =	vgt.f32 v8, v1  }
0x1d9: {  	v5 =	vsel vm1, $0x3A, v6;
	vm1 =	vgt.f32 v8, v3;
	v1 =	vsel vm0, v8, v1;
	v6 =	vld [tilespmem:s26+$0x3A80]  }
0x1da: {  	v2 =	vsel vm0, $0x3B, v2;
	v7 =	vsel vm1, $0x3B, v5;
	v1 =	vsel vm1, v3, v1  }
0x1db: {  	v2 =	vsel vm1, v5, v2;
	v3 =	vsel vm1, v8, v3;
	vm0 =	vgt.f32 v4, v1  }
0x1dc: {  	vm1 =	vgt.f32 v4, v3;
	v2 =	vsel vm0, $0x3C, v2;
	v1 =	vsel vm0, v4, v1;
	v5 =	vld [tilespmem:s26+$0x3B00]  }
0x1dd: {  	v2 =	vsel vm1, v7, v2;
	v1 =	vsel vm1, v3, v1  }
0x1de: {  	v7 =	vsel vm1, $0x3C, v7;
	v3 =	vsel vm1, v4, v3;
	vm0 =	vgt.f32 v6, v1  }
0x1df: {  	vm1 =	vgt.f32 v6, v3;
	v2 =	vsel vm0, $0x3D, v2;
	v1 =	vsel vm0, v6, v1;
	v4 =	vld [tilespmem:s26+$0x3B80]  }
0x1e0: {  	v2 =	vsel vm1, v7, v2;
	v1 =	vsel vm1, v3, v1  }
0x1e1: {  	v7 =	vsel vm1, $0x3D, v7;
	v3 =	vsel vm1, v6, v3;
	vm0 =	vgt.f32 v5, v1  }
0x1e2: {  	vm1 =	vgt.f32 v5, v3;
	v2 =	vsel vm0, $0x3E, v2;
	v1 =	vsel vm0, v5, v1  }
0x1e3: {  	v2 =	vsel vm1, v7, v2;
	v1 =	vsel vm1, v3, v1  }
0x1e4: {  	v6 =	vsel vm1, $0x3E, v7;
	v3 =	vsel vm1, v5, v3;
	vm1 =	vgt.f32 v4, v1  }
0x1e5: {  	vm0 =	vgt.f32 v4, v3;
	v2 =	vsel vm1, $0x3F, v2;
	v5 =	vsel vm1, v4, v1  }
0x1e6: {  	v1 =	vsel vm0, v6, v2;
	v2 =	vsel vm0, v3, v5;
	v3 =	vsel vm0, v4, v3  }
0x1e7: {  	v2 =	vsub.f32 v2, v3;
	_ =	sdelay $0x1  }
0x1e8: {  	v2 =	vmul.f32 $1.442695020e+00, v2;
	_ =	sdelay $0x1  }
0x1e9: {  	(erf) = vpow2.f32 v2;
	_ =	sdelay $0x8  }
0x1ea: {  	v2 =	vpop (erf)  }
0x1eb: {  	v3 =	vadd.f32 $1.000000000e+00, v2;
	_ =	sdelay $0x1  }
0x1ec: {  	(erf) = vrcp.f32 v3;
	_ =	sdelay $0x8  }
.Ltmp0:
0x1ed: {  	v3 =	vpop (erf);
	(pc) =	sbr.rel @p0 .LBB2_2-.Ltmp0, $4  }
0x1ee: {  	[tilespmem:s20+$0x0] =	vst v3;
	v2 =	vmul.f32 v3, v2  }
0x1ef: {  	s21 =	sadd.s32 $0x80, s21  }
0x1f0: {  	s17 =	sadd.s32 $0x10, s17;
	s18 =	sadd.s32 $0x10, s18;
	s24 =	sand.u32 $0x70, s24;
	v3 =	vsel vm0, $0x3F, v6;
	[tilespmem:s19+$0x0] =	vst v2  }
0x1f1: {  	s28 =	smov.u32 s23;
	s26 =	sand.u32 $0x400, s21;
	s19 =	sadd.s32 $0x10, s19;
	[tilespmem:s25+$0x0] =	vst v3  }
0x1f2: {  	s21 =	sor.u32 s24, s26;
	[tilespmem:s22+$0x0] =	vst v1  }
0x1f3: {  	v1 =	vld [tilespmem:s21+$0x0];
	_ =	sdelay $0x1  }
0x1f4: {  	v2 =	vld [tilespmem:s21+$0x80];
	_ =	sdelay $0x2  }
0x1f5: {  	vm0 =	vgt.f32 v1, $-Inf  }
0x1f6: {  	v4 =	vimm.s32 $0x0;
	v3 =	vld [tilespmem:s21+$0x100];
	v1 =	vnsel vm0, $0xFF800000, v1  }
0x1f7: {  	vm9 =	vlt.f32 v2, $-Inf;
	vm1 =	vgt.f32 v2, $-Inf;
	vm2 =	vgt.f32 v2, v1  }
0x1f8: {  	v38 =	vimm.s32 $0x0;
	vm0 =	vmor vm1, vm9;
	v4 =	vsel vm2, $0xFFFFFFFF, v4  }
0x1f9: {  	v39 =	vnsel vm0, $0xFF800000, v2;
	vm1 =	vmneg vm2;
	[tilespmem:$0x1F700] =	vst v4;
	v4 =	vsel vm0, $0xFFFFFFFF, v38  }
0x1fa: {  	v5 =	vld [tilespmem:s21+$0x180];
	[tilespmem:$0x1F6E0] =	vst v4;
	v4 =	vsel vm1, v39, v1  }
0x1fb: {  	v1 =	vsel vm1, v1, v2;
	v2 =	vimm.s32 $0x0;
	vm10 =	vgt.f32 v3, v4  }
0x1fc: {  	v2 =	vsel vm10, $0xFFFFFFFF, v2  }
0x1fd: {  	vm3 =	vgt.f32 v3, v1;
	[tilespmem:$0x1F6F0] =	vst v2;
	v2 =	vsel vm10, v3, v4  }
0x1fe: {  	v40 =	vld [tilespmem:s21+$0x200];
	v2 =	vsel vm3, v1, v2  }
0x1ff: {  	v1 =	vsel vm3, v3, v1;
	v3 =	vimm.s32 $0x0;
	vm11 =	vgt.f32 v5, v2  }
0x200: {  	v3 =	vsel vm11, $0xFFFFFFFF, v3  }
0x201: {  	vm4 =	vgt.f32 v5, v1;
	v2 =	vsel vm11, v5, v2;
	[tilespmem:$0x1F710] =	vst v3;
	v3 =	vld [tilespmem:s21+$0x280]  }
0x202: {  	v2 =	vsel vm4, v1, v2  }
0x203: {  	v1 =	vsel vm4, v5, v1;
	vm12 =	vgt.f32 v40, v2  }
0x204: {  	v42 =	vld [tilespmem:s21+$0x300];
	vm5 =	vgt.f32 v40, v1;
	v2 =	vsel vm12, v40, v2  }
0x205: {  	v2 =	vsel vm5, v1, v2  }
0x206: {  	v1 =	vsel vm5, v40, v1;
	vm13 =	vgt.f32 v3, v2  }
0x207: {  	vm6 =	vgt.f32 v3, v1;
	v2 =	vsel vm13, v3, v2  }
0x208: {  	v44 =	vld [tilespmem:s21+$0x380];
	v2 =	vsel vm6, v1, v2  }
0x209: {  	v1 =	vsel vm6, v3, v1;
	v3 =	vimm.s32 $0x0;
	vm14 =	vgt.f32 v42, v2  }
0x20a: {  	v3 =	vsel vm14, $0xFFFFFFFF, v3  }
0x20b: {  	vm7 =	vgt.f32 v42, v1;
	v2 =	vsel vm14, v42, v2;
	[tilespmem:$0x1F740] =	vst v3;
	v3 =	vld [tilespmem:s21+$0x800]  }
0x20c: {  	v2 =	vsel vm7, v1, v2  }
0x20d: {  	v1 =	vsel vm7, v42, v1;
	vm15 =	vgt.f32 v44, v2  }
0x20e: {  	v46 =	vld [tilespmem:s21+$0x880];
	vm8 =	vgt.f32 v44, v1;
	v2 =	vsel vm15, v44, v2  }
0x20f: {  	v41 =	vimm.s32 $0x0;
	v2 =	vsel vm8, v1, v2  }
0x210: {  	v5 =	vsel vm12, $0xFFFFFFFF, v41;
	v1 =	vsel vm8, v44, v1;
	vm12 =	vgt.f32 v3, v2  }
0x211: {  	v43 =	vimm.s32 $0x0;
	vm9 =	vgt.f32 v3, v1;
	v2 =	vsel vm12, v3, v2  }
0x212: {  	v48 =	vld [tilespmem:s21+$0x900];
	v4 =	vsel vm13, $0xFFFFFFFF, v43;
	v2 =	vsel vm9, v1, v2  }
0x213: {  	v1 =	vsel vm9, v3, v1;
	v3 =	vimm.s32 $0x0;
	vm13 =	vgt.f32 v46, v2  }
0x214: {  	v3 =	vsel vm13, $0xFFFFFFFF, v3  }
0x215: {  	vm10 =	vgt.f32 v46, v1;
	v2 =	vsel vm13, v46, v2;
	[tilespmem:$0x1F770] =	vst v3;
	v3 =	vld [tilespmem:s21+$0x980]  }
0x216: {  	v2 =	vsel vm10, v1, v2  }
0x217: {  	v45 =	vimm.s32 $0x0;
	v1 =	vsel vm10, v46, v1;
	vm14 =	vgt.f32 v48, v2  }
0x218: {  	v47 =	vimm.s32 $0x0;
	v50 =	vld [tilespmem:s21+$0xA00];
	vm11 =	vgt.f32 v48, v1;
	v2 =	vsel vm14, v48, v2  }
0x219: {  	v49 =	vimm.s32 $0x0;
	v51 =	vimm.s32 $0x0;
	v2 =	vsel vm11, v1, v2  }
0x21a: {  	[tilespmem:$0x1F720] =	vst v5;
	v5 =	vsel vm15, $0xFFFFFFFF, v45;
	v1 =	vsel vm11, v48, v1;
	vm15 =	vgt.f32 v3, v2  }
0x21b: {  	v53 =	vimm.s32 $0x0;
	vm2 =	vgt.f32 v3, v1;
	v2 =	vsel vm15, v3, v2  }
0x21c: {  	v55 =	vimm.s32 $0x0;
	v52 =	vld [tilespmem:s21+$0xA80];
	[tilespmem:$0x1F730] =	vst v4;
	v4 =	vsel vm12, $0xFFFFFFFF, v47;
	v2 =	vsel vm2, v1, v2  }
0x21d: {  	v1 =	vsel vm2, v3, v1;
	v3 =	vimm.s32 $0x0;
	vm12 =	vgt.f32 v50, v2  }
0x21e: {  	v6 =	vimm.s32 $0x0;
	v57 =	vimm.s32 $0x0;
	v3 =	vsel vm12, $0xFFFFFFFF, v3  }
0x21f: {  	v60 =	vimm.s32 $0x0;
	v2 =	vsel vm12, v50, v2;
	vm12 =	vgt.f32 v50, v1;
	[tilespmem:$0x1F7A0] =	vst v3;
	v3 =	vld [tilespmem:s21+$0xB00]  }
0x220: {  	v8 =	vimm.s32 $0x0;
	v11 =	vimm.s32 $0x0;
	v2 =	vsel vm12, v1, v2  }
0x221: {  	[tilespmem:$0x1F750] =	vst v5;
	v5 =	vsel vm14, $0xFFFFFFFF, v49;
	v1 =	vsel vm12, v50, v1;
	vm13 =	vgt.f32 v52, v2  }
0x222: {  	v54 =	vld [tilespmem:s21+$0xB80];
	[tilespmem:$0x1F780] =	vst v5;
	v5 =	vsel vm13, $0xFFFFFFFF, v53;
	v2 =	vsel vm13, v52, v2;
	vm13 =	vgt.f32 v52, v1  }
0x223: {  	v14 =	vimm.s32 $0x0;
	v17 =	vimm.s32 $0x0;
	v2 =	vsel vm13, v1, v2  }
0x224: {  	v56 =	vld [tilespmem:s21+$0x1000];
	[tilespmem:$0x1F760] =	vst v4;
	v4 =	vsel vm15, $0xFFFFFFFF, v51;
	v1 =	vsel vm13, v52, v1;
	vm14 =	vgt.f32 v3, v2  }
0x225: {  	v58 =	vld [tilespmem:$0x1F6E0];
	[tilespmem:$0x1F790] =	vst v4;
	v4 =	vsel vm14, $0xFFFFFFFF, v55;
	v2 =	vsel vm14, v3, v2;
	vm14 =	vgt.f32 v3, v1  }
0x226: {  	v20 =	vimm.s32 $0x0;
	v23 =	vimm.s32 $0x0;
	v7 =	vld [tilespmem:$0x1F6F0];
	v2 =	vsel vm14, v1, v2  }
0x227: {  	v1 =	vsel vm14, v3, v1;
	v3 =	vimm.s32 $0x0;
	vm15 =	vgt.f32 v54, v2  }
0x228: {  	v62 =	vld [tilespmem:$0x1F700];
	v3 =	vsel vm15, $0xFFFFFFFF, v3;
	v2 =	vsel vm15, v54, v2;
	vm15 =	vgt.f32 v54, v1  }
0x229: {  	v26 =	vimm.s32 $0x0;
	[tilespmem:$0x1F7D0] =	vst v3;
	v3 =	vld [tilespmem:s21+$0x1080];
	v6 =	vsel vm15, $0xFFFFFFFF, v6;
	v2 =	vsel vm15, v1, v2  }
0x22a: {  	v1 =	vsel vm15, v54, v1;
	vm15 =	vnez.u8 v58;
	vm0 =	vgt.f32 v56, v2  }
0x22b: {  	[tilespmem:$0x1F7B0] =	vst v5;
	vm1 =	vmand vm15, vm1;
	vm15 =	vnez.u8 v7;
	v5 =	vsel vm0, $0xFFFFFFFF, v57  }
0x22c: {  	v59 =	vld [tilespmem:s21+$0x1100];
	v2 =	vsel vm0, v56, v2;
	vm0 =	vgt.f32 v56, v1;
	v61 =	vsel vm1, $0x1, v0  }
0x22d: {  	[tilespmem:$0x1F7E0] =	vst v6;
	v6 =	vsel vm0, $0xFFFFFFFF, v60;
	v2 =	vsel vm0, v1, v2;
	v1 =	vsel vm0, v56, v1  }
0x22e: {  	[tilespmem:$0x1F800] =	vst v6;
	v6 =	vsel vm15, $0x2, v61;
	vm15 =	vnez.u8 v62;
	vm1 =	vgt.f32 v3, v2  }
0x22f: {  	[tilespmem:$0x1F7C0] =	vst v4;
	v4 =	vsel vm15, $0x1, v0;
	vm15 =	vgt.f32 v3, v1;
	v2 =	vsel vm1, v3, v2  }
0x230: {  	v29 =	vimm.s32 $0x0;
	v32 =	vimm.s32 $0x0;
	v2 =	vsel vm15, v1, v2  }
0x231: {  	v1 =	vsel vm15, v3, v1;
	v3 =	vimm.s32 $0x0;
	vm0 =	vgt.f32 v59, v2  }
0x232: {  	v35 =	vimm.s32 $0x0;
	v63 =	vld [tilespmem:s21+$0x1180];
	v38 =	vimm.s32 $0x0;
	v3 =	vsel vm0, $0xFFFFFFFF, v3  }
0x233: {  	v39 =	vimm.s32 $0x0;
	v42 =	vimm.s32 $0x0;
	v45 =	vimm.s32 $0x0;
	[tilespmem:$0x1F820] =	vst v3;
	v3 =	vld [tilespmem:$0x1F710]  }
0x234: {  	v12 =	vld [tilespmem:$0x1F720];
	v49 =	vimm.s32 $0x0;
	v53 =	vimm.s32 $0x0;
	v6 =	vsel vm3, v4, v6  }
0x235: {  	v4 =	vsel vm3, $0x2, v4;
	vm3 =	vgt.f32 v59, v1;
	v2 =	vsel vm0, v59, v2  }
0x236: {  	v10 =	vld [tilespmem:s21+$0x1200];
	v56 =	vimm.s32 $0x0;
	v62 =	vimm.s32 $0x0;
	v2 =	vsel vm3, v1, v2  }
0x237: {  	v15 =	vld [tilespmem:$0x1F730];
	v8 =	vsel vm15, $0xFFFFFFFF, v8;
	v1 =	vsel vm3, v59, v1;
	vm0 =	vgt.f32 v63, v2  }
0x238: {  	[tilespmem:$0x1F7F0] =	vst v5;
	v59 =	vimm.s32 $0x0;
	v5 =	vsel vm0, $0xFFFFFFFF, v11;
	vm15 =	vnez.u8 v3  }
0x239: {  	v18 =	vld [tilespmem:$0x1F740];
	v2 =	vsel vm0, v63, v2;
	v3 =	vsel vm15, $0x3, v6;
	vm15 =	vnez.u8 v12  }
0x23a: {  	v3 =	vsel vm4, v4, v3;
	v4 =	vsel vm4, $0x3, v4;
	vm4 =	vgt.f32 v63, v1  }
0x23b: {  	v13 =	vld [tilespmem:s21+$0x1280];
	v3 =	vsel vm15, $0x4, v3;
	v2 =	vsel vm4, v1, v2;
	v1 =	vsel vm4, v63, v1  }
0x23c: {  	v21 =	vld [tilespmem:$0x1F750];
	vm15 =	vnez.u8 v15;
	v3 =	vsel vm5, v4, v3;
	vm0 =	vgt.f32 v10, v2  }
0x23d: {  	v4 =	vsel vm5, $0x4, v4;
	vm5 =	vgt.f32 v10, v1;
	v7 =	vsel vm0, $0xFFFFFFFF, v14  }
0x23e: {  	v3 =	vsel vm15, $0x5, v3;
	v2 =	vsel vm0, v10, v2;
	vm15 =	vnez.u8 v18  }
0x23f: {  	v24 =	vld [tilespmem:$0x1F760];
	v3 =	vsel vm6, v4, v3;
	v2 =	vsel vm5, v1, v2;
	v4 =	vsel vm6, $0x5, v4  }
0x240: {  	v16 =	vld [tilespmem:s21+$0x1300];
	v1 =	vsel vm5, v10, v1;
	v10 =	vimm.s32 $0x0;
	vm0 =	vgt.f32 v13, v2  }
0x241: {  	v3 =	vsel vm15, $0x6, v3;
	vm6 =	vgt.f32 v13, v1;
	vm15 =	vnez.u8 v21  }
0x242: {  	v27 =	vld [tilespmem:$0x1F770];
	v6 =	vsel vm0, $0xFFFFFFFF, v17;
	v2 =	vsel vm0, v13, v2;
	v3 =	vsel vm7, v4, v3  }
0x243: {  	v4 =	vsel vm7, $0x6, v4;
	v2 =	vsel vm6, v1, v2;
	v1 =	vsel vm6, v13, v1  }
0x244: {  	v19 =	vld [tilespmem:s21+$0x1380];
	v3 =	vsel vm15, $0x7, v3;
	vm15 =	vnez.u8 v24;
	v13 =	vimm.s32 $0x0  }
0x245: {  	v30 =	vld [tilespmem:$0x1F780];
	vm0 =	vgt.f32 v16, v2;
	vm7 =	vgt.f32 v16, v1;
	v3 =	vsel vm8, v4, v3  }
0x246: {  	[tilespmem:$0x1F830] =	vst v5;
	v4 =	vsel vm8, $0x7, v4;
	v5 =	vsel vm0, $0xFFFFFFFF, v20;
	v2 =	vsel vm0, v16, v2  }
0x247: {  	v3 =	vsel vm15, $0x8, v3;
	vm15 =	vnez.u8 v27;
	v2 =	vsel vm7, v1, v2  }
0x248: {  	v33 =	vld [tilespmem:$0x1F790];
	v1 =	vsel vm7, v16, v1;
	v3 =	vsel vm9, v4, v3;
	v4 =	vsel vm9, $0x8, v4  }
0x249: {  	v22 =	vld [tilespmem:s21+$0x1800];
	v16 =	vimm.s32 $0x0;
	vm0 =	vgt.f32 v19, v2;
	vm8 =	vgt.f32 v19, v1  }
0x24a: {  	v3 =	vsel vm15, $0x9, v3;
	vm15 =	vnez.u8 v30;
	v30 =	vimm.s32 $0x0  }
0x24b: {  	v36 =	vld [tilespmem:$0x1F7A0];
	[tilespmem:$0x1F840] =	vst v7;
	v7 =	vsel vm0, $0xFFFFFFFF, v23;
	v2 =	vsel vm0, v19, v2;
	v3 =	vsel vm10, v4, v3  }
0x24c: {  	v4 =	vsel vm10, $0x9, v4;
	v2 =	vsel vm8, v1, v2;
	v1 =	vsel vm8, v19, v1  }
0x24d: {  	v25 =	vld [tilespmem:s21+$0x1880];
	v3 =	vsel vm15, $0xA, v3;
	vm15 =	vnez.u8 v33;
	v19 =	vimm.s32 $0x0  }
0x24e: {  	v57 =	vld [tilespmem:$0x1F820];
	v33 =	vimm.s32 $0x0;
	vm0 =	vgt.f32 v22, v2;
	vm9 =	vgt.f32 v22, v1  }
0x24f: {  	[tilespmem:$0x1F850] =	vst v6;
	v3 =	vsel vm11, v4, v3;
	v4 =	vsel vm11, $0xA, v4;
	v6 =	vsel vm0, $0xFFFFFFFF, v26  }
0x250: {  	v2 =	vsel vm0, v22, v2;
	v3 =	vsel vm15, $0xB, v3;
	vm15 =	vnez.u8 v36  }
0x251: {  	v40 =	vld [tilespmem:$0x1F7B0];
	v26 =	vimm.s32 $0x0;
	v36 =	vimm.s32 $0x0;
	v2 =	vsel vm9, v1, v2  }
0x252: {  	v28 =	vld [tilespmem:s21+$0x1900];
	v1 =	vsel vm9, v22, v1;
	v3 =	vsel vm2, v4, v3;
	v4 =	vsel vm2, $0xB, v4  }
0x253: {  	vm2 =	vnez.u8 v57;
	v22 =	vimm.s32 $0x0;
	vm0 =	vgt.f32 v25, v2  }
0x254: {  	v43 =	vld [tilespmem:$0x1F7C0];
	[tilespmem:$0x1F860] =	vst v5;
	vm10 =	vgt.f32 v25, v1;
	v3 =	vsel vm15, $0xC, v3;
	v5 =	vsel vm0, $0xFFFFFFFF, v29  }
0x255: {  	v31 =	vld [tilespmem:s21+$0x1980];
	v2 =	vsel vm0, v25, v2;
	v3 =	vsel vm12, v4, v3;
	v4 =	vsel vm12, $0xC, v4  }
0x256: {  	vm12 =	vnez.u8 v40;
	v29 =	vimm.s32 $0x0;
	v2 =	vsel vm10, v1, v2  }
0x257: {  	v1 =	vsel vm10, v25, v1;
	v3 =	vsel vm12, $0xD, v3;
	vm0 =	vgt.f32 v28, v2  }
0x258: {  	v34 =	vld [tilespmem:s21+$0x1A00];
	vm11 =	vgt.f32 v28, v1;
	v3 =	vsel vm13, v4, v3;
	v2 =	vsel vm0, v28, v2  }
0x259: {  	v46 =	vld [tilespmem:$0x1F7D0];
	v4 =	vsel vm13, $0xD, v4;
	vm13 =	vnez.u8 v43;
	v2 =	vsel vm11, v1, v2  }
0x25a: {  	[tilespmem:$0x1F870] =	vst v7;
	v7 =	vsel vm0, $0xFFFFFFFF, v32;
	v1 =	vsel vm11, v28, v1;
	vm0 =	vgt.f32 v31, v2  }
0x25b: {  	v37 =	vld [tilespmem:s21+$0x1A80];
	v3 =	vsel vm13, $0xE, v3;
	vm15 =	vgt.f32 v31, v1;
	v2 =	vsel vm0, v31, v2  }
0x25c: {  	v3 =	vsel vm14, v4, v3;
	v4 =	vsel vm14, $0xE, v4;
	v2 =	vsel vm15, v1, v2  }
0x25d: {  	[tilespmem:$0x1F810] =	vst v8;
	v8 =	vsel vm15, $0xFFFFFFFF, v38;
	v1 =	vsel vm15, v31, v1;
	vm15 =	vgt.f32 v34, v2  }
0x25e: {  	v41 =	vld [tilespmem:s21+$0x1B00];
	vm14 =	vnez.u8 v46;
	vm12 =	vgt.f32 v34, v1;
	v2 =	vsel vm15, v34, v2  }
0x25f: {  	v25 =	vimm.s32 $0x0;
	v3 =	vsel vm14, $0xF, v3;
	v2 =	vsel vm12, v1, v2  }
0x260: {  	v48 =	vld [tilespmem:$0x1F7E0];
	[tilespmem:$0x1F890] =	vst v5;
	v5 =	vsel vm15, $0xFFFFFFFF, v39;
	v1 =	vsel vm12, v34, v1;
	vm15 =	vgt.f32 v37, v2  }
0x261: {  	[tilespmem:$0x1F880] =	vst v6;
	v6 =	vsel vm0, $0xFFFFFFFF, v35;
	vm13 =	vgt.f32 v37, v1;
	v2 =	vsel vm15, v37, v2  }
0x262: {  	v50 =	vld [tilespmem:$0x1F7F0];
	v38 =	vimm.s32 $0x0;
	v39 =	vimm.s32 $0x0;
	v2 =	vsel vm13, v1, v2  }
0x263: {  	v44 =	vld [tilespmem:s21+$0x1B80];
	[tilespmem:$0x1F8A0] =	vst v7;
	v7 =	vsel vm15, $0xFFFFFFFF, v42;
	v1 =	vsel vm13, v37, v1;
	vm15 =	vgt.f32 v41, v2  }
0x264: {  	v52 =	vld [tilespmem:$0x1F800];
	[tilespmem:$0x1F8B0] =	vst v6;
	v42 =	vimm.s32 $0x0;
	vm14 =	vgt.f32 v41, v1;
	v6 =	vsel vm15, $0xFFFFFFFF, v45  }
0x265: {  	v2 =	vsel vm15, v41, v2;
	vm15 =	vnez.u8 v48;
	v45 =	vimm.s32 $0x0  }
0x266: {  	v47 =	vld [tilespmem:s21+$0x2000];
	v48 =	vimm.s32 $0x0;
	v3 =	vsel vm15, v4, v3;
	v2 =	vsel vm14, v1, v2  }
0x267: {  	v4 =	vsel vm15, $0xF, v4;
	v1 =	vsel vm14, v41, v1;
	vm15 =	vnez.u8 v50  }
0x268: {  	v55 =	vld [tilespmem:$0x1F810];
	vm0 =	vgt.f32 v44, v2;
	v3 =	vsel vm15, $0x10, v3;
	vm15 =	vgt.f32 v44, v1  }
0x269: {  	[tilespmem:$0x1F8D0] =	vst v5;
	v5 =	vsel vm0, $0xFFFFFFFF, v49;
	v2 =	vsel vm0, v44, v2;
	vm0 =	vnez.u8 v52  }
0x26a: {  	v51 =	vld [tilespmem:s21+$0x2080];
	v52 =	vimm.s32 $0x0;
	v3 =	vsel vm0, v4, v3;
	v2 =	vsel vm15, v1, v2  }
0x26b: {  	v4 =	vsel vm0, $0x10, v4;
	v1 =	vsel vm15, v44, v1;
	vm0 =	vgt.f32 v47, v2  }
0x26c: {  	v60 =	vld [tilespmem:$0x1F830];
	[tilespmem:$0x1F8E0] =	vst v7;
	v3 =	vsel vm1, $0x11, v3;
	vm1 =	vgt.f32 v47, v1;
	v7 =	vsel vm0, $0xFFFFFFFF, v53  }
0x26d: {  	v2 =	vsel vm0, v47, v2;
	vm0 =	vnez.u8 v55;
	v55 =	vimm.s32 $0x0  }
0x26e: {  	v3 =	vsel vm0, v4, v3;
	v2 =	vsel vm1, v1, v2;
	v4 =	vsel vm0, $0x11, v4  }
0x26f: {  	v54 =	vld [tilespmem:s21+$0x2100];
	v1 =	vsel vm1, v47, v1;
	vm0 =	vgt.f32 v51, v2;
	v3 =	vsel vm2, $0x12, v3  }
0x270: {  	v63 =	vld [tilespmem:$0x1F840];
	[tilespmem:$0x1F8F0] =	vst v6;
	v6 =	vsel vm0, $0xFFFFFFFF, v56;
	v2 =	vsel vm0, v51, v2;
	vm0 =	vgt.f32 v51, v1  }
0x271: {  	v3 =	vsel vm3, v4, v3;
	v4 =	vsel vm3, $0x12, v4;
	vm3 =	vnez.u8 v60  }
0x272: {  	v56 =	vimm.s32 $0x0;
	v60 =	vimm.s32 $0x0;
	v2 =	vsel vm0, v1, v2  }
0x273: {  	v11 =	vld [tilespmem:$0x1F850];
	v1 =	vsel vm0, v51, v1;
	v3 =	vsel vm3, $0x13, v3;
	v51 =	vimm.s32 $0x0  }
0x274: {  	v58 =	vld [tilespmem:s21+$0x2180];
	vm2 =	vgt.f32 v54, v2;
	vm3 =	vgt.f32 v54, v1;
	v3 =	vsel vm4, v4, v3  }
0x275: {  	v4 =	vsel vm4, $0x13, v4;
	vm4 =	vnez.u8 v63;
	v63 =	vimm.s32 $0x0  }
0x276: {  	v14 =	vld [tilespmem:$0x1F860];
	[tilespmem:$0x1F900] =	vst v5;
	v5 =	vsel vm2, $0xFFFFFFFF, v59;
	v2 =	vsel vm2, v54, v2;
	v3 =	vsel vm4, $0x14, v3  }
0x277: {  	v61 =	vld [tilespmem:s21+$0x2200];
	v59 =	vimm.s32 $0x0;
	v2 =	vsel vm3, v1, v2;
	v1 =	vsel vm3, v54, v1  }
0x278: {  	v3 =	vsel vm5, v4, v3;
	v4 =	vsel vm5, $0x14, v4;
	vm5 =	vnez.u8 v11  }
0x279: {  	v17 =	vld [tilespmem:$0x1F870];
	vm2 =	vgt.f32 v58, v2;
	vm4 =	vgt.f32 v58, v1;
	v3 =	vsel vm5, $0x15, v3  }
0x27a: {  	[tilespmem:$0x1F910] =	vst v7;
	v7 =	vsel vm2, $0xFFFFFFFF, v62;
	v2 =	vsel vm2, v58, v2;
	v3 =	vsel vm6, v4, v3  }
0x27b: {  	v9 =	vld [tilespmem:s21+$0x2280];
	v4 =	vsel vm6, $0x15, v4;
	vm6 =	vnez.u8 v14;
	v2 =	vsel vm4, v1, v2  }
0x27c: {  	v20 =	vld [tilespmem:$0x1F880];
	v1 =	vsel vm4, v58, v1;
	v3 =	vsel vm6, $0x16, v3;
	vm2 =	vgt.f32 v61, v2  }
0x27d: {  	vm5 =	vgt.f32 v61, v1;
	v3 =	vsel vm7, v4, v3;
	v4 =	vsel vm7, $0x16, v4  }
0x27e: {  	v12 =	vld [tilespmem:s21+$0x2300];
	[tilespmem:$0x1F920] =	vst v6;
	vm7 =	vnez.u8 v17;
	v6 =	vsel vm2, $0xFFFFFFFF, v10;
	v2 =	vsel vm2, v61, v2  }
0x27f: {  	v23 =	vld [tilespmem:$0x1F890];
	v3 =	vsel vm7, $0x17, v3;
	v10 =	vimm.s32 $0x0;
	v2 =	vsel vm5, v1, v2  }
0x280: {  	v1 =	vsel vm5, v61, v1;
	v3 =	vsel vm8, v4, v3;
	v4 =	vsel vm8, $0x17, v4  }
0x281: {  	vm8 =	vnez.u8 v20;
	vm2 =	vgt.f32 v9, v2;
	vm6 =	vgt.f32 v9, v1  }
0x282: {  	v15 =	vld [tilespmem:s21+$0x2380];
	[tilespmem:$0x1F930] =	vst v5;
	v3 =	vsel vm8, $0x18, v3;
	v5 =	vsel vm2, $0xFFFFFFFF, v13;
	v2 =	vsel vm2, v9, v2  }
0x283: {  	v3 =	vsel vm9, v4, v3;
	v4 =	vsel vm9, $0x18, v4;
	v2 =	vsel vm6, v1, v2  }
0x284: {  	v35 =	vld [tilespmem:$0x1F8D0];
	vm9 =	vnez.u8 v23;
	v1 =	vsel vm6, v9, v1;
	vm2 =	vgt.f32 v12, v2  }
0x285: {  	v18 =	vld [tilespmem:s21+$0x2800];
	v3 =	vsel vm9, $0x19, v3;
	vm7 =	vgt.f32 v12, v1;
	v2 =	vsel vm2, v12, v2  }
0x286: {  	v13 =	vimm.s32 $0x0;
	v3 =	vsel vm10, v4, v3;
	v2 =	vsel vm7, v1, v2  }
0x287: {  	[tilespmem:$0x1F940] =	vst v7;
	v7 =	vsel vm2, $0xFFFFFFFF, v16;
	v1 =	vsel vm7, v12, v1;
	vm2 =	vgt.f32 v15, v2  }
0x288: {  	v27 =	vld [tilespmem:$0x1F8A0];
	v4 =	vsel vm10, $0x19, v4;
	vm8 =	vgt.f32 v15, v1;
	v2 =	vsel vm2, v15, v2  }
0x289: {  	v21 =	vld [tilespmem:s21+$0x2880];
	vm10 =	vnez.u8 v35;
	v16 =	vimm.s32 $0x0;
	v2 =	vsel vm8, v1, v2  }
0x28a: {  	[tilespmem:$0x1F950] =	vst v6;
	v6 =	vsel vm2, $0xFFFFFFFF, v19;
	v1 =	vsel vm8, v15, v1;
	vm2 =	vgt.f32 v18, v2  }
0x28b: {  	v24 =	vld [tilespmem:s21+$0x2900];
	[tilespmem:$0x1F960] =	vst v5;
	v19 =	vimm.s32 $0x0;
	vm9 =	vgt.f32 v18, v1;
	v5 =	vsel vm2, $0xFFFFFFFF, v22  }
0x28c: {  	[tilespmem:$0x1F8C0] =	vst v8;
	v31 =	vld [tilespmem:$0x1F8B0];
	v2 =	vsel vm2, v18, v2;
	v8 =	vsel vm9, $0xFFFFFFFF, v25;
	v22 =	vimm.s32 $0x0  }
0x28d: {  	v34 =	vld [tilespmem:$0x1F8C0];
	v2 =	vsel vm9, v1, v2;
	v1 =	vsel vm9, v18, v1;
	vm9 =	vnez.u8 v27  }
0x28e: {  	[tilespmem:$0x1F970] =	vst v7;
	vm2 =	vgt.f32 v21, v2;
	v3 =	vsel vm9, $0x1A, v3;
	vm9 =	vgt.f32 v21, v1  }
0x28f: {  	[tilespmem:$0x1F9A0] =	vst v8;
	v7 =	vsel vm2, $0xFFFFFFFF, v26;
	v2 =	vsel vm2, v21, v2;
	v8 =	vsel vm9, $0xFFFFFFFF, v29  }
0x290: {  	v3 =	vsel vm11, v4, v3;
	v4 =	vsel vm11, $0x1A, v4;
	v26 =	vimm.s32 $0x0  }
0x291: {  	v28 =	vld [tilespmem:s21+$0x2980];
	v2 =	vsel vm9, v1, v2;
	v1 =	vsel vm9, v21, v1;
	vm9 =	vnez.u8 v31  }
0x292: {  	vm2 =	vgt.f32 v24, v2;
	v3 =	vsel vm9, $0x1B, v3;
	vm9 =	vnez.u8 v34  }
0x293: {  	v40 =	vld [tilespmem:$0x1F8E0];
	[tilespmem:$0x1F980] =	vst v6;
	v34 =	vimm.s32 $0x0;
	v6 =	vsel vm2, $0xFFFFFFFF, v30;
	v2 =	vsel vm2, v24, v2  }
0x294: {  	v43 =	vld [tilespmem:$0x1F8F0];
	vm2 =	vgt.f32 v24, v1;
	v3 =	vsel vm9, v4, v3;
	v4 =	vsel vm9, $0x1B, v4  }
0x295: {  	[tilespmem:$0x1F9C0] =	vst v8;
	v30 =	vimm.s32 $0x0;
	v8 =	vsel vm2, $0xFFFFFFFF, v33;
	v2 =	vsel vm2, v1, v2  }
0x296: {  	v32 =	vld [tilespmem:s21+$0x2A00];
	v3 =	vsel vm10, $0x1C, v3;
	v1 =	vsel vm2, v24, v1;
	vm10 =	vgt.f32 v28, v2  }
0x297: {  	vm11 =	vgt.f32 v28, v1;
	v3 =	vsel vm12, v4, v3;
	v4 =	vsel vm12, $0x1C, v4  }
0x298: {  	v37 =	vld [tilespmem:s21+$0x2A80];
	[tilespmem:$0x1F990] =	vst v5;
	vm12 =	vnez.u8 v40;
	v5 =	vsel vm10, $0xFFFFFFFF, v36;
	v2 =	vsel vm10, v28, v2  }
0x299: {  	v46 =	vld [tilespmem:$0x1F900];
	[tilespmem:$0x1F9E0] =	vst v8;
	v8 =	vsel vm11, $0xFFFFFFFF, v38;
	v3 =	vsel vm12, $0x1D, v3;
	vm12 =	vnez.u8 v43  }
0x29a: {  	v2 =	vsel vm11, v1, v2;
	v1 =	vsel vm11, v28, v1;
	v3 =	vsel vm13, v4, v3  }
0x29b: {  	v4 =	vsel vm13, $0x1D, v4;
	vm2 =	vgt.f32 v32, v2;
	vm11 =	vgt.f32 v32, v1  }
0x29c: {  	v41 =	vld [tilespmem:s21+$0x2B00];
	[tilespmem:$0x1F9B0] =	vst v7;
	v3 =	vsel vm12, $0x1E, v3;
	v7 =	vsel vm2, $0xFFFFFFFF, v39;
	v2 =	vsel vm2, v32, v2  }
0x29d: {  	v3 =	vsel vm14, v4, v3;
	v4 =	vsel vm14, $0x1E, v4;
	v2 =	vsel vm11, v1, v2  }
0x29e: {  	v49 =	vld [tilespmem:$0x1F910];
	vm14 =	vnez.u8 v46;
	v1 =	vsel vm11, v32, v1;
	vm2 =	vgt.f32 v37, v2  }
0x29f: {  	v44 =	vld [tilespmem:s21+$0x2B80];
	[tilespmem:$0x1F9D0] =	vst v6;
	v6 =	vsel vm2, $0xFFFFFFFF, v42;
	v2 =	vsel vm2, v37, v2;
	vm2 =	vgt.f32 v37, v1  }
0x2a0: {  	v38 =	vimm.s32 $0x0;
	v3 =	vsel vm14, $0x1F, v3;
	v2 =	vsel vm2, v1, v2  }
0x2a1: {  	v3 =	vsel vm15, v4, v3;
	v1 =	vsel vm2, v37, v1;
	vm12 =	vgt.f32 v41, v2  }
0x2a2: {  	v53 =	vld [tilespmem:$0x1F920];
	v4 =	vsel vm15, $0x1F, v4;
	vm14 =	vgt.f32 v41, v1;
	v2 =	vsel vm12, v41, v2  }
0x2a3: {  	v47 =	vld [tilespmem:s21+$0x3000];
	[tilespmem:$0x1F9F0] =	vst v5;
	v5 =	vsel vm12, $0xFFFFFFFF, v45;
	vm12 =	vnez.u8 v49;
	v2 =	vsel vm14, v1, v2  }
0x2a4: {  	v57 =	vld [tilespmem:$0x1F930];
	v1 =	vsel vm14, v41, v1;
	v3 =	vsel vm12, $0x20, v3;
	vm15 =	vgt.f32 v44, v2  }
0x2a5: {  	[tilespmem:$0x1FA10] =	vst v7;
	v7 =	vsel vm15, $0xFFFFFFFF, v48;
	v2 =	vsel vm15, v44, v2;
	vm15 =	vgt.f32 v44, v1  }
0x2a6: {  	v50 =	vld [tilespmem:s21+$0x3080];
	[tilespmem:$0x1FA00] =	vst v8;
	vm13 =	vmmov vm11;
	v3 =	vsel vm1, v4, v3;
	v8 =	vsel vm15, $0xFFFFFFFF, v51  }
0x2a7: {  	v61 =	vld [tilespmem:$0x1F940];
	v2 =	vsel vm15, v1, v2;
	v1 =	vsel vm15, v44, v1;
	vm15 =	vnez.u8 v53  }
0x2a8: {  	v4 =	vsel vm1, $0x20, v4;
	vm12 =	vgt.f32 v47, v2;
	v3 =	vsel vm15, $0x21, v3  }
0x2a9: {  	v54 =	vld [tilespmem:s21+$0x3100];
	[tilespmem:$0x1FA20] =	vst v6;
	vm11 =	vgt.f32 v47, v1;
	vm15 =	vnez.u8 v57;
	v6 =	vsel vm12, $0xFFFFFFFF, v52  }
0x2aa: {  	v17 =	vld [tilespmem:$0x1F970];
	[tilespmem:$0x1FA50] =	vst v8;
	v2 =	vsel vm12, v47, v2;
	v8 =	vsel vm11, $0xFFFFFFFF, v55;
	v3 =	vsel vm0, v4, v3  }
0x2ab: {  	v11 =	vld [tilespmem:$0x1F950];
	v4 =	vsel vm0, $0x21, v4;
	v2 =	vsel vm11, v1, v2;
	v1 =	vsel vm11, v47, v1  }
0x2ac: {  	v14 =	vld [tilespmem:$0x1F960];
	v3 =	vsel vm15, $0x22, v3;
	vm11 =	vnez.u8 v61;
	vm12 =	vgt.f32 v50, v2  }
0x2ad: {  	[tilespmem:$0x1FA30] =	vst v5;
	vm9 =	vgt.f32 v50, v1;
	v3 =	vsel vm3, v4, v3;
	v4 =	vsel vm3, $0x22, v4  }
0x2ae: {  	[tilespmem:$0x1FA70] =	vst v8;
	v5 =	vsel vm12, $0xFFFFFFFF, v56;
	v2 =	vsel vm12, v50, v2;
	v8 =	vsel vm9, $0xFFFFFFFF, v59  }
0x2af: {  	v3 =	vsel vm11, $0x23, v3;
	vm11 =	vnez.u8 v17;
	v2 =	vsel vm9, v1, v2  }
0x2b0: {  	v58 =	vld [tilespmem:s21+$0x3180];
	v1 =	vsel vm9, v50, v1;
	v3 =	vsel vm4, v4, v3;
	v4 =	vsel vm4, $0x23, v4  }
0x2b1: {  	vm4 =	vnez.u8 v11;
	vm9 =	vnez.u8 v14;
	vm10 =	vgt.f32 v54, v2  }
0x2b2: {  	[tilespmem:$0x1FA40] =	vst v7;
	vm12 =	vgt.f32 v54, v1;
	v3 =	vsel vm4, $0x24, v3;
	v7 =	vsel vm10, $0xFFFFFFFF, v60  }
0x2b3: {  	v62 =	vld [tilespmem:s21+$0x3200];
	[tilespmem:$0x1FA90] =	vst v8;
	v2 =	vsel vm10, v54, v2;
	v8 =	vsel vm12, $0xFFFFFFFF, v63;
	v3 =	vsel vm5, v4, v3  }
0x2b4: {  	v23 =	vld [tilespmem:$0x1F990];
	v4 =	vsel vm5, $0x24, v4;
	v2 =	vsel vm12, v1, v2;
	v3 =	vsel vm9, $0x25, v3  }
0x2b5: {  	v20 =	vld [tilespmem:$0x1F980];
	v1 =	vsel vm12, v54, v1;
	vm15 =	vgt.f32 v58, v2;
	v3 =	vsel vm6, v4, v3  }
0x2b6: {  	v12 =	vld [tilespmem:s21+$0x3280];
	[tilespmem:$0x1FA60] =	vst v6;
	v6 =	vsel vm15, $0xFFFFFFFF, v10;
	v2 =	vsel vm15, v58, v2;
	vm15 =	vgt.f32 v58, v1  }
0x2b7: {  	v27 =	vld [tilespmem:$0x1F9B0];
	v4 =	vsel vm6, $0x25, v4;
	v3 =	vsel vm11, $0x26, v3;
	v2 =	vsel vm15, v1, v2  }
0x2b8: {  	v1 =	vsel vm15, v58, v1;
	v3 =	vsel vm7, v4, v3;
	v4 =	vsel vm7, $0x26, v4  }
0x2b9: {  	v25 =	vld [tilespmem:$0x1F9A0];
	vm7 =	vnez.u8 v23;
	vm5 =	vgt.f32 v62, v2;
	vm12 =	vgt.f32 v62, v1  }
0x2ba: {  	v15 =	vld [tilespmem:s21+$0x3300];
	[tilespmem:$0x1FA80] =	vst v5;
	v5 =	vsel vm5, $0xFFFFFFFF, v13;
	v2 =	vsel vm5, v62, v2;
	vm5 =	vnez.u8 v20  }
0x2bb: {  	v2 =	vsel vm12, v1, v2;
	v1 =	vsel vm12, v62, v1;
	v3 =	vsel vm5, $0x27, v3  }
0x2bc: {  	v18 =	vld [tilespmem:s21+$0x3380];
	vm5 =	vnez.u8 v27;
	vm10 =	vgt.f32 v12, v2;
	vm11 =	vgt.f32 v12, v1  }
0x2bd: {  	v33 =	vld [tilespmem:$0x1F9E0];
	v3 =	vsel vm8, v4, v3;
	v4 =	vsel vm8, $0x27, v4;
	v2 =	vsel vm10, v12, v2  }
0x2be: {  	[tilespmem:$0x1FAA0] =	vst v7;
	vm8 =	vnez.u8 v25;
	v7 =	vsel vm10, $0xFFFFFFFF, v16;
	v2 =	vsel vm11, v1, v2  }
0x2bf: {  	v29 =	vld [tilespmem:$0x1F9C0];
	v3 =	vsel vm7, $0x28, v3;
	v1 =	vsel vm11, v12, v1;
	vm4 =	vgt.f32 v15, v2  }
0x2c0: {  	v21 =	vld [tilespmem:s21+$0x3800];
	v3 =	vsel vm8, v4, v3;
	vm10 =	vgt.f32 v15, v1;
	v2 =	vsel vm4, v15, v2  }
0x2c1: {  	v4 =	vsel vm8, $0x28, v4;
	v3 =	vsel vm5, $0x29, v3;
	v2 =	vsel vm10, v1, v2  }
0x2c2: {  	v31 =	vld [tilespmem:$0x1F9D0];
	vm5 =	vnez.u8 v33;
	v1 =	vsel vm10, v15, v1;
	vm6 =	vgt.f32 v18, v2  }
0x2c3: {  	v35 =	vld [tilespmem:$0x1F9F0];
	[tilespmem:$0x1FAC0] =	vst v6;
	v6 =	vsel vm4, $0xFFFFFFFF, v19;
	vm9 =	vgt.f32 v18, v1;
	v2 =	vsel vm6, v18, v2  }
0x2c4: {  	v24 =	vld [tilespmem:s21+$0x3880];
	[tilespmem:$0x1FAD0] =	vst v5;
	v5 =	vsel vm6, $0xFFFFFFFF, v22;
	vm6 =	vnez.u8 v29;
	v2 =	vsel vm9, v1, v2  }
0x2c5: {  	v1 =	vsel vm9, v18, v1;
	v3 =	vsel vm6, v4, v3;
	vm4 =	vgt.f32 v21, v2  }
0x2c6: {  	v37 =	vld [tilespmem:$0x1FA00];
	v4 =	vsel vm6, $0x29, v4;
	vm8 =	vgt.f32 v21, v1;
	v2 =	vsel vm4, v21, v2  }
0x2c7: {  	v39 =	vld [tilespmem:$0x1FA10];
	[tilespmem:$0x1FAE0] =	vst v7;
	v7 =	vsel vm4, $0xFFFFFFFF, v26;
	vm4 =	vnez.u8 v31;
	v2 =	vsel vm8, v1, v2  }
0x2c8: {  	v28 =	vld [tilespmem:s21+$0x3900];
	v1 =	vsel vm8, v21, v1;
	v3 =	vsel vm4, $0x2A, v3;
	vm4 =	vnez.u8 v35  }
0x2c9: {  	vm7 =	vgt.f32 v24, v2;
	v3 =	vsel vm5, v4, v3;
	v4 =	vsel vm5, $0x2A, v4  }
0x2ca: {  	[tilespmem:$0x1FAF0] =	vst v6;
	v6 =	vsel vm7, $0xFFFFFFFF, v30;
	v2 =	vsel vm7, v24, v2;
	vm7 =	vgt.f32 v24, v1  }
0x2cb: {  	v32 =	vld [tilespmem:s21+$0x3980];
	vm5 =	vnez.u8 v37;
	v3 =	vsel vm4, $0x2B, v3;
	v2 =	vsel vm7, v1, v2  }
0x2cc: {  	v3 =	vsel vm5, v4, v3;
	v4 =	vsel vm5, $0x2B, v4;
	vm5 =	vnez.u8 v39  }
0x2cd: {  	v42 =	vld [tilespmem:$0x1FA20];
	v1 =	vsel vm7, v24, v1;
	vm6 =	vgt.f32 v28, v2;
	v3 =	vsel vm5, $0x2C, v3  }
0x2ce: {  	v36 =	vld [tilespmem:s21+$0x3A00];
	[tilespmem:$0x1FB00] =	vst v5;
	v5 =	vsel vm6, $0xFFFFFFFF, v34;
	v2 =	vsel vm6, v28, v2;
	vm6 =	vgt.f32 v28, v1  }
0x2cf: {  	v41 =	vimm.s32 $0x0;
	v3 =	vsel vm13, v4, v3;
	v2 =	vsel vm6, v1, v2  }
0x2d0: {  	v45 =	vld [tilespmem:$0x1FA30];
	v4 =	vsel vm13, $0x2C, v4;
	v1 =	vsel vm6, v28, v1;
	vm4 =	vgt.f32 v32, v2  }
0x2d1: {  	v40 =	vld [tilespmem:s21+$0x3A80];
	[tilespmem:$0x1FB10] =	vst v7;
	vm5 =	vgt.f32 v32, v1;
	v7 =	vsel vm4, $0xFFFFFFFF, v38;
	v2 =	vsel vm4, v32, v2  }
0x2d2: {  	v47 =	vld [tilespmem:$0x1FA40];
	vm4 =	vnez.u8 v42;
	v2 =	vsel vm5, v1, v2;
	v1 =	vsel vm5, v32, v1  }
0x2d3: {  	v3 =	vsel vm4, $0x2D, v3;
	vm13 =	vgt.f32 v36, v2;
	vm4 =	vgt.f32 v36, v1  }
0x2d4: {  	v43 =	vld [tilespmem:s21+$0x3B00];
	v3 =	vsel vm2, v4, v3;
	v4 =	vsel vm2, $0x2D, v4;
	v2 =	vsel vm13, v36, v2  }
0x2d5: {  	v48 =	vld [tilespmem:$0x1FA50];
	[tilespmem:$0x1FB20] =	vst v6;
	v6 =	vsel vm13, $0xFFFFFFFF, v41;
	vm13 =	vnez.u8 v45;
	v2 =	vsel vm4, v1, v2  }
0x2d6: {  	v1 =	vsel vm4, v36, v1;
	v3 =	vsel vm13, $0x2E, v3;
	vm1 =	vgt.f32 v40, v2  }
0x2d7: {  	v46 =	vld [tilespmem:s21+$0x3B80];
	vm13 =	vnez.u8 v47;
	vm3 =	vgt.f32 v40, v1;
	v2 =	vsel vm1, v40, v2  }
0x2d8: {  	v3 =	vsel vm14, v4, v3;
	v4 =	vsel vm14, $0x2E, v4;
	v2 =	vsel vm3, v1, v2  }
0x2d9: {  	v3 =	vsel vm13, $0x2F, v3;
	v1 =	vsel vm3, v40, v1;
	vm14 =	vgt.f32 v43, v2  }
0x2da: {  	vm13 =	vnez.u8 v48;
	vm2 =	vgt.f32 v43, v1;
	v2 =	vsel vm14, v43, v2  }
0x2db: {  	v44 =	vimm.s32 $0x0;
	v3 =	vsel vm13, v4, v3;
	v2 =	vsel vm2, v1, v2  }
0x2dc: {  	v49 =	vld [tilespmem:$0x1FA60];
	v4 =	vsel vm13, $0x2F, v4;
	v1 =	vsel vm2, v43, v1;
	vm13 =	vgt.f32 v46, v2  }
0x2dd: {  	v50 =	vld [tilespmem:$0x1FA70];
	[tilespmem:$0x1FB30] =	vst v5;
	v5 =	vsel vm1, $0xFFFFFFFF, v44;
	vm1 =	vgt.f32 v46, v1;
	v2 =	vsel vm13, v46, v2  }
0x2de: {  	v51 =	vld [tilespmem:$0x1FA80];
	v2 =	vsel vm1, v1, v2;
	v1 =	vsel vm1, v46, v1  }
0x2df: {  	v1 =	vsub.f32 v2, v1;
	v2 =	vld [tilespmem:$0x1FA90]  }
0x2e0: {  	[tilespmem:$0x1FAB0] =	vst v8;
	v52 =	vld [tilespmem:$0x1FAA0]  }
0x2e1: {  	vm0 =	vnez.u8 v49;
	v53 =	vld [tilespmem:$0x1FAB0]  }
0x2e2: {  	v54 =	vld [tilespmem:$0x1FAC0];
	v3 =	vsel vm0, $0x30, v3;
	vm0 =	vnez.u8 v50  }
0x2e3: {  	v3 =	vsel vm0, v4, v3;
	v4 =	vsel vm0, $0x30, v4;
	vm0 =	vnez.u8 v51  }
0x2e4: {  	v3 =	vsel vm0, $0x31, v3;
	vm0 =	vnez.u8 v2  }
0x2e5: {  	v2 =	vsel vm0, v4, v3;
	v3 =	vsel vm0, $0x31, v4;
	vm0 =	vnez.u8 v52  }
0x2e6: {  	v1 =	vmul.f32 $1.442695020e+00, v1;
	v2 =	vsel vm0, $0x32, v2;
	vm0 =	vnez.u8 v53  }
0x2e7: {  	v2 =	vsel vm0, v3, v2;
	v3 =	vsel vm0, $0x32, v3;
	vm0 =	vnez.u8 v54  }
0x2e8: {  	v2 =	vsel vm0, $0x33, v2  }
0x2e9: {  	(erf) = vpow2.f32 v1;
	v1 =	vsel vm15, v3, v2;
	v2 =	vsel vm15, $0x33, v3;
	v3 =	vld [tilespmem:$0x1FAD0];
	_ =	sdelay $0x4  }
0x2ea: {  	vm15 =	vnez.u8 v3;
	v3 =	vld [tilespmem:$0x1FAE0];
	_ =	sdelay $0x4  }
0x2eb: {  	v1 =	vsel vm15, $0x34, v1;
	vm15 =	vnez.u8 v3;
	v3 =	vld [tilespmem:$0x1FAF0];
	_ =	sdelay $0x2  }
0x2ec: {  	v1 =	vsel vm12, v2, v1  }
0x2ed: {  	v2 =	vsel vm12, $0x34, v2;
	v1 =	vsel vm15, $0x35, v1  }
0x2ee: {  	v1 =	vsel vm11, v2, v1;
	v2 =	vsel vm11, $0x35, v2;
	vm11 =	vnez.u8 v3;
	v3 =	vld [tilespmem:$0x1FB00];
	_ =	sdelay $0x1  }
0x2ef: {  	v55 =	vld [tilespmem:$0x1FB10];
	_ =	sdelay $0x1  }
0x2f0: {  	v57 =	vld [tilespmem:$0x1FB20];
	v1 =	vsel vm11, $0x36, v1  }
0x2f1: {  	v1 =	vsel vm10, v2, v1;
	vm12 =	vnez.u8 v3  }
0x2f2: {  	v58 =	vld [tilespmem:$0x1FB30];
	v2 =	vsel vm10, $0x36, v2;
	v1 =	vsel vm12, $0x37, v1  }
0x2f3: {  	[tilespmem:$0x1FB40] =	vst v7;
	vm15 =	vnez.u8 v55;
	v3 =	vpop (erf);
	v1 =	vsel vm9, v2, v1  }
0x2f4: {  	v59 =	vld [tilespmem:$0x1FB40];
	v56 =	vadd.f32 $1.000000000e+00, v3;
	v2 =	vsel vm9, $0x37, v2;
	v1 =	vsel vm15, $0x38, v1  }
0x2f5: {  	[tilespmem:$0x1FB50] =	vst v6;
	vm9 =	vnez.u8 v57;
	v1 =	vsel vm8, v2, v1  }
0x2f6: {  	v60 =	vld [tilespmem:$0x1FB50];
	(erf) = vrcp.f32 v56;
	v2 =	vsel vm8, $0x38, v2;
	v1 =	vsel vm9, $0x39, v1  }
0x2f7: {  	[tilespmem:$0x1FB60] =	vst v5;
	vm10 =	vnez.u8 v58;
	v1 =	vsel vm7, v2, v1  }
0x2f8: {  	v61 =	vld [tilespmem:$0x1FB60];
	v2 =	vsel vm7, $0x39, v2;
	v1 =	vsel vm10, $0x3A, v1  }
0x2f9: {  	vm11 =	vnez.u8 v59;
	v1 =	vsel vm6, v2, v1  }
0x2fa: {  	v2 =	vsel vm6, $0x3A, v2;
	v1 =	vsel vm11, $0x3B, v1  }
0x2fb: {  	vm12 =	vnez.u8 v60;
	v1 =	vsel vm5, v2, v1  }
0x2fc: {  	v2 =	vsel vm5, $0x3B, v2;
	v1 =	vsel vm12, $0x3C, v1  }
0x2fd: {  	vm15 =	vnez.u8 v61;
	v1 =	vsel vm4, v2, v1  }
0x2fe: {  	v2 =	vsel vm4, $0x3C, v2;
	v1 =	vsel vm15, $0x3D, v1  }
0x2ff: {  	v62 =	vpop (erf);
	v1 =	vsel vm3, v2, v1  }
0x300: {  	s20 =	sadd.s32 $0x10, s20;
	v3 =	vmul.f32 v62, v3;
	v2 =	vsel vm3, $0x3D, v2;
	v1 =	vsel vm14, $0x3E, v1  }
0x301: {  	[tilespmem:s20+$0x0] =	vst v62;
	v1 =	vsel vm2, v2, v1;
	v2 =	vsel vm2, $0x3E, v2  }
0x302: {  	[tilespmem:s19+$0x0] =	vst v3;
	v1 =	vsel vm13, $0x3F, v1;
	v63 =	vsel vm1, $0x3F, v2  }
0x303: {  	v1 =	vsel vm1, v2, v1;
	[tilespmem:s17+$0x0] =	vst v63  }
0x304: {  	[tilespmem:s18+$0x0] =	vst v1  }
0x305: {  	[hbm4b:s4+s2] =	stream.linear.scatter [tilespmem:s12], [sflag:$0x1], $0x100, $0x38;
	[tilespmem:$0x4400] =	vst v63  }
0x306: {  	_ =	swait.ge [sflag:s11], $0x100  }
0x307: {  	[sflag:s11] =	ssyncset.done $0x0  }
0x308: {  	[sflag:s11] =	ssyncadd.s32 $0xFFFFFF00  }
0x309: {  	[hbm4b:s5+s2] =	stream.linear.scatter [tilespmem:s13], [sflag:$0x1], $0x100, $0x38;
	[tilespmem:$0x4400] =	vst v63  }
0x30a: {  	_ =	swait.ge [sflag:s11], $0x100  }
0x30b: {  	[sflag:s11] =	ssyncset.done $0x0  }
0x30c: {  	[sflag:s11] =	ssyncadd.s32 $0xFFFFFF00  }
0x30d: {  	[hbm4b:s6+s2] =	stream.linear.scatter [tilespmem:s14], [sflag:$0x1], $0x100, $0x38;
	[tilespmem:$0x4400] =	vst v63  }
0x30e: {  	s16 =	sadd.s32 $0x1, s16;
	_ =	swait.ge [sflag:s11], $0x100  }
0x30f: {  	p0 =	sne.s32 s16, s8;
	[sflag:s11] =	ssyncset.done $0x0  }
.Ltmp1:
0x310: {  	[sflag:s11] =	ssyncadd.s32 $0xFFFFFF00;
	(pc) =	sbr.rel @p0 .LBB2_1-.Ltmp1, $4  }
0x311: {  	[hbm4b:s7+s2] =	stream.linear.scatter [tilespmem:s15], [sflag:$0x1], $0x100, $0x38;
	[tilespmem:$0x4400] =	vst v63  }
0x312: {  	_ =	swait.ge [sflag:s11], $0x100  }
0x313: {  	[sflag:s11] =	ssyncset.done $0x0  }
0x314: {  	[sflag:s11] =	ssyncadd.s32 $0xFFFFFF00  }
0x315: {  	_ =	sfence.sel $0x180000  }
0x316: {  	[bflag:$0x0] =	sbarrier.arrive $0xFFFF  }
0x317: {  	p0 =	sne.s32 s1, $0x0;
	_ =	strace $0x90000047  }
0x318: {  	s0 =	sadd.s32 @!p0 $0x100000, s0;
	[bflag:$0x2] =	sbarrier.arrive $0xFFFF  }
0x319: {  	[sflag:s0] =	ssyncadd.tile.s32 @!p0 $0x1;
	_ =	shalt  }
.Lfunc_end2:
_tile_overlayer_lowered:
.L_overlay_start_2:
0x31a: {  	(tag) =	ssettag $0x2  }
0x31b: {  	s0 =	rddreg [dreg:$0x0];
	s2 =	stileid.u32  }
0x31c: {  	s1 =	rddreg [dreg:$0x1];
	p0 =	sne.s32 s2, $0x0  }
0x31d: {  	s3 =	rddreg [dreg:$0x2];
	[bflag:$0x3] =	sbarrier.arrive $0xFFFF;
	s2 =	simm.s32 @!p0 $0x1C01  }
0x31e: {  	[timem:s3], [sflag:s2] =	dma.local @!p0 [hbm:s0], s1  }
0x31f: {  	s0 =	simm.s32 @!p0 $0x1  }
0x320: {  	_ =	swait.ge @!p0 [sflag:s0], s1  }
0x321: {  	s1 =	ssub.s32 @!p0 $0x0, s1;
	[sflag:s0] =	ssyncset.done @!p0 $0x0  }
0x322: {  	[sflag:s0] =	ssyncadd.s32 @!p0 s1  }
0x323: {  	[bflag:$0x3] =	sbarrier.arrive $0xFFFF  }
0x324: {  	_ =	shalt  }

</sc_bundles>
